<compile_context>
chip_gen: v7x
topology: tpu7x:2x2x1
jax: 0.10.2.dev20260603
libtpu: 0.0.44.dev20260713+nightly
codegen_flags: <defaults>
</compile_context>

<pallas_src>
import functools

import jax
import jax.numpy as jnp
import numpy as np
from jax import lax
from jax.experimental import pallas as pl
from jax.experimental.pallas import tpu as pltpu
from jax.experimental.pallas import tpu_sc as plsc

B, N, G, M = 8, 8192, 512, 32
NC, NS, L = 2, 16, 16
WPB = 4
CHUNK = N // WPB
ROWS_PER_W = G // WPB
BPC = B // NC
ROW_OUT = 3 * M
UNR = 4
NVF = 8

F32_INF = np.float32(np.inf)
I32_MAX = np.int32(2**31 - 1)


def _bf16_round(x):
    u = plsc.bitcast(x, jnp.uint32)
    lsb = (u >> 16) & jnp.uint32(1)
    r = (u + jnp.uint32(0x7FFF) + lsb) & jnp.uint32(0xFFFF0000)
    return plsc.bitcast(r, jnp.float32)


def _lex_merge_max(bv, bi, rv, ri):
    better = (rv > bv) | ((rv == bv) & (ri < bi))
    return jnp.where(better, rv, bv), jnp.where(better, ri, bi)


def _sc_group_kernel(xyz_hbm, center_hbm, neigh_hbm,
                     xbuf, bxbuf, pnbuf, dbuf, cenbuf, candd, candi,
                     outbuf, winbuf, pub, mrg, sh):
    c = lax.axis_index("c")
    s = lax.axis_index("s")
    group = s // WPB
    chunk = s % WPB
    b = c * BPC + group

    lane = lax.broadcasted_iota(jnp.int32, (L,), 0)
    coord3 = jnp.minimum(lane, 2)

    pltpu.sync_copy(xyz_hbm.at[b], xbuf)

    def pn_body(i, _):
        for u in range(UNR):
            off = (i * UNR + u) * L
            x = xbuf[pl.ds(off, L)]
            y = xbuf[pl.ds(N + off, L)]
            z = xbuf[pl.ds(2 * N + off, L)]
            pnbuf[pl.ds(off, L)] = (x * x + y * y) + z * z
            s2 = np.float32(-2.0)
            bxbuf[pl.ds(off, L)] = s2 * _bf16_round(x)
            bxbuf[pl.ds(N + off, L)] = s2 * _bf16_round(y)
            bxbuf[pl.ds(2 * N + off, L)] = s2 * _bf16_round(z)
        return 0
    lax.fori_loop(0, N // (L * UNR), pn_body, 0)

    def dinit_body(i, _):
        for u in range(UNR):
            dbuf[pl.ds((i * UNR + u) * L, L)] = jnp.full((L,), 1e10,
                                                         jnp.float32)
        return 0
    lax.fori_loop(0, CHUNK // (L * UNR), dinit_body, 0)

    base = chunk * CHUNK

    def fps_step(t, cur):
        cx = plsc.load_gather(xbuf, [cur])
        cy = plsc.load_gather(xbuf, [cur + N])
        cz = plsc.load_gather(xbuf, [cur + 2 * N])
        cval = jnp.where(lane == 0, cx, jnp.where(lane == 1, cy, cz))
        plsc.store_scatter(cenbuf, [coord3 * G + t], cval, mask=lane < 3)

        def inner(i, carry):
            out = []
            for u in range(UNR):
                maxv, maxi = carry[2 * u], carry[2 * u + 1]
                off = base + (i * UNR + u) * L
                doff = (i * UNR + u) * L
                x = xbuf[pl.ds(off, L)]
                y = xbuf[pl.ds(N + off, L)]
                z = xbuf[pl.ds(2 * N + off, L)]
                dx = x - cx
                dy = y - cy
                dz = z - cz
                d = (dx * dx + dz * dz) + dy * dy
                dn = jnp.minimum(dbuf[pl.ds(doff, L)], d)
                dbuf[pl.ds(doff, L)] = dn
                upd = dn > maxv
                out.append(jnp.where(upd, dn, maxv))
                out.append(jnp.where(upd, lane + off, maxi))
            return tuple(out)

        init = []
        for _ in range(UNR):
            init.append(jnp.full((L,), -F32_INF))
            init.append(jnp.zeros((L,), jnp.int32))
        res = lax.fori_loop(0, CHUNK // (L * UNR), inner, tuple(init))
        maxv, maxi = res[0], res[1]
        for u in range(1, UNR):
            maxv, maxi = _lex_merge_max(maxv, maxi, res[2 * u],
                                        res[2 * u + 1])

        pub[pl.ds(0, L)] = plsc.bitcast(maxv, jnp.int32)
        pub[pl.ds(L, L)] = maxi
        bank = (t & 1) * (NS * 2 * L)
        pltpu.sync_copy(pub, sh.at[pl.ds(bank + s * (2 * L), 2 * L)])
        plsc.subcore_barrier()
        pltpu.sync_copy(
            sh.at[pl.ds(bank + group * (WPB * 2 * L), WPB * 2 * L)], mrg)

        bv = plsc.bitcast(mrg[pl.ds(0, L)], jnp.float32)
        bi = mrg[pl.ds(L, L)]
        for r in range(1, WPB):
            rv = plsc.bitcast(mrg[pl.ds(r * 2 * L, L)], jnp.float32)
            ri = mrg[pl.ds(r * 2 * L + L, L)]
            bv, bi = _lex_merge_max(bv, bi, rv, ri)
        gv = jnp.max(bv)
        gi = jnp.min(jnp.where(bv == gv, bi, I32_MAX))
        return jnp.full((L,), gi, jnp.int32)

    lax.fori_loop(0, G, fps_step, jnp.zeros((L,), jnp.int32))

    @pl.when(chunk == 0)
    def _():
        pltpu.sync_copy(cenbuf, center_hbm.at[b])

    row0 = chunk * ROWS_PER_W

    def row_body(r, _):
        gvec = jnp.full((L,), row0 + r, jnp.int32)
        cx = plsc.load_gather(cenbuf, [gvec])
        cy = plsc.load_gather(cenbuf, [gvec + G])
        cz = plsc.load_gather(cenbuf, [gvec + 2 * G])
        cn = (cx * cx + cy * cy) + cz * cz
        bcx = _bf16_round(cx)
        bcy = _bf16_round(cy)
        bcz = _bf16_round(cz)

        def p1(i, carry):
            out = []
            for u in range(UNR):
                m1, m2 = carry[2 * u], carry[2 * u + 1]
                off = (i * UNR + u) * L
                x = bxbuf[pl.ds(off, L)]
                y = bxbuf[pl.ds(N + off, L)]
                z = bxbuf[pl.ds(2 * N + off, L)]
                q0 = x * bcx
                q1 = y * bcy
                q2 = z * bcz
                s1 = q0 + q1
                t1 = s1 - q0
                e1 = (q0 - (s1 - t1)) + (q1 - t1)
                s2 = s1 + q2
                t2 = s2 - s1
                e2 = (s1 - (s2 - t2)) + (q2 - t2)
                dot2 = s2 + (e1 + e2)
                d = (dot2 + cn) + pnbuf[pl.ds(off, L)]
                dbuf[pl.ds(off, L)] = d
                out.append(jnp.minimum(m1, d))
                out.append(jnp.minimum(m2, jnp.maximum(m1, d)))
            return tuple(out)

        init = []
        for _ in range(UNR):
            init.append(jnp.full((L,), F32_INF))
            init.append(jnp.full((L,), F32_INF))
        res = lax.fori_loop(0, N // (L * UNR), p1, tuple(init))
        m1, m2 = res[0], res[1]
        for u in range(1, UNR):
            n1, n2 = res[2 * u], res[2 * u + 1]
            lo = jnp.minimum(m1, n1)
            hi = jnp.maximum(m1, n1)
            m2 = jnp.minimum(hi, jnp.minimum(m2, n2))
            m1 = lo
        tv = jnp.full((L,), jnp.max(m2))

        def p2(i, cnt):
            for u in range(UNR):
                off = (i * UNR + u) * L
                d = dbuf[pl.ds(off, L)]
                mask = d <= tv
                pos = lane + cnt * L
                plsc.store_scatter(candd, [pos], d, mask=mask)
                plsc.store_scatter(candi, [pos], lane + off, mask=mask)
                cnt = cnt + mask.astype(jnp.int32)
            return cnt

        cnt = lax.fori_loop(0, N // (L * UNR), p2,
                            jnp.zeros((L,), jnp.int32))
        nv = jnp.max(cnt)
        cmin = jnp.min(cnt)

        def padbody(v, _):
            vv = cmin + v
            maskpad = cnt <= jnp.full((L,), vv, jnp.int32)
            pos = lane + vv * L
            plsc.store_scatter(candd, [pos], jnp.full((L,), F32_INF),
                               mask=maskpad)
            plsc.store_scatter(candi, [pos], jnp.full((L,), I32_MAX),
                               mask=maskpad)
            return 0

        lax.fori_loop(0, jnp.maximum(nv, NVF) - cmin, padbody, 0)

        def extract_fast(_):
            regs = []
            for v in range(NVF):
                regs.append(candd[pl.ds(v * L, L)])
            for v in range(NVF):
                regs.append(candi[pl.ds(v * L, L)])

            def rnd(k, carry):
                dv = list(carry[:NVF])
                iv = list(carry[NVF:])
                bd, bi = dv[0], iv[0]
                for v in range(1, NVF):
                    better = (dv[v] < bd) | ((dv[v] == bd) & (iv[v] < bi))
                    bd = jnp.where(better, dv[v], bd)
                    bi = jnp.where(better, iv[v], bi)
                gd = jnp.min(bd)
                gi = jnp.min(jnp.where(bd == gd, bi, I32_MAX))
                plsc.store_scatter(winbuf, [jnp.full((L,), k, jnp.int32)],
                                   jnp.full((L,), gi, jnp.int32),
                                   mask=lane == 0)
                gib = jnp.full((L,), gi, jnp.int32)
                infv = jnp.full((L,), F32_INF)
                for v in range(NVF):
                    dv[v] = jnp.where(iv[v] == gib, infv, dv[v])
                return tuple(dv) + tuple(iv)

            lax.fori_loop(0, M, rnd, tuple(regs))
            return 0

        def extract_slow(_):
            def extract(k, carry):
                pd, pi = carry

                def scanv(v, sc):
                    bd, bi = sc
                    dv = candd[pl.ds(v * L, L)]
                    iv = candi[pl.ds(v * L, L)]
                    pdv = jnp.full((L,), pd)
                    piv = jnp.full((L,), pi, jnp.int32)
                    valid = (dv > pdv) | ((dv == pdv) & (iv > piv))
                    better = valid & ((dv < bd) | ((dv == bd) & (iv < bi)))
                    return (jnp.where(better, dv, bd),
                            jnp.where(better, iv, bi))

                bd, bi = lax.fori_loop(
                    0, nv, scanv,
                    (jnp.full((L,), F32_INF), jnp.full((L,), I32_MAX)))
                gd = jnp.min(bd)
                gi = jnp.min(jnp.where(bd == gd, bi, I32_MAX))
                plsc.store_scatter(winbuf, [jnp.full((L,), k, jnp.int32)],
                                   jnp.full((L,), gi, jnp.int32),
                                   mask=lane == 0)
                return (gd, gi)

            lax.fori_loop(0, M, extract, (-F32_INF, np.int32(-1)))
            return 0

        lax.cond(nv <= NVF, extract_fast, extract_slow, 0)

        for h in range(M // L):
            wi = winbuf[pl.ds(h * L, L)]
            px = plsc.load_gather(xbuf, [wi])
            py = plsc.load_gather(xbuf, [wi + N])
            pz = plsc.load_gather(xbuf, [wi + 2 * N])
            ob = r * ROW_OUT + h * L
            outbuf[pl.ds(ob, L)] = px - cx
            outbuf[pl.ds(ob + M, L)] = py - cy
            outbuf[pl.ds(ob + 2 * M, L)] = pz - cz
        return 0

    lax.fori_loop(0, ROWS_PER_W, row_body, 0)
    pltpu.sync_copy(outbuf,
                    neigh_hbm.at[b, pl.ds(row0 * ROW_OUT,
                                          ROWS_PER_W * ROW_OUT)])


@jax.jit
def kernel(xyz):
    xyz_t = jnp.transpose(xyz, (0, 2, 1)).reshape(B, 3 * N)

    mesh = plsc.VectorSubcoreMesh(core_axis_name="c", subcore_axis_name="s")
    run = functools.partial(
        pl.kernel,
        mesh=mesh,
        compiler_params=pltpu.CompilerParams(needs_layout_passes=False),
        out_type=[
            jax.ShapeDtypeStruct((B, 3 * G), jnp.float32),
            jax.ShapeDtypeStruct((B, G * ROW_OUT), jnp.float32),
        ],
        scratch_types=[
            pltpu.VMEM((3 * N,), jnp.float32),
            pltpu.VMEM((3 * N,), jnp.float32),
            pltpu.VMEM((N,), jnp.float32),
            pltpu.VMEM((N,), jnp.float32),
            pltpu.VMEM((3 * G,), jnp.float32),
            pltpu.VMEM((N + L,), jnp.float32),
            pltpu.VMEM((N + L,), jnp.int32),
            pltpu.VMEM((ROWS_PER_W * ROW_OUT,), jnp.float32),
            pltpu.VMEM((M,), jnp.int32),
            pltpu.VMEM((2 * L,), jnp.int32),
            pltpu.VMEM((WPB * 2 * L,), jnp.int32),
            pltpu.VMEM_SHARED((2 * NS * 2 * L,), jnp.int32),
        ],
    )(_sc_group_kernel)
    center_t, neigh_t = run(xyz_t)

    center = jnp.transpose(center_t.reshape(B, 3, G), (0, 2, 1))
    neighborhood = jnp.transpose(neigh_t.reshape(B, G, 3, M), (0, 1, 3, 2))
    return (neighborhood, center)

# --- scband reference (transcript-rebuilt; emitter-appended) ---
"""Pipeline reference for scband-group-54571854463377 (READ-ONLY COPY).

The authoritative reference and input builder live on the scoring server;
editing this copy changes nothing except your own understanding.
"""

import jax, jax.numpy as jnp
import numpy as np

NUM_GROUP = 512
GROUP_SIZE = 32


def square_distance(src, dst):
    dist = -2.0 * jnp.matmul(src, jnp.transpose(dst, (0, 2, 1)))
    dist = dist + jnp.sum(src ** 2, -1)[:, :, None]
    dist = dist + jnp.sum(dst ** 2, -1)[:, None, :]
    return dist


def fps_indices(xyz, npoint):
    # Farthest point sampling. Deterministic start at point 0 per batch
    # (torch version uses a random start index; indices are non-differentiable).
    B, N, _ = xyz.shape

    def body(i, carry):
        centroids, distance, farthest = carry
        centroids = centroids.at[:, i].set(farthest)
        centroid = jnp.take_along_axis(xyz, farthest[:, None, None], axis=1)  # [B,1,3]
        dist = jnp.sum((xyz - centroid) ** 2, -1)
        distance = jnp.minimum(distance, dist)
        farthest = jnp.argmax(distance, -1).astype(jnp.int32)
        return (centroids, distance, farthest)

    init = (jnp.zeros((B, npoint), dtype=jnp.int32),
            jnp.full((B, N), 1e10, dtype=xyz.dtype),
            jnp.zeros((B,), dtype=jnp.int32))
    centroids, _, _ = jax.lax.fori_loop(0, npoint, body, init)
    return centroids


def setup_inputs(seed: int = 0) -> dict:
    key = jax.random.key(seed)
    xyz = jax.random.normal(key, (8, 8192, 3), dtype=jnp.float32)
    return {"xyz": xyz}


def reference(xyz):
    B, N, _ = xyz.shape
    # FPS -> centers [B, G, 3]
    centroids = fps_indices(xyz, NUM_GROUP)
    center = jnp.take_along_axis(xyz, centroids[:, :, None], axis=1)  # [B,G,3]
    # kNN: top group_size smallest distances
    sqrdists = square_distance(center, xyz)  # [B,G,N]
    _, idx = jax.lax.top_k(-sqrdists, GROUP_SIZE)  # [B,G,M]
    idx_base = jnp.arange(B, dtype=idx.dtype)[:, None, None] * N
    idx_flat = (idx + idx_base).reshape(-1)
    neighborhood = xyz.reshape(B * N, 3)[idx_flat, :]
    neighborhood = neighborhood.reshape(B, NUM_GROUP, GROUP_SIZE, 3)
    neighborhood = neighborhood - center[:, :, None, :]
    return (neighborhood, center)

if __name__ == "__main__":
    import jax
    _d = setup_inputs()
    print(jax.jit(kernel)(*tuple(_d.values())))

</pallas_src>

<mosaic_0001>
#map = affine_map<(d0, d1) -> (0, 0)>
module attributes {stable_mosaic.version = 14 : i64} {
  func.func @_sc_group_kernel(%arg0: i32, %arg1: i32, %arg2: memref<8x24576xf32, #tpu.memory_space<hbm>>, %arg3: memref<8x1536xf32, #tpu.memory_space<hbm>>, %arg4: memref<8x49152xf32, #tpu.memory_space<hbm>>, %arg5: memref<24576xf32, #tpu.memory_space<vmem>>, %arg6: memref<24576xf32, #tpu.memory_space<vmem>>, %arg7: memref<8192xf32, #tpu.memory_space<vmem>>, %arg8: memref<8192xf32, #tpu.memory_space<vmem>>, %arg9: memref<1536xf32, #tpu.memory_space<vmem>>, %arg10: memref<8208xf32, #tpu.memory_space<vmem>>, %arg11: memref<8208xi32, #tpu.memory_space<vmem>>, %arg12: memref<12288xf32, #tpu.memory_space<vmem>>, %arg13: memref<32xi32, #tpu.memory_space<vmem>>, %arg14: memref<32xi32, #tpu.memory_space<vmem>>, %arg15: memref<128xi32, #tpu.memory_space<vmem>>, %arg16: memref<1024xi32, #tpu.memory_space<vmem_shared>>) attributes {dimension_semantics = [#tpu.dimension_semantics<core_parallel>, #tpu.dimension_semantics<subcore_parallel>], iteration_bounds = array<i64: 2, 16>, scalar_prefetch = 0 : i64, scratch_operands = 12 : i64, tpu.core_type = #tpu.core_type<sc_vector_subcore>, window_params = [{transform_indices = #map}, {transform_indices = #map}, {transform_indices = #map}]} {
    %jit3A = arith.constant 4 : i32
    %div3A = arith.divsi %arg1, %jit3A : i32
    %sign3A = arith.constant 0 : i32
    %sign3A_0 = arith.cmpi sgt, %arg1, %sign3A : i32
    %sign3A_1 = arith.extui %sign3A_0 : i1 to i32
    %sign3A_2 = arith.constant 0 : i32
    %sign3A_3 = arith.cmpi slt, %arg1, %sign3A_2 : i32
    %sign3A_4 = arith.extui %sign3A_3 : i1 to i32
    %sign3A_5 = arith.subi %sign3A_1, %sign3A_4 : i32
    %sign3A_6 = arith.constant 0 : i32
    %sign3A_7 = arith.cmpi sgt, %jit3A, %sign3A_6 : i32
    %sign3A_8 = arith.extui %sign3A_7 : i1 to i32
    %sign3A_9 = arith.constant 0 : i32
    %sign3A_10 = arith.cmpi slt, %jit3A, %sign3A_9 : i32
    %sign3A_11 = arith.extui %sign3A_10 : i1 to i32
    %sign3A_12 = arith.subi %sign3A_8, %sign3A_11 : i32
    %ne3A = arith.cmpi ne, %sign3A_5, %sign3A_12 : i32
    %rem3A = arith.remsi %arg1, %jit3A : i32
    %ne3A_13 = arith.constant 0 : i32
    %ne3A_14 = arith.cmpi ne, %rem3A, %ne3A_13 : i32
    %and3A = arith.andi %ne3A, %ne3A_14 : i1
    %sub3A = arith.constant 1 : i32
    %sub3A_15 = arith.subi %div3A, %sub3A : i32
    %select_n3A = arith.select %and3A, %sub3A_15, %div3A : i32
    %jit3A_16 = arith.constant 4 : i32
    %eq3A = arith.constant 0 : i32
    %eq3A_17 = arith.cmpi eq, %jit3A_16, %eq3A : i32
    %jit3A_18 = arith.constant 1 : i32
    %select_n3A_19 = arith.select %eq3A_17, %jit3A_18, %jit3A_16 : i32
    %rem3A_20 = arith.remsi %arg1, %select_n3A_19 : i32
    %ne3A_21 = arith.constant 0 : i32
    %ne3A_22 = arith.cmpi ne, %rem3A_20, %ne3A_21 : i32
    %lt3A = arith.constant 0 : i32
    %lt3A_23 = arith.cmpi slt, %rem3A_20, %lt3A : i32
    %lt3A_24 = arith.constant 0 : i32
    %lt3A_25 = arith.cmpi slt, %select_n3A_19, %lt3A_24 : i32
    %ne3A_26 = arith.xori %lt3A_23, %lt3A_25 : i1
    %and3A_27 = arith.andi %ne3A_26, %ne3A_22 : i1
    %add3A = arith.addi %rem3A_20, %select_n3A_19 : i32
    %select_n3A_28 = arith.select %and3A_27, %add3A, %rem3A_20 : i32
    %mul3A = arith.constant 4 : i32
    %mul3A_29 = arith.muli %arg0, %mul3A : i32
    %add3A_30 = arith.addi %mul3A_29, %select_n3A : i32
    %iota3A = tpu.iota {dimensions = array<i32: 0>} : vector<16xi32>
    %min3A = arith.constant 2 : i32
    %min3A_31 = vector.broadcast %min3A : i32 to vector<16xi32>
    %min3A_32 = arith.minsi %iota3A, %min3A_31 : vector<16xi32>
    "tpu.region"() ({
      %run_scoped3A = tpu.sem_alloc : memref<!tpu.dma_semaphore, #tpu.memory_space<semaphore_mem>>
      %dma_start3A = arith.constant 0 : i32
      %dma_start3A_69 = tpu.memref_slice %arg2[%add3A_30, %dma_start3A] : memref<8x24576xf32, #tpu.memory_space<hbm>> -> memref<1x24576xf32, #tpu.memory_space<hbm>>
      %dma_start3A_70 = tpu.memref_squeeze %dma_start3A_69 : memref<1x24576xf32, #tpu.memory_space<hbm>> -> memref<24576xf32, #tpu.memory_space<hbm>>
      %dma_start3A_71 = arith.constant 0 : i32
      %dma_start3A_72 = tpu.memref_slice %arg2[%add3A_30, %dma_start3A_71] : memref<8x24576xf32, #tpu.memory_space<hbm>> -> memref<1x24576xf32, #tpu.memory_space<hbm>>
      %dma_start3A_73 = tpu.memref_squeeze %dma_start3A_72 : memref<1x24576xf32, #tpu.memory_space<hbm>> -> memref<24576xf32, #tpu.memory_space<hbm>>
      tpu.enqueue_dma source(%dma_start3A_73 : memref<24576xf32, #tpu.memory_space<hbm>>) target(%arg5 : memref<24576xf32, #tpu.memory_space<vmem>>) target_semaphore(%run_scoped3A : memref<!tpu.dma_semaphore, #tpu.memory_space<semaphore_mem>>)
      %dma_wait3A = arith.constant 0 : i32
      %dma_wait3A_74 = tpu.memref_slice %arg2[%add3A_30, %dma_wait3A] : memref<8x24576xf32, #tpu.memory_space<hbm>> -> memref<1x24576xf32, #tpu.memory_space<hbm>>
      %dma_wait3A_75 = tpu.memref_squeeze %dma_wait3A_74 : memref<1x24576xf32, #tpu.memory_space<hbm>> -> memref<24576xf32, #tpu.memory_space<hbm>>
      %dma_wait3A_76 = arith.constant 0 : i32
      %dma_wait3A_77 = tpu.memref_slice %arg2[%add3A_30, %dma_wait3A_76] : memref<8x24576xf32, #tpu.memory_space<hbm>> -> memref<1x24576xf32, #tpu.memory_space<hbm>>
      %dma_wait3A_78 = tpu.memref_squeeze %dma_wait3A_77 : memref<1x24576xf32, #tpu.memory_space<hbm>> -> memref<24576xf32, #tpu.memory_space<hbm>>
      tpu.wait_dma2 semaphore(%run_scoped3A : memref<!tpu.dma_semaphore, #tpu.memory_space<semaphore_mem>>) src(%dma_wait3A_78 : memref<24576xf32, #tpu.memory_space<hbm>>) dst(%arg5 : memref<24576xf32, #tpu.memory_space<vmem>>)
      tpu.yield
    }) : () -> ()
    %scan3A = arith.constant 0 : i32
    %scan3A_33 = arith.constant 0 : i32
    %scan3A_34 = arith.constant 128 : i32
    %scan3A_35 = arith.addi %scan3A_33, %scan3A_34 : i32
    %scan3A_36 = arith.constant 1 : i32
    %scan3A_37 = scf.for %scan3A_69 = %scan3A_33 to %scan3A_35 step %scan3A_36 iter_args(%scan3A_70 = %scan3A) -> (i32)  : i32 {
      %mul3A_71 = arith.constant 4 : i32
      %mul3A_72 = arith.muli %scan3A_69, %mul3A_71 : i32
      %add3A_73 = arith.constant 0 : i32
      %add3A_74 = arith.addi %mul3A_72, %add3A_73 : i32
      %mul3A_75 = arith.constant 16 : i32
      %mul3A_76 = arith.muli %add3A_74, %mul3A_75 : i32
      %get3A = arith.index_cast %mul3A_76 : i32 to index
      %get3A_77 = tpu.vector_load %arg5[%get3A] {strides = array<i32>} : memref<24576xf32, #tpu.memory_space<vmem>>, vector<16xf32>,
      %add3A_78 = arith.constant 8192 : i32
      %add3A_79 = arith.addi %add3A_78, %mul3A_76 : i32
      %get3A_80 = arith.index_cast %add3A_79 : i32 to index
      %get3A_81 = tpu.vector_load %arg5[%get3A_80] {strides = array<i32>} : memref<24576xf32, #tpu.memory_space<vmem>>, vector<16xf32>,
      %add3A_82 = arith.constant 16384 : i32
      %add3A_83 = arith.addi %add3A_82, %mul3A_76 : i32
      %get3A_84 = arith.index_cast %add3A_83 : i32 to index
      %get3A_85 = tpu.vector_load %arg5[%get3A_84] {strides = array<i32>} : memref<24576xf32, #tpu.memory_space<vmem>>, vector<16xf32>,
      %mul3A_86 = arith.mulf %get3A_77, %get3A_77 : vector<16xf32>
      %mul3A_87 = arith.mulf %get3A_81, %get3A_81 : vector<16xf32>
      %add3A_88 = arith.addf %mul3A_86, %mul3A_87 : vector<16xf32>
      %mul3A_89 = arith.mulf %get3A_85, %get3A_85 : vector<16xf32>
      %add3A_90 = arith.addf %add3A_88, %mul3A_89 : vector<16xf32>
      %swap3A = arith.index_cast %mul3A_76 : i32 to index
      %swap3A_91 = tpu.vector_load %arg7[%swap3A] {strides = array<i32>} : memref<8192xf32, #tpu.memory_space<vmem>>, vector<16xf32>,
      tpu.vector_store %arg7[%swap3A], %add3A_90 {strides = array<i32>} : memref<8192xf32, #tpu.memory_space<vmem>>, vector<16xf32>,
      %bitcast3A = vector.bitcast %get3A_77 : vector<16xf32> to vector<16xi32>
      %shift_right_logical3A = arith.constant 16 : i32
      %shift_right_logical3A_92 = vector.broadcast %shift_right_logical3A : i32 to vector<16xi32>
      %shift_right_logical3A_93 = arith.shrui %bitcast3A, %shift_right_logical3A_92 : vector<16xi32>
      %and3A_94 = arith.constant 1 : i32
      %and3A_95 = vector.broadcast %and3A_94 : i32 to vector<16xi32>
      %and3A_96 = arith.andi %shift_right_logical3A_93, %and3A_95 : vector<16xi32>
      %add3A_97 = arith.constant 32767 : i32
      %add3A_98 = vector.broadcast %add3A_97 : i32 to vector<16xi32>
      %add3A_99 = arith.addi %bitcast3A, %add3A_98 : vector<16xi32>
      %add3A_100 = arith.addi %add3A_99, %and3A_96 : vector<16xi32>
      %and3A_101 = arith.constant -65536 : i32
      %and3A_102 = vector.broadcast %and3A_101 : i32 to vector<16xi32>
      %and3A_103 = arith.andi %add3A_100, %and3A_102 : vector<16xi32>
      %bitcast3A_104 = vector.bitcast %and3A_103 : vector<16xi32> to vector<16xf32>
      %mul3A_105 = arith.constant -2.000000e+00 : f32
      %mul3A_106 = vector.broadcast %mul3A_105 : f32 to vector<16xf32>
      %mul3A_107 = arith.mulf %mul3A_106, %bitcast3A_104 : vector<16xf32>
      %swap3A_108 = arith.index_cast %mul3A_76 : i32 to index
      %swap3A_109 = tpu.vector_load %arg6[%swap3A_108] {strides = array<i32>} : memref<24576xf32, #tpu.memory_space<vmem>>, vector<16xf32>,
      tpu.vector_store %arg6[%swap3A_108], %mul3A_107 {strides = array<i32>} : memref<24576xf32, #tpu.memory_space<vmem>>, vector<16xf32>,
      %bitcast3A_110 = vector.bitcast %get3A_81 : vector<16xf32> to vector<16xi32>
      %shift_right_logical3A_111 = arith.constant 16 : i32
      %shift_right_logical3A_112 = vector.broadcast %shift_right_logical3A_111 : i32 to vector<16xi32>
      %shift_right_logical3A_113 = arith.shrui %bitcast3A_110, %shift_right_logical3A_112 : vector<16xi32>
      %and3A_114 = arith.constant 1 : i32
      %and3A_115 = vector.broadcast %and3A_114 : i32 to vector<16xi32>
      %and3A_116 = arith.andi %shift_right_logical3A_113, %and3A_115 : vector<16xi32>
      %add3A_117 = arith.constant 32767 : i32
      %add3A_118 = vector.broadcast %add3A_117 : i32 to vector<16xi32>
      %add3A_119 = arith.addi %bitcast3A_110, %add3A_118 : vector<16xi32>
      %add3A_120 = arith.addi %add3A_119, %and3A_116 : vector<16xi32>
      %and3A_121 = arith.constant -65536 : i32
      %and3A_122 = vector.broadcast %and3A_121 : i32 to vector<16xi32>
      %and3A_123 = arith.andi %add3A_120, %and3A_122 : vector<16xi32>
      %bitcast3A_124 = vector.bitcast %and3A_123 : vector<16xi32> to vector<16xf32>
      %mul3A_125 = arith.constant -2.000000e+00 : f32
      %mul3A_126 = vector.broadcast %mul3A_125 : f32 to vector<16xf32>
      %mul3A_127 = arith.mulf %mul3A_126, %bitcast3A_124 : vector<16xf32>
      %add3A_128 = arith.constant 8192 : i32
      %add3A_129 = arith.addi %add3A_128, %mul3A_76 : i32
      %swap3A_130 = arith.index_cast %add3A_129 : i32 to index
      %swap3A_131 = tpu.vector_load %arg6[%swap3A_130] {strides = array<i32>} : memref<24576xf32, #tpu.memory_space<vmem>>, vector<16xf32>,
      tpu.vector_store %arg6[%swap3A_130], %mul3A_127 {strides = array<i32>} : memref<24576xf32, #tpu.memory_space<vmem>>, vector<16xf32>,
      %bitcast3A_132 = vector.bitcast %get3A_85 : vector<16xf32> to vector<16xi32>
      %shift_right_logical3A_133 = arith.constant 16 : i32
      %shift_right_logical3A_134 = vector.broadcast %shift_right_logical3A_133 : i32 to vector<16xi32>
      %shift_right_logical3A_135 = arith.shrui %bitcast3A_132, %shift_right_logical3A_134 : vector<16xi32>
      %and3A_136 = arith.constant 1 : i32
      %and3A_137 = vector.broadcast %and3A_136 : i32 to vector<16xi32>
      %and3A_138 = arith.andi %shift_right_logical3A_135, %and3A_137 : vector<16xi32>
      %add3A_139 = arith.constant 32767 : i32
      %add3A_140 = vector.broadcast %add3A_139 : i32 to vector<16xi32>
      %add3A_141 = arith.addi %bitcast3A_132, %add3A_140 : vector<16xi32>
      %add3A_142 = arith.addi %add3A_141, %and3A_138 : vector<16xi32>
      %and3A_143 = arith.constant -65536 : i32
      %and3A_144 = vector.broadcast %and3A_143 : i32 to vector<16xi32>
      %and3A_145 = arith.andi %add3A_142, %and3A_144 : vector<16xi32>
      %bitcast3A_146 = vector.bitcast %and3A_145 : vector<16xi32> to vector<16xf32>
      %mul3A_147 = arith.constant -2.000000e+00 : f32
      %mul3A_148 = vector.broadcast %mul3A_147 : f32 to vector<16xf32>
      %mul3A_149 = arith.mulf %mul3A_148, %bitcast3A_146 : vector<16xf32>
      %add3A_150 = arith.constant 16384 : i32
      %add3A_151 = arith.addi %add3A_150, %mul3A_76 : i32
      %swap3A_152 = arith.index_cast %add3A_151 : i32 to index
      %swap3A_153 = tpu.vector_load %arg6[%swap3A_152] {strides = array<i32>} : memref<24576xf32, #tpu.memory_space<vmem>>, vector<16xf32>,
      tpu.vector_store %arg6[%swap3A_152], %mul3A_149 {strides = array<i32>} : memref<24576xf32, #tpu.memory_space<vmem>>, vector<16xf32>,
      %mul3A_154 = arith.constant 4 : i32
      %mul3A_155 = arith.muli %scan3A_69, %mul3A_154 : i32
      %add3A_156 = arith.constant 1 : i32
      %add3A_157 = arith.addi %mul3A_155, %add3A_156 : i32
      %mul3A_158 = arith.constant 16 : i32
      %mul3A_159 = arith.muli %add3A_157, %mul3A_158 : i32
      %get3A_160 = arith.index_cast %mul3A_159 : i32 to index
      %get3A_161 = tpu.vector_load %arg5[%get3A_160] {strides = array<i32>} : memref<24576xf32, #tpu.memory_space<vmem>>, vector<16xf32>,
      %add3A_162 = arith.constant 8192 : i32
      %add3A_163 = arith.addi %add3A_162, %mul3A_159 : i32
      %get3A_164 = arith.index_cast %add3A_163 : i32 to index
      %get3A_165 = tpu.vector_load %arg5[%get3A_164] {strides = array<i32>} : memref<24576xf32, #tpu.memory_space<vmem>>, vector<16xf32>,
      %add3A_166 = arith.constant 16384 : i32
      %add3A_167 = arith.addi %add3A_166, %mul3A_159 : i32
      %get3A_168 = arith.index_cast %add3A_167 : i32 to index
      %get3A_169 = tpu.vector_load %arg5[%get3A_168] {strides = array<i32>} : memref<24576xf32, #tpu.memory_space<vmem>>, vector<16xf32>,
      %mul3A_170 = arith.mulf %get3A_161, %get3A_161 : vector<16xf32>
      %mul3A_171 = arith.mulf %get3A_165, %get3A_165 : vector<16xf32>
      %add3A_172 = arith.addf %mul3A_170, %mul3A_171 : vector<16xf32>
      %mul3A_173 = arith.mulf %get3A_169, %get3A_169 : vector<16xf32>
      %add3A_174 = arith.addf %add3A_172, %mul3A_173 : vector<16xf32>
      %swap3A_175 = arith.index_cast %mul3A_159 : i32 to index
      %swap3A_176 = tpu.vector_load %arg7[%swap3A_175] {strides = array<i32>} : memref<8192xf32, #tpu.memory_space<vmem>>, vector<16xf32>,
      tpu.vector_store %arg7[%swap3A_175], %add3A_174 {strides = array<i32>} : memref<8192xf32, #tpu.memory_space<vmem>>, vector<16xf32>,
      %bitcast3A_177 = vector.bitcast %get3A_161 : vector<16xf32> to vector<16xi32>
      %shift_right_logical3A_178 = arith.constant 16 : i32
      %shift_right_logical3A_179 = vector.broadcast %shift_right_logical3A_178 : i32 to vector<16xi32>
      %shift_right_logical3A_180 = arith.shrui %bitcast3A_177, %shift_right_logical3A_179 : vector<16xi32>
      %and3A_181 = arith.constant 1 : i32
      %and3A_182 = vector.broadcast %and3A_181 : i32 to vector<16xi32>
      %and3A_183 = arith.andi %shift_right_logical3A_180, %and3A_182 : vector<16xi32>
      %add3A_184 = arith.constant 32767 : i32
      %add3A_185 = vector.broadcast %add3A_184 : i32 to vector<16xi32>
      %add3A_186 = arith.addi %bitcast3A_177, %add3A_185 : vector<16xi32>
      %add3A_187 = arith.addi %add3A_186, %and3A_183 : vector<16xi32>
      %and3A_188 = arith.constant -65536 : i32
      %and3A_189 = vector.broadcast %and3A_188 : i32 to vector<16xi32>
      %and3A_190 = arith.andi %add3A_187, %and3A_189 : vector<16xi32>
      %bitcast3A_191 = vector.bitcast %and3A_190 : vector<16xi32> to vector<16xf32>
      %mul3A_192 = arith.constant -2.000000e+00 : f32
      %mul3A_193 = vector.broadcast %mul3A_192 : f32 to vector<16xf32>
      %mul3A_194 = arith.mulf %mul3A_193, %bitcast3A_191 : vector<16xf32>
      %swap3A_195 = arith.index_cast %mul3A_159 : i32 to index
      %swap3A_196 = tpu.vector_load %arg6[%swap3A_195] {strides = array<i32>} : memref<24576xf32, #tpu.memory_space<vmem>>, vector<16xf32>,
      tpu.vector_store %arg6[%swap3A_195], %mul3A_194 {strides = array<i32>} : memref<24576xf32, #tpu.memory_space<vmem>>, vector<16xf32>,
      %bitcast3A_197 = vector.bitcast %get3A_165 : vector<16xf32> to vector<16xi32>
      %shift_right_logical3A_198 = arith.constant 16 : i32
      %shift_right_logical3A_199 = vector.broadcast %shift_right_logical3A_198 : i32 to vector<16xi32>
      %shift_right_logical3A_200 = arith.shrui %bitcast3A_197, %shift_right_logical3A_199 : vector<16xi32>
      %and3A_201 = arith.constant 1 : i32
      %and3A_202 = vector.broadcast %and3A_201 : i32 to vector<16xi32>
      %and3A_203 = arith.andi %shift_right_logical3A_200, %and3A_202 : vector<16xi32>
      %add3A_204 = arith.constant 32767 : i32
      %add3A_205 = vector.broadcast %add3A_204 : i32 to vector<16xi32>
      %add3A_206 = arith.addi %bitcast3A_197, %add3A_205 : vector<16xi32>
      %add3A_207 = arith.addi %add3A_206, %and3A_203 : vector<16xi32>
      %and3A_208 = arith.constant -65536 : i32
      %and3A_209 = vector.broadcast %and3A_208 : i32 to vector<16xi32>
      %and3A_210 = arith.andi %add3A_207, %and3A_209 : vector<16xi32>
      %bitcast3A_211 = vector.bitcast %and3A_210 : vector<16xi32> to vector<16xf32>
      %mul3A_212 = arith.constant -2.000000e+00 : f32
      %mul3A_213 = vector.broadcast %mul3A_212 : f32 to vector<16xf32>
      %mul3A_214 = arith.mulf %mul3A_213, %bitcast3A_211 : vector<16xf32>
      %add3A_215 = arith.constant 8192 : i32
      %add3A_216 = arith.addi %add3A_215, %mul3A_159 : i32
      %swap3A_217 = arith.index_cast %add3A_216 : i32 to index
      %swap3A_218 = tpu.vector_load %arg6[%swap3A_217] {strides = array<i32>} : memref<24576xf32, #tpu.memory_space<vmem>>, vector<16xf32>,
      tpu.vector_store %arg6[%swap3A_217], %mul3A_214 {strides = array<i32>} : memref<24576xf32, #tpu.memory_space<vmem>>, vector<16xf32>,
      %bitcast3A_219 = vector.bitcast %get3A_169 : vector<16xf32> to vector<16xi32>
      %shift_right_logical3A_220 = arith.constant 16 : i32
      %shift_right_logical3A_221 = vector.broadcast %shift_right_logical3A_220 : i32 to vector<16xi32>
      %shift_right_logical3A_222 = arith.shrui %bitcast3A_219, %shift_right_logical3A_221 : vector<16xi32>
      %and3A_223 = arith.constant 1 : i32
      %and3A_224 = vector.broadcast %and3A_223 : i32 to vector<16xi32>
      %and3A_225 = arith.andi %shift_right_logical3A_222, %and3A_224 : vector<16xi32>
      %add3A_226 = arith.constant 32767 : i32
      %add3A_227 = vector.broadcast %add3A_226 : i32 to vector<16xi32>
      %add3A_228 = arith.addi %bitcast3A_219, %add3A_227 : vector<16xi32>
      %add3A_229 = arith.addi %add3A_228, %and3A_225 : vector<16xi32>
      %and3A_230 = arith.constant -65536 : i32
      %and3A_231 = vector.broadcast %and3A_230 : i32 to vector<16xi32>
      %and3A_232 = arith.andi %add3A_229, %and3A_231 : vector<16xi32>
      %bitcast3A_233 = vector.bitcast %and3A_232 : vector<16xi32> to vector<16xf32>
      %mul3A_234 = arith.constant -2.000000e+00 : f32
      %mul3A_235 = vector.broadcast %mul3A_234 : f32 to vector<16xf32>
      %mul3A_236 = arith.mulf %mul3A_235, %bitcast3A_233 : vector<16xf32>
      %add3A_237 = arith.constant 16384 : i32
      %add3A_238 = arith.addi %add3A_237, %mul3A_159 : i32
      %swap3A_239 = arith.index_cast %add3A_238 : i32 to index
      %swap3A_240 = tpu.vector_load %arg6[%swap3A_239] {strides = array<i32>} : memref<24576xf32, #tpu.memory_space<vmem>>, vector<16xf32>,
      tpu.vector_store %arg6[%swap3A_239], %mul3A_236 {strides = array<i32>} : memref<24576xf32, #tpu.memory_space<vmem>>, vector<16xf32>,
      %mul3A_241 = arith.constant 4 : i32
      %mul3A_242 = arith.muli %scan3A_69, %mul3A_241 : i32
      %add3A_243 = arith.constant 2 : i32
      %add3A_244 = arith.addi %mul3A_242, %add3A_243 : i32
      %mul3A_245 = arith.constant 16 : i32
      %mul3A_246 = arith.muli %add3A_244, %mul3A_245 : i32
      %get3A_247 = arith.index_cast %mul3A_246 : i32 to index
      %get3A_248 = tpu.vector_load %arg5[%get3A_247] {strides = array<i32>} : memref<24576xf32, #tpu.memory_space<vmem>>, vector<16xf32>,
      %add3A_249 = arith.constant 8192 : i32
      %add3A_250 = arith.addi %add3A_249, %mul3A_246 : i32
      %get3A_251 = arith.index_cast %add3A_250 : i32 to index
      %get3A_252 = tpu.vector_load %arg5[%get3A_251] {strides = array<i32>} : memref<24576xf32, #tpu.memory_space<vmem>>, vector<16xf32>,
      %add3A_253 = arith.constant 16384 : i32
      %add3A_254 = arith.addi %add3A_253, %mul3A_246 : i32
      %get3A_255 = arith.index_cast %add3A_254 : i32 to index
      %get3A_256 = tpu.vector_load %arg5[%get3A_255] {strides = array<i32>} : memref<24576xf32, #tpu.memory_space<vmem>>, vector<16xf32>,
      %mul3A_257 = arith.mulf %get3A_248, %get3A_248 : vector<16xf32>
      %mul3A_258 = arith.mulf %get3A_252, %get3A_252 : vector<16xf32>
      %add3A_259 = arith.addf %mul3A_257, %mul3A_258 : vector<16xf32>
      %mul3A_260 = arith.mulf %get3A_256, %get3A_256 : vector<16xf32>
      %add3A_261 = arith.addf %add3A_259, %mul3A_260 : vector<16xf32>
      %swap3A_262 = arith.index_cast %mul3A_246 : i32 to index
      %swap3A_263 = tpu.vector_load %arg7[%swap3A_262] {strides = array<i32>} : memref<8192xf32, #tpu.memory_space<vmem>>, vector<16xf32>,
      tpu.vector_store %arg7[%swap3A_262], %add3A_261 {strides = array<i32>} : memref<8192xf32, #tpu.memory_space<vmem>>, vector<16xf32>,
      %bitcast3A_264 = vector.bitcast %get3A_248 : vector<16xf32> to vector<16xi32>
      %shift_right_logical3A_265 = arith.constant 16 : i32
      %shift_right_logical3A_266 = vector.broadcast %shift_right_logical3A_265 : i32 to vector<16xi32>
      %shift_right_logical3A_267 = arith.shrui %bitcast3A_264, %shift_right_logical3A_266 : vector<16xi32>
      %and3A_268 = arith.constant 1 : i32
      %and3A_269 = vector.broadcast %and3A_268 : i32 to vector<16xi32>
      %and3A_270 = arith.andi %shift_right_logical3A_267, %and3A_269 : vector<16xi32>
      %add3A_271 = arith.constant 32767 : i32
      %add3A_272 = vector.broadcast %add3A_271 : i32 to vector<16xi32>
      %add3A_273 = arith.addi %bitcast3A_264, %add3A_272 : vector<16xi32>
      %add3A_274 = arith.addi %add3A_273, %and3A_270 : vector<16xi32>
      %and3A_275 = arith.constant -65536 : i32
      %and3A_276 = vector.broadcast %and3A_275 : i32 to vector<16xi32>
      %and3A_277 = arith.andi %add3A_274, %and3A_276 : vector<16xi32>
      %bitcast3A_278 = vector.bitcast %and3A_277 : vector<16xi32> to vector<16xf32>
      %mul3A_279 = arith.constant -2.000000e+00 : f32
      %mul3A_280 = vector.broadcast %mul3A_279 : f32 to vector<16xf32>
      %mul3A_281 = arith.mulf %mul3A_280, %bitcast3A_278 : vector<16xf32>
      %swap3A_282 = arith.index_cast %mul3A_246 : i32 to index
      %swap3A_283 = tpu.vector_load %arg6[%swap3A_282] {strides = array<i32>} : memref<24576xf32, #tpu.memory_space<vmem>>, vector<16xf32>,
      tpu.vector_store %arg6[%swap3A_282], %mul3A_281 {strides = array<i32>} : memref<24576xf32, #tpu.memory_space<vmem>>, vector<16xf32>,
      %bitcast3A_284 = vector.bitcast %get3A_252 : vector<16xf32> to vector<16xi32>
      %shift_right_logical3A_285 = arith.constant 16 : i32
      %shift_right_logical3A_286 = vector.broadcast %shift_right_logical3A_285 : i32 to vector<16xi32>
      %shift_right_logical3A_287 = arith.shrui %bitcast3A_284, %shift_right_logical3A_286 : vector<16xi32>
      %and3A_288 = arith.constant 1 : i32
      %and3A_289 = vector.broadcast %and3A_288 : i32 to vector<16xi32>
      %and3A_290 = arith.andi %shift_right_logical3A_287, %and3A_289 : vector<16xi32>
      %add3A_291 = arith.constant 32767 : i32
      %add3A_292 = vector.broadcast %add3A_291 : i32 to vector<16xi32>
      %add3A_293 = arith.addi %bitcast3A_284, %add3A_292 : vector<16xi32>
      %add3A_294 = arith.addi %add3A_293, %and3A_290 : vector<16xi32>
      %and3A_295 = arith.constant -65536 : i32
      %and3A_296 = vector.broadcast %and3A_295 : i32 to vector<16xi32>
      %and3A_297 = arith.andi %add3A_294, %and3A_296 : vector<16xi32>
      %bitcast3A_298 = vector.bitcast %and3A_297 : vector<16xi32> to vector<16xf32>
      %mul3A_299 = arith.constant -2.000000e+00 : f32
      %mul3A_300 = vector.broadcast %mul3A_299 : f32 to vector<16xf32>
      %mul3A_301 = arith.mulf %mul3A_300, %bitcast3A_298 : vector<16xf32>
      %add3A_302 = arith.constant 8192 : i32
      %add3A_303 = arith.addi %add3A_302, %mul3A_246 : i32
      %swap3A_304 = arith.index_cast %add3A_303 : i32 to index
      %swap3A_305 = tpu.vector_load %arg6[%swap3A_304] {strides = array<i32>} : memref<24576xf32, #tpu.memory_space<vmem>>, vector<16xf32>,
      tpu.vector_store %arg6[%swap3A_304], %mul3A_301 {strides = array<i32>} : memref<24576xf32, #tpu.memory_space<vmem>>, vector<16xf32>,
      %bitcast3A_306 = vector.bitcast %get3A_256 : vector<16xf32> to vector<16xi32>
      %shift_right_logical3A_307 = arith.constant 16 : i32
      %shift_right_logical3A_308 = vector.broadcast %shift_right_logical3A_307 : i32 to vector<16xi32>
      %shift_right_logical3A_309 = arith.shrui %bitcast3A_306, %shift_right_logical3A_308 : vector<16xi32>
      %and3A_310 = arith.constant 1 : i32
      %and3A_311 = vector.broadcast %and3A_310 : i32 to vector<16xi32>
      %and3A_312 = arith.andi %shift_right_logical3A_309, %and3A_311 : vector<16xi32>
      %add3A_313 = arith.constant 32767 : i32
      %add3A_314 = vector.broadcast %add3A_313 : i32 to vector<16xi32>
      %add3A_315 = arith.addi %bitcast3A_306, %add3A_314 : vector<16xi32>
      %add3A_316 = arith.addi %add3A_315, %and3A_312 : vector<16xi32>
      %and3A_317 = arith.constant -65536 : i32
      %and3A_318 = vector.broadcast %and3A_317 : i32 to vector<16xi32>
      %and3A_319 = arith.andi %add3A_316, %and3A_318 : vector<16xi32>
      %bitcast3A_320 = vector.bitcast %and3A_319 : vector<16xi32> to vector<16xf32>
      %mul3A_321 = arith.constant -2.000000e+00 : f32
      %mul3A_322 = vector.broadcast %mul3A_321 : f32 to vector<16xf32>
      %mul3A_323 = arith.mulf %mul3A_322, %bitcast3A_320 : vector<16xf32>
      %add3A_324 = arith.constant 16384 : i32
      %add3A_325 = arith.addi %add3A_324, %mul3A_246 : i32
      %swap3A_326 = arith.index_cast %add3A_325 : i32 to index
      %swap3A_327 = tpu.vector_load %arg6[%swap3A_326] {strides = array<i32>} : memref<24576xf32, #tpu.memory_space<vmem>>, vector<16xf32>,
      tpu.vector_store %arg6[%swap3A_326], %mul3A_323 {strides = array<i32>} : memref<24576xf32, #tpu.memory_space<vmem>>, vector<16xf32>,
      %mul3A_328 = arith.constant 4 : i32
      %mul3A_329 = arith.muli %scan3A_69, %mul3A_328 : i32
      %add3A_330 = arith.constant 3 : i32
      %add3A_331 = arith.addi %mul3A_329, %add3A_330 : i32
      %mul3A_332 = arith.constant 16 : i32
      %mul3A_333 = arith.muli %add3A_331, %mul3A_332 : i32
      %get3A_334 = arith.index_cast %mul3A_333 : i32 to index
      %get3A_335 = tpu.vector_load %arg5[%get3A_334] {strides = array<i32>} : memref<24576xf32, #tpu.memory_space<vmem>>, vector<16xf32>,
      %add3A_336 = arith.constant 8192 : i32
      %add3A_337 = arith.addi %add3A_336, %mul3A_333 : i32
      %get3A_338 = arith.index_cast %add3A_337 : i32 to index
      %get3A_339 = tpu.vector_load %arg5[%get3A_338] {strides = array<i32>} : memref<24576xf32, #tpu.memory_space<vmem>>, vector<16xf32>,
      %add3A_340 = arith.constant 16384 : i32
      %add3A_341 = arith.addi %add3A_340, %mul3A_333 : i32
      %get3A_342 = arith.index_cast %add3A_341 : i32 to index
      %get3A_343 = tpu.vector_load %arg5[%get3A_342] {strides = array<i32>} : memref<24576xf32, #tpu.memory_space<vmem>>, vector<16xf32>,
      %mul3A_344 = arith.mulf %get3A_335, %get3A_335 : vector<16xf32>
      %mul3A_345 = arith.mulf %get3A_339, %get3A_339 : vector<16xf32>
      %add3A_346 = arith.addf %mul3A_344, %mul3A_345 : vector<16xf32>
      %mul3A_347 = arith.mulf %get3A_343, %get3A_343 : vector<16xf32>
      %add3A_348 = arith.addf %add3A_346, %mul3A_347 : vector<16xf32>
      %swap3A_349 = arith.index_cast %mul3A_333 : i32 to index
      %swap3A_350 = tpu.vector_load %arg7[%swap3A_349] {strides = array<i32>} : memref<8192xf32, #tpu.memory_space<vmem>>, vector<16xf32>,
      tpu.vector_store %arg7[%swap3A_349], %add3A_348 {strides = array<i32>} : memref<8192xf32, #tpu.memory_space<vmem>>, vector<16xf32>,
      %bitcast3A_351 = vector.bitcast %get3A_335 : vector<16xf32> to vector<16xi32>
      %shift_right_logical3A_352 = arith.constant 16 : i32
      %shift_right_logical3A_353 = vector.broadcast %shift_right_logical3A_352 : i32 to vector<16xi32>
      %shift_right_logical3A_354 = arith.shrui %bitcast3A_351, %shift_right_logical3A_353 : vector<16xi32>
      %and3A_355 = arith.constant 1 : i32
      %and3A_356 = vector.broadcast %and3A_355 : i32 to vector<16xi32>
      %and3A_357 = arith.andi %shift_right_logical3A_354, %and3A_356 : vector<16xi32>
      %add3A_358 = arith.constant 32767 : i32
      %add3A_359 = vector.broadcast %add3A_358 : i32 to vector<16xi32>
      %add3A_360 = arith.addi %bitcast3A_351, %add3A_359 : vector<16xi32>
      %add3A_361 = arith.addi %add3A_360, %and3A_357 : vector<16xi32>
      %and3A_362 = arith.constant -65536 : i32
      %and3A_363 = vector.broadcast %and3A_362 : i32 to vector<16xi32>
      %and3A_364 = arith.andi %add3A_361, %and3A_363 : vector<16xi32>
      %bitcast3A_365 = vector.bitcast %and3A_364 : vector<16xi32> to vector<16xf32>
      %mul3A_366 = arith.constant -2.000000e+00 : f32
      %mul3A_367 = vector.broadcast %mul3A_366 : f32 to vector<16xf32>
      %mul3A_368 = arith.mulf %mul3A_367, %bitcast3A_365 : vector<16xf32>
      %swap3A_369 = arith.index_cast %mul3A_333 : i32 to index
      %swap3A_370 = tpu.vector_load %arg6[%swap3A_369] {strides = array<i32>} : memref<24576xf32, #tpu.memory_space<vmem>>, vector<16xf32>,
      tpu.vector_store %arg6[%swap3A_369], %mul3A_368 {strides = array<i32>} : memref<24576xf32, #tpu.memory_space<vmem>>, vector<16xf32>,
      %bitcast3A_371 = vector.bitcast %get3A_339 : vector<16xf32> to vector<16xi32>
      %shift_right_logical3A_372 = arith.constant 16 : i32
      %shift_right_logical3A_373 = vector.broadcast %shift_right_logical3A_372 : i32 to vector<16xi32>
      %shift_right_logical3A_374 = arith.shrui %bitcast3A_371, %shift_right_logical3A_373 : vector<16xi32>
      %and3A_375 = arith.constant 1 : i32
      %and3A_376 = vector.broadcast %and3A_375 : i32 to vector<16xi32>
      %and3A_377 = arith.andi %shift_right_logical3A_374, %and3A_376 : vector<16xi32>
      %add3A_378 = arith.constant 32767 : i32
      %add3A_379 = vector.broadcast %add3A_378 : i32 to vector<16xi32>
      %add3A_380 = arith.addi %bitcast3A_371, %add3A_379 : vector<16xi32>
      %add3A_381 = arith.addi %add3A_380, %and3A_377 : vector<16xi32>
      %and3A_382 = arith.constant -65536 : i32
      %and3A_383 = vector.broadcast %and3A_382 : i32 to vector<16xi32>
      %and3A_384 = arith.andi %add3A_381, %and3A_383 : vector<16xi32>
      %bitcast3A_385 = vector.bitcast %and3A_384 : vector<16xi32> to vector<16xf32>
      %mul3A_386 = arith.constant -2.000000e+00 : f32
      %mul3A_387 = vector.broadcast %mul3A_386 : f32 to vector<16xf32>
      %mul3A_388 = arith.mulf %mul3A_387, %bitcast3A_385 : vector<16xf32>
      %add3A_389 = arith.constant 8192 : i32
      %add3A_390 = arith.addi %add3A_389, %mul3A_333 : i32
      %swap3A_391 = arith.index_cast %add3A_390 : i32 to index
      %swap3A_392 = tpu.vector_load %arg6[%swap3A_391] {strides = array<i32>} : memref<24576xf32, #tpu.memory_space<vmem>>, vector<16xf32>,
      tpu.vector_store %arg6[%swap3A_391], %mul3A_388 {strides = array<i32>} : memref<24576xf32, #tpu.memory_space<vmem>>, vector<16xf32>,
      %bitcast3A_393 = vector.bitcast %get3A_343 : vector<16xf32> to vector<16xi32>
      %shift_right_logical3A_394 = arith.constant 16 : i32
      %shift_right_logical3A_395 = vector.broadcast %shift_right_logical3A_394 : i32 to vector<16xi32>
      %shift_right_logical3A_396 = arith.shrui %bitcast3A_393, %shift_right_logical3A_395 : vector<16xi32>
      %and3A_397 = arith.constant 1 : i32
      %and3A_398 = vector.broadcast %and3A_397 : i32 to vector<16xi32>
      %and3A_399 = arith.andi %shift_right_logical3A_396, %and3A_398 : vector<16xi32>
      %add3A_400 = arith.constant 32767 : i32
      %add3A_401 = vector.broadcast %add3A_400 : i32 to vector<16xi32>
      %add3A_402 = arith.addi %bitcast3A_393, %add3A_401 : vector<16xi32>
      %add3A_403 = arith.addi %add3A_402, %and3A_399 : vector<16xi32>
      %and3A_404 = arith.constant -65536 : i32
      %and3A_405 = vector.broadcast %and3A_404 : i32 to vector<16xi32>
      %and3A_406 = arith.andi %add3A_403, %and3A_405 : vector<16xi32>
      %bitcast3A_407 = vector.bitcast %and3A_406 : vector<16xi32> to vector<16xf32>
      %mul3A_408 = arith.constant -2.000000e+00 : f32
      %mul3A_409 = vector.broadcast %mul3A_408 : f32 to vector<16xf32>
      %mul3A_410 = arith.mulf %mul3A_409, %bitcast3A_407 : vector<16xf32>
      %add3A_411 = arith.constant 16384 : i32
      %add3A_412 = arith.addi %add3A_411, %mul3A_333 : i32
      %swap3A_413 = arith.index_cast %add3A_412 : i32 to index
      %swap3A_414 = tpu.vector_load %arg6[%swap3A_413] {strides = array<i32>} : memref<24576xf32, #tpu.memory_space<vmem>>, vector<16xf32>,
      tpu.vector_store %arg6[%swap3A_413], %mul3A_410 {strides = array<i32>} : memref<24576xf32, #tpu.memory_space<vmem>>, vector<16xf32>,
      %scan3A_415 = arith.constant 0 : i32
      scf.yield %scan3A_415 : i32
    }
    %scan3A_38 = arith.constant 128 : i32
    %scan3A_39 = arith.constant 0 : i32
    %scan3A_40 = arith.constant 0 : i32
    %scan3A_41 = arith.constant 32 : i32
    %scan3A_42 = arith.addi %scan3A_40, %scan3A_41 : i32
    %scan3A_43 = arith.constant 1 : i32
    %scan3A_44 = scf.for %scan3A_69 = %scan3A_40 to %scan3A_42 step %scan3A_43 iter_args(%scan3A_70 = %scan3A_39) -> (i32)  : i32 {
      %broadcast_in_dim3A_71 = arith.constant 1.000000e+10 : f32
      %broadcast_in_dim3A_72 = vector.broadcast %broadcast_in_dim3A_71 : f32 to vector<16xf32>
      %mul3A_73 = arith.constant 4 : i32
      %mul3A_74 = arith.muli %scan3A_69, %mul3A_73 : i32
      %add3A_75 = arith.constant 0 : i32
      %add3A_76 = arith.addi %mul3A_74, %add3A_75 : i32
      %mul3A_77 = arith.constant 16 : i32
      %mul3A_78 = arith.muli %add3A_76, %mul3A_77 : i32
      %swap3A = arith.index_cast %mul3A_78 : i32 to index
      %swap3A_79 = tpu.vector_load %arg8[%swap3A] {strides = array<i32>} : memref<8192xf32, #tpu.memory_space<vmem>>, vector<16xf32>,
      tpu.vector_store %arg8[%swap3A], %broadcast_in_dim3A_72 {strides = array<i32>} : memref<8192xf32, #tpu.memory_space<vmem>>, vector<16xf32>,
      %broadcast_in_dim3A_80 = arith.constant 1.000000e+10 : f32
      %broadcast_in_dim3A_81 = vector.broadcast %broadcast_in_dim3A_80 : f32 to vector<16xf32>
      %mul3A_82 = arith.constant 4 : i32
      %mul3A_83 = arith.muli %scan3A_69, %mul3A_82 : i32
      %add3A_84 = arith.constant 1 : i32
      %add3A_85 = arith.addi %mul3A_83, %add3A_84 : i32
      %mul3A_86 = arith.constant 16 : i32
      %mul3A_87 = arith.muli %add3A_85, %mul3A_86 : i32
      %swap3A_88 = arith.index_cast %mul3A_87 : i32 to index
      %swap3A_89 = tpu.vector_load %arg8[%swap3A_88] {strides = array<i32>} : memref<8192xf32, #tpu.memory_space<vmem>>, vector<16xf32>,
      tpu.vector_store %arg8[%swap3A_88], %broadcast_in_dim3A_81 {strides = array<i32>} : memref<8192xf32, #tpu.memory_space<vmem>>, vector<16xf32>,
      %broadcast_in_dim3A_90 = arith.constant 1.000000e+10 : f32
      %broadcast_in_dim3A_91 = vector.broadcast %broadcast_in_dim3A_90 : f32 to vector<16xf32>
      %mul3A_92 = arith.constant 4 : i32
      %mul3A_93 = arith.muli %scan3A_69, %mul3A_92 : i32
      %add3A_94 = arith.constant 2 : i32
      %add3A_95 = arith.addi %mul3A_93, %add3A_94 : i32
      %mul3A_96 = arith.constant 16 : i32
      %mul3A_97 = arith.muli %add3A_95, %mul3A_96 : i32
      %swap3A_98 = arith.index_cast %mul3A_97 : i32 to index
      %swap3A_99 = tpu.vector_load %arg8[%swap3A_98] {strides = array<i32>} : memref<8192xf32, #tpu.memory_space<vmem>>, vector<16xf32>,
      tpu.vector_store %arg8[%swap3A_98], %broadcast_in_dim3A_91 {strides = array<i32>} : memref<8192xf32, #tpu.memory_space<vmem>>, vector<16xf32>,
      %broadcast_in_dim3A_100 = arith.constant 1.000000e+10 : f32
      %broadcast_in_dim3A_101 = vector.broadcast %broadcast_in_dim3A_100 : f32 to vector<16xf32>
      %mul3A_102 = arith.constant 4 : i32
      %mul3A_103 = arith.muli %scan3A_69, %mul3A_102 : i32
      %add3A_104 = arith.constant 3 : i32
      %add3A_105 = arith.addi %mul3A_103, %add3A_104 : i32
      %mul3A_106 = arith.constant 16 : i32
      %mul3A_107 = arith.muli %add3A_105, %mul3A_106 : i32
      %swap3A_108 = arith.index_cast %mul3A_107 : i32 to index
      %swap3A_109 = tpu.vector_load %arg8[%swap3A_108] {strides = array<i32>} : memref<8192xf32, #tpu.memory_space<vmem>>, vector<16xf32>,
      tpu.vector_store %arg8[%swap3A_108], %broadcast_in_dim3A_101 {strides = array<i32>} : memref<8192xf32, #tpu.memory_space<vmem>>, vector<16xf32>,
      %scan3A_110 = arith.constant 0 : i32
      scf.yield %scan3A_110 : i32
    }
    %scan3A_45 = arith.constant 32 : i32
    %mul3A_46 = arith.constant 2048 : i32
    %mul3A_47 = arith.muli %select_n3A_28, %mul3A_46 : i32
    %broadcast_in_dim3A = arith.constant 0 : i32
    %broadcast_in_dim3A_48 = vector.broadcast %broadcast_in_dim3A : i32 to vector<16xi32>
    %scan3A_49 = arith.constant 0 : i32
    %scan3A_50 = arith.constant 512 : i32
    %scan3A_51 = arith.addi %scan3A_49, %scan3A_50 : i32
    %scan3A_52 = arith.constant 1 : i32
    %scan3A_53 = scf.for %scan3A_69 = %scan3A_49 to %scan3A_51 step %scan3A_52 iter_args(%scan3A_70 = %broadcast_in_dim3A_48) -> (vector<16xi32>)  : i32 {
      %gather3A = tpu.vector_load_idx %arg5[%scan3A_70] : memref<24576xf32, #tpu.memory_space<vmem>>[vector<16xi32>], vector<16xf32>,
      %add3A_71 = arith.constant 8192 : i32
      %add3A_72 = vector.broadcast %add3A_71 : i32 to vector<16xi32>
      %add3A_73 = arith.addi %scan3A_70, %add3A_72 : vector<16xi32>
      %gather3A_74 = tpu.vector_load_idx %arg5[%add3A_73] : memref<24576xf32, #tpu.memory_space<vmem>>[vector<16xi32>], vector<16xf32>,
      %add3A_75 = arith.constant 16384 : i32
      %add3A_76 = vector.broadcast %add3A_75 : i32 to vector<16xi32>
      %add3A_77 = arith.addi %scan3A_70, %add3A_76 : vector<16xi32>
      %gather3A_78 = tpu.vector_load_idx %arg5[%add3A_77] : memref<24576xf32, #tpu.memory_space<vmem>>[vector<16xi32>], vector<16xf32>,
      %eq3A_79 = arith.constant 0 : i32
      %eq3A_80 = vector.broadcast %eq3A_79 : i32 to vector<16xi32>
      %eq3A_81 = arith.cmpi eq, %iota3A, %eq3A_80 : vector<16xi32>
      %eq3A_82 = arith.constant 1 : i32
      %eq3A_83 = vector.broadcast %eq3A_82 : i32 to vector<16xi32>
      %eq3A_84 = arith.cmpi eq, %iota3A, %eq3A_83 : vector<16xi32>
      %select_n3A_85 = arith.select %eq3A_84, %gather3A_74, %gather3A_78 : vector<16xi1>, vector<16xf32>
      %select_n3A_86 = arith.select %eq3A_81, %gather3A, %select_n3A_85 : vector<16xi1>, vector<16xf32>
      %mul3A_87 = arith.constant 512 : i32
      %mul3A_88 = vector.broadcast %mul3A_87 : i32 to vector<16xi32>
      %mul3A_89 = arith.muli %min3A_32, %mul3A_88 : vector<16xi32>
      %add3A_90 = vector.broadcast %scan3A_69 : i32 to vector<16xi32>
      %add3A_91 = arith.addi %mul3A_89, %add3A_90 : vector<16xi32>
      %lt3A_92 = arith.constant 3 : i32
      %lt3A_93 = vector.broadcast %lt3A_92 : i32 to vector<16xi32>
      %lt3A_94 = arith.cmpi slt, %iota3A, %lt3A_93 : vector<16xi32>
      tpu.vector_store_idx %arg9[%add3A_91], %select_n3A_86 masked %lt3A_94 : memref<1536xf32, #tpu.memory_space<vmem>>[vector<16xi32>], vector<16xf32>, vector<16xi1>
      %broadcast_in_dim3A_95 = arith.constant 0xFF800000 : f32
      %broadcast_in_dim3A_96 = vector.broadcast %broadcast_in_dim3A_95 : f32 to vector<16xf32>
      %broadcast_in_dim3A_97 = arith.constant 0 : i32
      %broadcast_in_dim3A_98 = vector.broadcast %broadcast_in_dim3A_97 : i32 to vector<16xi32>
      %broadcast_in_dim3A_99 = arith.constant 0xFF800000 : f32
      %broadcast_in_dim3A_100 = vector.broadcast %broadcast_in_dim3A_99 : f32 to vector<16xf32>
      %broadcast_in_dim3A_101 = arith.constant 0 : i32
      %broadcast_in_dim3A_102 = vector.broadcast %broadcast_in_dim3A_101 : i32 to vector<16xi32>
      %broadcast_in_dim3A_103 = arith.constant 0xFF800000 : f32
      %broadcast_in_dim3A_104 = vector.broadcast %broadcast_in_dim3A_103 : f32 to vector<16xf32>
      %broadcast_in_dim3A_105 = arith.constant 0 : i32
      %broadcast_in_dim3A_106 = vector.broadcast %broadcast_in_dim3A_105 : i32 to vector<16xi32>
      %broadcast_in_dim3A_107 = arith.constant 0xFF800000 : f32
      %broadcast_in_dim3A_108 = vector.broadcast %broadcast_in_dim3A_107 : f32 to vector<16xf32>
      %broadcast_in_dim3A_109 = arith.constant 0 : i32
      %broadcast_in_dim3A_110 = vector.broadcast %broadcast_in_dim3A_109 : i32 to vector<16xi32>
      %scan3A_111 = arith.constant 0 : i32
      %scan3A_112 = arith.constant 32 : i32
      %scan3A_113 = arith.addi %scan3A_111, %scan3A_112 : i32
      %scan3A_114 = arith.constant 1 : i32
      %scan3A_115:8 = scf.for %scan3A_205 = %scan3A_111 to %scan3A_113 step %scan3A_114 iter_args(%scan3A_206 = %broadcast_in_dim3A_96, %scan3A_207 = %broadcast_in_dim3A_98, %scan3A_208 = %broadcast_in_dim3A_100, %scan3A_209 = %broadcast_in_dim3A_102, %scan3A_210 = %broadcast_in_dim3A_104, %scan3A_211 = %broadcast_in_dim3A_106, %scan3A_212 = %broadcast_in_dim3A_108, %scan3A_213 = %broadcast_in_dim3A_110) -> (vector<16xf32>, vector<16xi32>, vector<16xf32>, vector<16xi32>, vector<16xf32>, vector<16xi32>, vector<16xf32>, vector<16xi32>)  : i32 {
        %mul3A_214 = arith.constant 4 : i32
        %mul3A_215 = arith.muli %scan3A_205, %mul3A_214 : i32
        %add3A_216 = arith.constant 0 : i32
        %add3A_217 = arith.addi %mul3A_215, %add3A_216 : i32
        %mul3A_218 = arith.constant 16 : i32
        %mul3A_219 = arith.muli %add3A_217, %mul3A_218 : i32
        %add3A_220 = arith.addi %mul3A_47, %mul3A_219 : i32
        %mul3A_221 = arith.constant 4 : i32
        %mul3A_222 = arith.muli %scan3A_205, %mul3A_221 : i32
        %add3A_223 = arith.constant 0 : i32
        %add3A_224 = arith.addi %mul3A_222, %add3A_223 : i32
        %mul3A_225 = arith.constant 16 : i32
        %mul3A_226 = arith.muli %add3A_224, %mul3A_225 : i32
        %get3A_227 = arith.index_cast %add3A_220 : i32 to index
        %get3A_228 = tpu.vector_load %arg5[%get3A_227] {strides = array<i32>} : memref<24576xf32, #tpu.memory_space<vmem>>, vector<16xf32>,
        %add3A_229 = arith.constant 8192 : i32
        %add3A_230 = arith.addi %add3A_229, %add3A_220 : i32
        %get3A_231 = arith.index_cast %add3A_230 : i32 to index
        %get3A_232 = tpu.vector_load %arg5[%get3A_231] {strides = array<i32>} : memref<24576xf32, #tpu.memory_space<vmem>>, vector<16xf32>,
        %add3A_233 = arith.constant 16384 : i32
        %add3A_234 = arith.addi %add3A_233, %add3A_220 : i32
        %get3A_235 = arith.index_cast %add3A_234 : i32 to index
        %get3A_236 = tpu.vector_load %arg5[%get3A_235] {strides = array<i32>} : memref<24576xf32, #tpu.memory_space<vmem>>, vector<16xf32>,
        %sub3A_237 = arith.subf %get3A_228, %gather3A : vector<16xf32>
        %sub3A_238 = arith.subf %get3A_232, %gather3A_74 : vector<16xf32>
        %sub3A_239 = arith.subf %get3A_236, %gather3A_78 : vector<16xf32>
        %mul3A_240 = arith.mulf %sub3A_237, %sub3A_237 : vector<16xf32>
        %mul3A_241 = arith.mulf %sub3A_239, %sub3A_239 : vector<16xf32>
        %add3A_242 = arith.addf %mul3A_240, %mul3A_241 : vector<16xf32>
        %mul3A_243 = arith.mulf %sub3A_238, %sub3A_238 : vector<16xf32>
        %add3A_244 = arith.addf %add3A_242, %mul3A_243 : vector<16xf32>
        %get3A_245 = arith.index_cast %mul3A_226 : i32 to index
        %get3A_246 = tpu.vector_load %arg8[%get3A_245] {strides = array<i32>} : memref<8192xf32, #tpu.memory_space<vmem>>, vector<16xf32>,
        %min3A_247 = arith.minimumf %get3A_246, %add3A_244 : vector<16xf32>
        %swap3A_248 = arith.index_cast %mul3A_226 : i32 to index
        %swap3A_249 = tpu.vector_load %arg8[%swap3A_248] {strides = array<i32>} : memref<8192xf32, #tpu.memory_space<vmem>>, vector<16xf32>,
        tpu.vector_store %arg8[%swap3A_248], %min3A_247 {strides = array<i32>} : memref<8192xf32, #tpu.memory_space<vmem>>, vector<16xf32>,
        %gt3A_250 = arith.cmpf ogt, %min3A_247, %scan3A_206 : vector<16xf32>
        %select_n3A_251 = arith.select %gt3A_250, %min3A_247, %scan3A_206 : vector<16xi1>, vector<16xf32>
        %add3A_252 = vector.broadcast %add3A_220 : i32 to vector<16xi32>
        %add3A_253 = arith.addi %iota3A, %add3A_252 : vector<16xi32>
        %select_n3A_254 = arith.select %gt3A_250, %add3A_253, %scan3A_207 : vector<16xi1>, vector<16xi32>
        %mul3A_255 = arith.constant 4 : i32
        %mul3A_256 = arith.muli %scan3A_205, %mul3A_255 : i32
        %add3A_257 = arith.constant 1 : i32
        %add3A_258 = arith.addi %mul3A_256, %add3A_257 : i32
        %mul3A_259 = arith.constant 16 : i32
        %mul3A_260 = arith.muli %add3A_258, %mul3A_259 : i32
        %add3A_261 = arith.addi %mul3A_47, %mul3A_260 : i32
        %mul3A_262 = arith.constant 4 : i32
        %mul3A_263 = arith.muli %scan3A_205, %mul3A_262 : i32
        %add3A_264 = arith.constant 1 : i32
        %add3A_265 = arith.addi %mul3A_263, %add3A_264 : i32
        %mul3A_266 = arith.constant 16 : i32
        %mul3A_267 = arith.muli %add3A_265, %mul3A_266 : i32
        %get3A_268 = arith.index_cast %add3A_261 : i32 to index
        %get3A_269 = tpu.vector_load %arg5[%get3A_268] {strides = array<i32>} : memref<24576xf32, #tpu.memory_space<vmem>>, vector<16xf32>,
        %add3A_270 = arith.constant 8192 : i32
        %add3A_271 = arith.addi %add3A_270, %add3A_261 : i32
        %get3A_272 = arith.index_cast %add3A_271 : i32 to index
        %get3A_273 = tpu.vector_load %arg5[%get3A_272] {strides = array<i32>} : memref<24576xf32, #tpu.memory_space<vmem>>, vector<16xf32>,
        %add3A_274 = arith.constant 16384 : i32
        %add3A_275 = arith.addi %add3A_274, %add3A_261 : i32
        %get3A_276 = arith.index_cast %add3A_275 : i32 to index
        %get3A_277 = tpu.vector_load %arg5[%get3A_276] {strides = array<i32>} : memref<24576xf32, #tpu.memory_space<vmem>>, vector<16xf32>,
        %sub3A_278 = arith.subf %get3A_269, %gather3A : vector<16xf32>
        %sub3A_279 = arith.subf %get3A_273, %gather3A_74 : vector<16xf32>
        %sub3A_280 = arith.subf %get3A_277, %gather3A_78 : vector<16xf32>
        %mul3A_281 = arith.mulf %sub3A_278, %sub3A_278 : vector<16xf32>
        %mul3A_282 = arith.mulf %sub3A_280, %sub3A_280 : vector<16xf32>
        %add3A_283 = arith.addf %mul3A_281, %mul3A_282 : vector<16xf32>
        %mul3A_284 = arith.mulf %sub3A_279, %sub3A_279 : vector<16xf32>
        %add3A_285 = arith.addf %add3A_283, %mul3A_284 : vector<16xf32>
        %get3A_286 = arith.index_cast %mul3A_267 : i32 to index
        %get3A_287 = tpu.vector_load %arg8[%get3A_286] {strides = array<i32>} : memref<8192xf32, #tpu.memory_space<vmem>>, vector<16xf32>,
        %min3A_288 = arith.minimumf %get3A_287, %add3A_285 : vector<16xf32>
        %swap3A_289 = arith.index_cast %mul3A_267 : i32 to index
        %swap3A_290 = tpu.vector_load %arg8[%swap3A_289] {strides = array<i32>} : memref<8192xf32, #tpu.memory_space<vmem>>, vector<16xf32>,
        tpu.vector_store %arg8[%swap3A_289], %min3A_288 {strides = array<i32>} : memref<8192xf32, #tpu.memory_space<vmem>>, vector<16xf32>,
        %gt3A_291 = arith.cmpf ogt, %min3A_288, %scan3A_208 : vector<16xf32>
        %select_n3A_292 = arith.select %gt3A_291, %min3A_288, %scan3A_208 : vector<16xi1>, vector<16xf32>
        %add3A_293 = vector.broadcast %add3A_261 : i32 to vector<16xi32>
        %add3A_294 = arith.addi %iota3A, %add3A_293 : vector<16xi32>
        %select_n3A_295 = arith.select %gt3A_291, %add3A_294, %scan3A_209 : vector<16xi1>, vector<16xi32>
        %mul3A_296 = arith.constant 4 : i32
        %mul3A_297 = arith.muli %scan3A_205, %mul3A_296 : i32
        %add3A_298 = arith.constant 2 : i32
        %add3A_299 = arith.addi %mul3A_297, %add3A_298 : i32
        %mul3A_300 = arith.constant 16 : i32
        %mul3A_301 = arith.muli %add3A_299, %mul3A_300 : i32
        %add3A_302 = arith.addi %mul3A_47, %mul3A_301 : i32
        %mul3A_303 = arith.constant 4 : i32
        %mul3A_304 = arith.muli %scan3A_205, %mul3A_303 : i32
        %add3A_305 = arith.constant 2 : i32
        %add3A_306 = arith.addi %mul3A_304, %add3A_305 : i32
        %mul3A_307 = arith.constant 16 : i32
        %mul3A_308 = arith.muli %add3A_306, %mul3A_307 : i32
        %get3A_309 = arith.index_cast %add3A_302 : i32 to index
        %get3A_310 = tpu.vector_load %arg5[%get3A_309] {strides = array<i32>} : memref<24576xf32, #tpu.memory_space<vmem>>, vector<16xf32>,
        %add3A_311 = arith.constant 8192 : i32
        %add3A_312 = arith.addi %add3A_311, %add3A_302 : i32
        %get3A_313 = arith.index_cast %add3A_312 : i32 to index
        %get3A_314 = tpu.vector_load %arg5[%get3A_313] {strides = array<i32>} : memref<24576xf32, #tpu.memory_space<vmem>>, vector<16xf32>,
        %add3A_315 = arith.constant 16384 : i32
        %add3A_316 = arith.addi %add3A_315, %add3A_302 : i32
        %get3A_317 = arith.index_cast %add3A_316 : i32 to index
        %get3A_318 = tpu.vector_load %arg5[%get3A_317] {strides = array<i32>} : memref<24576xf32, #tpu.memory_space<vmem>>, vector<16xf32>,
        %sub3A_319 = arith.subf %get3A_310, %gather3A : vector<16xf32>
        %sub3A_320 = arith.subf %get3A_314, %gather3A_74 : vector<16xf32>
        %sub3A_321 = arith.subf %get3A_318, %gather3A_78 : vector<16xf32>
        %mul3A_322 = arith.mulf %sub3A_319, %sub3A_319 : vector<16xf32>
        %mul3A_323 = arith.mulf %sub3A_321, %sub3A_321 : vector<16xf32>
        %add3A_324 = arith.addf %mul3A_322, %mul3A_323 : vector<16xf32>
        %mul3A_325 = arith.mulf %sub3A_320, %sub3A_320 : vector<16xf32>
        %add3A_326 = arith.addf %add3A_324, %mul3A_325 : vector<16xf32>
        %get3A_327 = arith.index_cast %mul3A_308 : i32 to index
        %get3A_328 = tpu.vector_load %arg8[%get3A_327] {strides = array<i32>} : memref<8192xf32, #tpu.memory_space<vmem>>, vector<16xf32>,
        %min3A_329 = arith.minimumf %get3A_328, %add3A_326 : vector<16xf32>
        %swap3A_330 = arith.index_cast %mul3A_308 : i32 to index
        %swap3A_331 = tpu.vector_load %arg8[%swap3A_330] {strides = array<i32>} : memref<8192xf32, #tpu.memory_space<vmem>>, vector<16xf32>,
        tpu.vector_store %arg8[%swap3A_330], %min3A_329 {strides = array<i32>} : memref<8192xf32, #tpu.memory_space<vmem>>, vector<16xf32>,
        %gt3A_332 = arith.cmpf ogt, %min3A_329, %scan3A_210 : vector<16xf32>
        %select_n3A_333 = arith.select %gt3A_332, %min3A_329, %scan3A_210 : vector<16xi1>, vector<16xf32>
        %add3A_334 = vector.broadcast %add3A_302 : i32 to vector<16xi32>
        %add3A_335 = arith.addi %iota3A, %add3A_334 : vector<16xi32>
        %select_n3A_336 = arith.select %gt3A_332, %add3A_335, %scan3A_211 : vector<16xi1>, vector<16xi32>
        %mul3A_337 = arith.constant 4 : i32
        %mul3A_338 = arith.muli %scan3A_205, %mul3A_337 : i32
        %add3A_339 = arith.constant 3 : i32
        %add3A_340 = arith.addi %mul3A_338, %add3A_339 : i32
        %mul3A_341 = arith.constant 16 : i32
        %mul3A_342 = arith.muli %add3A_340, %mul3A_341 : i32
        %add3A_343 = arith.addi %mul3A_47, %mul3A_342 : i32
        %mul3A_344 = arith.constant 4 : i32
        %mul3A_345 = arith.muli %scan3A_205, %mul3A_344 : i32
        %add3A_346 = arith.constant 3 : i32
        %add3A_347 = arith.addi %mul3A_345, %add3A_346 : i32
        %mul3A_348 = arith.constant 16 : i32
        %mul3A_349 = arith.muli %add3A_347, %mul3A_348 : i32
        %get3A_350 = arith.index_cast %add3A_343 : i32 to index
        %get3A_351 = tpu.vector_load %arg5[%get3A_350] {strides = array<i32>} : memref<24576xf32, #tpu.memory_space<vmem>>, vector<16xf32>,
        %add3A_352 = arith.constant 8192 : i32
        %add3A_353 = arith.addi %add3A_352, %add3A_343 : i32
        %get3A_354 = arith.index_cast %add3A_353 : i32 to index
        %get3A_355 = tpu.vector_load %arg5[%get3A_354] {strides = array<i32>} : memref<24576xf32, #tpu.memory_space<vmem>>, vector<16xf32>,
        %add3A_356 = arith.constant 16384 : i32
        %add3A_357 = arith.addi %add3A_356, %add3A_343 : i32
        %get3A_358 = arith.index_cast %add3A_357 : i32 to index
        %get3A_359 = tpu.vector_load %arg5[%get3A_358] {strides = array<i32>} : memref<24576xf32, #tpu.memory_space<vmem>>, vector<16xf32>,
        %sub3A_360 = arith.subf %get3A_351, %gather3A : vector<16xf32>
        %sub3A_361 = arith.subf %get3A_355, %gather3A_74 : vector<16xf32>
        %sub3A_362 = arith.subf %get3A_359, %gather3A_78 : vector<16xf32>
        %mul3A_363 = arith.mulf %sub3A_360, %sub3A_360 : vector<16xf32>
        %mul3A_364 = arith.mulf %sub3A_362, %sub3A_362 : vector<16xf32>
        %add3A_365 = arith.addf %mul3A_363, %mul3A_364 : vector<16xf32>
        %mul3A_366 = arith.mulf %sub3A_361, %sub3A_361 : vector<16xf32>
        %add3A_367 = arith.addf %add3A_365, %mul3A_366 : vector<16xf32>
        %get3A_368 = arith.index_cast %mul3A_349 : i32 to index
        %get3A_369 = tpu.vector_load %arg8[%get3A_368] {strides = array<i32>} : memref<8192xf32, #tpu.memory_space<vmem>>, vector<16xf32>,
        %min3A_370 = arith.minimumf %get3A_369, %add3A_367 : vector<16xf32>
        %swap3A_371 = arith.index_cast %mul3A_349 : i32 to index
        %swap3A_372 = tpu.vector_load %arg8[%swap3A_371] {strides = array<i32>} : memref<8192xf32, #tpu.memory_space<vmem>>, vector<16xf32>,
        tpu.vector_store %arg8[%swap3A_371], %min3A_370 {strides = array<i32>} : memref<8192xf32, #tpu.memory_space<vmem>>, vector<16xf32>,
        %gt3A_373 = arith.cmpf ogt, %min3A_370, %scan3A_212 : vector<16xf32>
        %select_n3A_374 = arith.select %gt3A_373, %min3A_370, %scan3A_212 : vector<16xi1>, vector<16xf32>
        %add3A_375 = vector.broadcast %add3A_343 : i32 to vector<16xi32>
        %add3A_376 = arith.addi %iota3A, %add3A_375 : vector<16xi32>
        %select_n3A_377 = arith.select %gt3A_373, %add3A_376, %scan3A_213 : vector<16xi1>, vector<16xi32>
        scf.yield %select_n3A_251, %select_n3A_254, %select_n3A_292, %select_n3A_295, %select_n3A_333, %select_n3A_336, %select_n3A_374, %select_n3A_377 : vector<16xf32>, vector<16xi32>, vector<16xf32>, vector<16xi32>, vector<16xf32>, vector<16xi32>, vector<16xf32>, vector<16xi32>
      }
      %scan3A_116 = arith.constant 32 : i32
      %gt3A = arith.cmpf ogt, %scan3A_115#2, %scan3A_115#0 : vector<16xf32>
      %eq3A_117 = arith.cmpf oeq, %scan3A_115#2, %scan3A_115#0 : vector<16xf32>
      %lt3A_118 = arith.cmpi slt, %scan3A_115#3, %scan3A_115#1 : vector<16xi32>
      %and3A_119 = arith.andi %eq3A_117, %lt3A_118 : vector<16xi1>
      %or3A = arith.ori %gt3A, %and3A_119 : vector<16xi1>
      %select_n3A_120 = arith.select %or3A, %scan3A_115#2, %scan3A_115#0 : vector<16xi1>, vector<16xf32>
      %select_n3A_121 = arith.select %or3A, %scan3A_115#3, %scan3A_115#1 : vector<16xi1>, vector<16xi32>
      %gt3A_122 = arith.cmpf ogt, %scan3A_115#4, %select_n3A_120 : vector<16xf32>
      %eq3A_123 = arith.cmpf oeq, %scan3A_115#4, %select_n3A_120 : vector<16xf32>
      %lt3A_124 = arith.cmpi slt, %scan3A_115#5, %select_n3A_121 : vector<16xi32>
      %and3A_125 = arith.andi %eq3A_123, %lt3A_124 : vector<16xi1>
      %or3A_126 = arith.ori %gt3A_122, %and3A_125 : vector<16xi1>
      %select_n3A_127 = arith.select %or3A_126, %scan3A_115#4, %select_n3A_120 : vector<16xi1>, vector<16xf32>
      %select_n3A_128 = arith.select %or3A_126, %scan3A_115#5, %select_n3A_121 : vector<16xi1>, vector<16xi32>
      %gt3A_129 = arith.cmpf ogt, %scan3A_115#6, %select_n3A_127 : vector<16xf32>
      %eq3A_130 = arith.cmpf oeq, %scan3A_115#6, %select_n3A_127 : vector<16xf32>
      %lt3A_131 = arith.cmpi slt, %scan3A_115#7, %select_n3A_128 : vector<16xi32>
      %and3A_132 = arith.andi %eq3A_130, %lt3A_131 : vector<16xi1>
      %or3A_133 = arith.ori %gt3A_129, %and3A_132 : vector<16xi1>
      %select_n3A_134 = arith.select %or3A_133, %scan3A_115#6, %select_n3A_127 : vector<16xi1>, vector<16xf32>
      %select_n3A_135 = arith.select %or3A_133, %scan3A_115#7, %select_n3A_128 : vector<16xi1>, vector<16xi32>
      %bitcast3A = vector.bitcast %select_n3A_134 : vector<16xf32> to vector<16xi32>
      %swap3A = arith.constant 0 : index
      %swap3A_136 = tpu.vector_load %arg14[%swap3A] {strides = array<i32>} : memref<32xi32, #tpu.memory_space<vmem>>, vector<16xi32>,
      tpu.vector_store %arg14[%swap3A], %bitcast3A {strides = array<i32>} : memref<32xi32, #tpu.memory_space<vmem>>, vector<16xi32>,
      %swap3A_137 = arith.constant 16 : index
      %swap3A_138 = tpu.vector_load %arg14[%swap3A_137] {strides = array<i32>} : memref<32xi32, #tpu.memory_space<vmem>>, vector<16xi32>,
      tpu.vector_store %arg14[%swap3A_137], %select_n3A_135 {strides = array<i32>} : memref<32xi32, #tpu.memory_space<vmem>>, vector<16xi32>,
      %and3A_139 = arith.constant 1 : i32
      %and3A_140 = arith.andi %scan3A_69, %and3A_139 : i32
      %mul3A_141 = arith.constant 512 : i32
      %mul3A_142 = arith.muli %and3A_140, %mul3A_141 : i32
      %mul3A_143 = arith.constant 32 : i32
      %mul3A_144 = arith.muli %arg1, %mul3A_143 : i32
      %add3A_145 = arith.addi %mul3A_142, %mul3A_144 : i32
      "tpu.region"() ({
        %run_scoped3A = tpu.sem_alloc : memref<!tpu.dma_semaphore, #tpu.memory_space<semaphore_mem>>
        %dma_start3A = tpu.memref_slice %arg16[%add3A_145] : memref<1024xi32, #tpu.memory_space<vmem_shared>> -> memref<32xi32, #tpu.memory_space<vmem_shared>>
        %dma_start3A_205 = tpu.memref_slice %arg16[%add3A_145] : memref<1024xi32, #tpu.memory_space<vmem_shared>> -> memref<32xi32, #tpu.memory_space<vmem_shared>>
        tpu.enqueue_dma source(%arg14 : memref<32xi32, #tpu.memory_space<vmem>>) target(%dma_start3A_205 : memref<32xi32, #tpu.memory_space<vmem_shared>>) target_semaphore(%run_scoped3A : memref<!tpu.dma_semaphore, #tpu.memory_space<semaphore_mem>>)
        %dma_wait3A = tpu.memref_slice %arg16[%add3A_145] : memref<1024xi32, #tpu.memory_space<vmem_shared>> -> memref<32xi32, #tpu.memory_space<vmem_shared>>
        %dma_wait3A_206 = tpu.memref_slice %arg16[%add3A_145] : memref<1024xi32, #tpu.memory_space<vmem_shared>> -> memref<32xi32, #tpu.memory_space<vmem_shared>>
        tpu.wait_dma2 semaphore(%run_scoped3A : memref<!tpu.dma_semaphore, #tpu.memory_space<semaphore_mem>>) src(%arg14 : memref<32xi32, #tpu.memory_space<vmem>>) dst(%dma_wait3A_206 : memref<32xi32, #tpu.memory_space<vmem_shared>>)
        tpu.yield
      }) : () -> ()
      %barrier3A = arith.constant 0 : index
      tpu.barrier barrier_id(%barrier3A)
      %mul3A_146 = arith.constant 128 : i32
      %mul3A_147 = arith.muli %select_n3A, %mul3A_146 : i32
      %add3A_148 = arith.addi %mul3A_142, %mul3A_147 : i32
      "tpu.region"() ({
        %run_scoped3A = tpu.sem_alloc : memref<!tpu.dma_semaphore, #tpu.memory_space<semaphore_mem>>
        %dma_start3A = tpu.memref_slice %arg16[%add3A_148] : memref<1024xi32, #tpu.memory_space<vmem_shared>> -> memref<128xi32, #tpu.memory_space<vmem_shared>>
        %dma_start3A_205 = tpu.memref_slice %arg16[%add3A_148] : memref<1024xi32, #tpu.memory_space<vmem_shared>> -> memref<128xi32, #tpu.memory_space<vmem_shared>>
        tpu.enqueue_dma source(%dma_start3A_205 : memref<128xi32, #tpu.memory_space<vmem_shared>>) target(%arg15 : memref<128xi32, #tpu.memory_space<vmem>>) target_semaphore(%run_scoped3A : memref<!tpu.dma_semaphore, #tpu.memory_space<semaphore_mem>>)
        %dma_wait3A = tpu.memref_slice %arg16[%add3A_148] : memref<1024xi32, #tpu.memory_space<vmem_shared>> -> memref<128xi32, #tpu.memory_space<vmem_shared>>
        %dma_wait3A_206 = tpu.memref_slice %arg16[%add3A_148] : memref<1024xi32, #tpu.memory_space<vmem_shared>> -> memref<128xi32, #tpu.memory_space<vmem_shared>>
        tpu.wait_dma2 semaphore(%run_scoped3A : memref<!tpu.dma_semaphore, #tpu.memory_space<semaphore_mem>>) src(%dma_wait3A_206 : memref<128xi32, #tpu.memory_space<vmem_shared>>) dst(%arg15 : memref<128xi32, #tpu.memory_space<vmem>>)
        tpu.yield
      }) : () -> ()
      %get3A = arith.constant 0 : index
      %get3A_149 = tpu.vector_load %arg15[%get3A] {strides = array<i32>} : memref<128xi32, #tpu.memory_space<vmem>>, vector<16xi32>,
      %bitcast3A_150 = vector.bitcast %get3A_149 : vector<16xi32> to vector<16xf32>
      %get3A_151 = arith.constant 16 : index
      %get3A_152 = tpu.vector_load %arg15[%get3A_151] {strides = array<i32>} : memref<128xi32, #tpu.memory_space<vmem>>, vector<16xi32>,
      %get3A_153 = arith.constant 32 : index
      %get3A_154 = tpu.vector_load %arg15[%get3A_153] {strides = array<i32>} : memref<128xi32, #tpu.memory_space<vmem>>, vector<16xi32>,
      %bitcast3A_155 = vector.bitcast %get3A_154 : vector<16xi32> to vector<16xf32>
      %get3A_156 = arith.constant 48 : index
      %get3A_157 = tpu.vector_load %arg15[%get3A_156] {strides = array<i32>} : memref<128xi32, #tpu.memory_space<vmem>>, vector<16xi32>,
      %gt3A_158 = arith.cmpf ogt, %bitcast3A_155, %bitcast3A_150 : vector<16xf32>
      %eq3A_159 = arith.cmpf oeq, %bitcast3A_155, %bitcast3A_150 : vector<16xf32>
      %lt3A_160 = arith.cmpi slt, %get3A_157, %get3A_152 : vector<16xi32>
      %and3A_161 = arith.andi %eq3A_159, %lt3A_160 : vector<16xi1>
      %or3A_162 = arith.ori %gt3A_158, %and3A_161 : vector<16xi1>
      %select_n3A_163 = arith.select %or3A_162, %bitcast3A_155, %bitcast3A_150 : vector<16xi1>, vector<16xf32>
      %select_n3A_164 = arith.select %or3A_162, %get3A_157, %get3A_152 : vector<16xi1>, vector<16xi32>
      %get3A_165 = arith.constant 64 : index
      %get3A_166 = tpu.vector_load %arg15[%get3A_165] {strides = array<i32>} : memref<128xi32, #tpu.memory_space<vmem>>, vector<16xi32>,
      %bitcast3A_167 = vector.bitcast %get3A_166 : vector<16xi32> to vector<16xf32>
      %get3A_168 = arith.constant 80 : index
      %get3A_169 = tpu.vector_load %arg15[%get3A_168] {strides = array<i32>} : memref<128xi32, #tpu.memory_space<vmem>>, vector<16xi32>,
      %gt3A_170 = arith.cmpf ogt, %bitcast3A_167, %select_n3A_163 : vector<16xf32>
      %eq3A_171 = arith.cmpf oeq, %bitcast3A_167, %select_n3A_163 : vector<16xf32>
      %lt3A_172 = arith.cmpi slt, %get3A_169, %select_n3A_164 : vector<16xi32>
      %and3A_173 = arith.andi %eq3A_171, %lt3A_172 : vector<16xi1>
      %or3A_174 = arith.ori %gt3A_170, %and3A_173 : vector<16xi1>
      %select_n3A_175 = arith.select %or3A_174, %bitcast3A_167, %select_n3A_163 : vector<16xi1>, vector<16xf32>
      %select_n3A_176 = arith.select %or3A_174, %get3A_169, %select_n3A_164 : vector<16xi1>, vector<16xi32>
      %get3A_177 = arith.constant 96 : index
      %get3A_178 = tpu.vector_load %arg15[%get3A_177] {strides = array<i32>} : memref<128xi32, #tpu.memory_space<vmem>>, vector<16xi32>,
      %bitcast3A_179 = vector.bitcast %get3A_178 : vector<16xi32> to vector<16xf32>
      %get3A_180 = arith.constant 112 : index
      %get3A_181 = tpu.vector_load %arg15[%get3A_180] {strides = array<i32>} : memref<128xi32, #tpu.memory_space<vmem>>, vector<16xi32>,
      %gt3A_182 = arith.cmpf ogt, %bitcast3A_179, %select_n3A_175 : vector<16xf32>
      %eq3A_183 = arith.cmpf oeq, %bitcast3A_179, %select_n3A_175 : vector<16xf32>
      %lt3A_184 = arith.cmpi slt, %get3A_181, %select_n3A_176 : vector<16xi32>
      %and3A_185 = arith.andi %eq3A_183, %lt3A_184 : vector<16xi1>
      %or3A_186 = arith.ori %gt3A_182, %and3A_185 : vector<16xi1>
      %select_n3A_187 = arith.select %or3A_186, %bitcast3A_179, %select_n3A_175 : vector<16xi1>, vector<16xf32>
      %select_n3A_188 = arith.select %or3A_186, %get3A_181, %select_n3A_176 : vector<16xi1>, vector<16xi32>
      %reduce_max3A = arith.constant true
      %reduce_max3A_189 = vector.broadcast %reduce_max3A : i1 to vector<16xi1>
      %reduce_max3A_190 = tpu.scan <max>, %select_n3A_187 masked %reduce_max3A_189 : vector<16xf32>, vector<16xi1> -> vector<16xf32>
      %reduce_max3A_191 = vector.extract %reduce_max3A_190[15] : f32 from vector<16xf32>
      %eq3A_192 = vector.broadcast %reduce_max3A_191 : f32 to vector<16xf32>
      %eq3A_193 = arith.cmpf oeq, %select_n3A_187, %eq3A_192 : vector<16xf32>
      %jit3A_194 = arith.constant 2147483647 : i32
      %broadcast_in_dim3A_195 = vector.broadcast %jit3A_194 : i32 to vector<16xi32>
      %select_n3A_196 = arith.select %eq3A_193, %select_n3A_188, %broadcast_in_dim3A_195 : vector<16xi1>, vector<16xi32>
      %reduce_min3A = arith.constant true
      %reduce_min3A_197 = vector.broadcast %reduce_min3A : i1 to vector<16xi1>
      %reduce_min3A_198 = arith.constant -2147483648 : i32
      %reduce_min3A_199 = vector.broadcast %reduce_min3A_198 : i32 to vector<16xi32>
      %reduce_min3A_200 = arith.xori %select_n3A_196, %reduce_min3A_199 : vector<16xi32>
      %reduce_min3A_201 = tpu.scan <min>, %reduce_min3A_200 masked %reduce_min3A_197 : vector<16xi32>, vector<16xi1> -> vector<16xi32>
      %reduce_min3A_202 = arith.xori %reduce_min3A_201, %reduce_min3A_199 : vector<16xi32>
      %reduce_min3A_203 = vector.extract %reduce_min3A_202[15] : i32 from vector<16xi32>
      %broadcast_in_dim3A_204 = vector.broadcast %reduce_min3A_203 : i32 to vector<16xi32>
      scf.yield %broadcast_in_dim3A_204 : vector<16xi32>
    }
    %scan3A_54 = arith.constant 512 : i32
    %eq3A_55 = arith.constant 0 : i32
    %eq3A_56 = arith.cmpi eq, %select_n3A_28, %eq3A_55 : i32
    %convert_element_type3A = arith.extui %eq3A_56 : i1 to i32
    %cond3A = arith.constant 0 : i32
    %cond3A_57 = arith.cmpi ne, %convert_element_type3A, %cond3A : i32
    scf.if %cond3A_57 {
      "tpu.region"() ({
        %run_scoped3A = tpu.sem_alloc : memref<!tpu.dma_semaphore, #tpu.memory_space<semaphore_mem>>
        %dma_start3A = arith.constant 0 : i32
        %dma_start3A_69 = tpu.memref_slice %arg3[%add3A_30, %dma_start3A] : memref<8x1536xf32, #tpu.memory_space<hbm>> -> memref<1x1536xf32, #tpu.memory_space<hbm>>
        %dma_start3A_70 = tpu.memref_squeeze %dma_start3A_69 : memref<1x1536xf32, #tpu.memory_space<hbm>> -> memref<1536xf32, #tpu.memory_space<hbm>>
        %dma_start3A_71 = arith.constant 0 : i32
        %dma_start3A_72 = tpu.memref_slice %arg3[%add3A_30, %dma_start3A_71] : memref<8x1536xf32, #tpu.memory_space<hbm>> -> memref<1x1536xf32, #tpu.memory_space<hbm>>
        %dma_start3A_73 = tpu.memref_squeeze %dma_start3A_72 : memref<1x1536xf32, #tpu.memory_space<hbm>> -> memref<1536xf32, #tpu.memory_space<hbm>>
        tpu.enqueue_dma source(%arg9 : memref<1536xf32, #tpu.memory_space<vmem>>) target(%dma_start3A_73 : memref<1536xf32, #tpu.memory_space<hbm>>) target_semaphore(%run_scoped3A : memref<!tpu.dma_semaphore, #tpu.memory_space<semaphore_mem>>)
        %dma_wait3A = arith.constant 0 : i32
        %dma_wait3A_74 = tpu.memref_slice %arg3[%add3A_30, %dma_wait3A] : memref<8x1536xf32, #tpu.memory_space<hbm>> -> memref<1x1536xf32, #tpu.memory_space<hbm>>
        %dma_wait3A_75 = tpu.memref_squeeze %dma_wait3A_74 : memref<1x1536xf32, #tpu.memory_space<hbm>> -> memref<1536xf32, #tpu.memory_space<hbm>>
        %dma_wait3A_76 = arith.constant 0 : i32
        %dma_wait3A_77 = tpu.memref_slice %arg3[%add3A_30, %dma_wait3A_76] : memref<8x1536xf32, #tpu.memory_space<hbm>> -> memref<1x1536xf32, #tpu.memory_space<hbm>>
        %dma_wait3A_78 = tpu.memref_squeeze %dma_wait3A_77 : memref<1x1536xf32, #tpu.memory_space<hbm>> -> memref<1536xf32, #tpu.memory_space<hbm>>
        tpu.wait_dma2 semaphore(%run_scoped3A : memref<!tpu.dma_semaphore, #tpu.memory_space<semaphore_mem>>) src(%arg9 : memref<1536xf32, #tpu.memory_space<vmem>>) dst(%dma_wait3A_78 : memref<1536xf32, #tpu.memory_space<hbm>>)
        tpu.yield
      }) : () -> ()
    } else {
    }
    %mul3A_58 = arith.constant 128 : i32
    %mul3A_59 = arith.muli %select_n3A_28, %mul3A_58 : i32
    %scan3A_60 = arith.constant 0 : i32
    %scan3A_61 = arith.constant 0 : i32
    %scan3A_62 = arith.constant 128 : i32
    %scan3A_63 = arith.addi %scan3A_61, %scan3A_62 : i32
    %scan3A_64 = arith.constant 1 : i32
    %scan3A_65 = scf.for %scan3A_69 = %scan3A_61 to %scan3A_63 step %scan3A_64 iter_args(%scan3A_70 = %scan3A_60) -> (i32)  : i32 {
      %add3A_71 = arith.addi %mul3A_59, %scan3A_69 : i32
      %broadcast_in_dim3A_72 = vector.broadcast %add3A_71 : i32 to vector<16xi32>
      %gather3A = tpu.vector_load_idx %arg9[%broadcast_in_dim3A_72] : memref<1536xf32, #tpu.memory_space<vmem>>[vector<16xi32>], vector<16xf32>,
      %add3A_73 = arith.constant 512 : i32
      %add3A_74 = vector.broadcast %add3A_73 : i32 to vector<16xi32>
      %add3A_75 = arith.addi %broadcast_in_dim3A_72, %add3A_74 : vector<16xi32>
      %gather3A_76 = tpu.vector_load_idx %arg9[%add3A_75] : memref<1536xf32, #tpu.memory_space<vmem>>[vector<16xi32>], vector<16xf32>,
      %add3A_77 = arith.constant 1024 : i32
      %add3A_78 = vector.broadcast %add3A_77 : i32 to vector<16xi32>
      %add3A_79 = arith.addi %broadcast_in_dim3A_72, %add3A_78 : vector<16xi32>
      %gather3A_80 = tpu.vector_load_idx %arg9[%add3A_79] : memref<1536xf32, #tpu.memory_space<vmem>>[vector<16xi32>], vector<16xf32>,
      %mul3A_81 = arith.mulf %gather3A, %gather3A : vector<16xf32>
      %mul3A_82 = arith.mulf %gather3A_76, %gather3A_76 : vector<16xf32>
      %add3A_83 = arith.addf %mul3A_81, %mul3A_82 : vector<16xf32>
      %mul3A_84 = arith.mulf %gather3A_80, %gather3A_80 : vector<16xf32>
      %add3A_85 = arith.addf %add3A_83, %mul3A_84 : vector<16xf32>
      %bitcast3A = vector.bitcast %gather3A : vector<16xf32> to vector<16xi32>
      %shift_right_logical3A = arith.constant 16 : i32
      %shift_right_logical3A_86 = vector.broadcast %shift_right_logical3A : i32 to vector<16xi32>
      %shift_right_logical3A_87 = arith.shrui %bitcast3A, %shift_right_logical3A_86 : vector<16xi32>
      %and3A_88 = arith.constant 1 : i32
      %and3A_89 = vector.broadcast %and3A_88 : i32 to vector<16xi32>
      %and3A_90 = arith.andi %shift_right_logical3A_87, %and3A_89 : vector<16xi32>
      %add3A_91 = arith.constant 32767 : i32
      %add3A_92 = vector.broadcast %add3A_91 : i32 to vector<16xi32>
      %add3A_93 = arith.addi %bitcast3A, %add3A_92 : vector<16xi32>
      %add3A_94 = arith.addi %add3A_93, %and3A_90 : vector<16xi32>
      %and3A_95 = arith.constant -65536 : i32
      %and3A_96 = vector.broadcast %and3A_95 : i32 to vector<16xi32>
      %and3A_97 = arith.andi %add3A_94, %and3A_96 : vector<16xi32>
      %bitcast3A_98 = vector.bitcast %and3A_97 : vector<16xi32> to vector<16xf32>
      %bitcast3A_99 = vector.bitcast %gather3A_76 : vector<16xf32> to vector<16xi32>
      %shift_right_logical3A_100 = arith.constant 16 : i32
      %shift_right_logical3A_101 = vector.broadcast %shift_right_logical3A_100 : i32 to vector<16xi32>
      %shift_right_logical3A_102 = arith.shrui %bitcast3A_99, %shift_right_logical3A_101 : vector<16xi32>
      %and3A_103 = arith.constant 1 : i32
      %and3A_104 = vector.broadcast %and3A_103 : i32 to vector<16xi32>
      %and3A_105 = arith.andi %shift_right_logical3A_102, %and3A_104 : vector<16xi32>
      %add3A_106 = arith.constant 32767 : i32
      %add3A_107 = vector.broadcast %add3A_106 : i32 to vector<16xi32>
      %add3A_108 = arith.addi %bitcast3A_99, %add3A_107 : vector<16xi32>
      %add3A_109 = arith.addi %add3A_108, %and3A_105 : vector<16xi32>
      %and3A_110 = arith.constant -65536 : i32
      %and3A_111 = vector.broadcast %and3A_110 : i32 to vector<16xi32>
      %and3A_112 = arith.andi %add3A_109, %and3A_111 : vector<16xi32>
      %bitcast3A_113 = vector.bitcast %and3A_112 : vector<16xi32> to vector<16xf32>
      %bitcast3A_114 = vector.bitcast %gather3A_80 : vector<16xf32> to vector<16xi32>
      %shift_right_logical3A_115 = arith.constant 16 : i32
      %shift_right_logical3A_116 = vector.broadcast %shift_right_logical3A_115 : i32 to vector<16xi32>
      %shift_right_logical3A_117 = arith.shrui %bitcast3A_114, %shift_right_logical3A_116 : vector<16xi32>
      %and3A_118 = arith.constant 1 : i32
      %and3A_119 = vector.broadcast %and3A_118 : i32 to vector<16xi32>
      %and3A_120 = arith.andi %shift_right_logical3A_117, %and3A_119 : vector<16xi32>
      %add3A_121 = arith.constant 32767 : i32
      %add3A_122 = vector.broadcast %add3A_121 : i32 to vector<16xi32>
      %add3A_123 = arith.addi %bitcast3A_114, %add3A_122 : vector<16xi32>
      %add3A_124 = arith.addi %add3A_123, %and3A_120 : vector<16xi32>
      %and3A_125 = arith.constant -65536 : i32
      %and3A_126 = vector.broadcast %and3A_125 : i32 to vector<16xi32>
      %and3A_127 = arith.andi %add3A_124, %and3A_126 : vector<16xi32>
      %bitcast3A_128 = vector.bitcast %and3A_127 : vector<16xi32> to vector<16xf32>
      %broadcast_in_dim3A_129 = arith.constant 0x7F800000 : f32
      %broadcast_in_dim3A_130 = vector.broadcast %broadcast_in_dim3A_129 : f32 to vector<16xf32>
      %broadcast_in_dim3A_131 = arith.constant 0x7F800000 : f32
      %broadcast_in_dim3A_132 = vector.broadcast %broadcast_in_dim3A_131 : f32 to vector<16xf32>
      %broadcast_in_dim3A_133 = arith.constant 0x7F800000 : f32
      %broadcast_in_dim3A_134 = vector.broadcast %broadcast_in_dim3A_133 : f32 to vector<16xf32>
      %broadcast_in_dim3A_135 = arith.constant 0x7F800000 : f32
      %broadcast_in_dim3A_136 = vector.broadcast %broadcast_in_dim3A_135 : f32 to vector<16xf32>
      %broadcast_in_dim3A_137 = arith.constant 0x7F800000 : f32
      %broadcast_in_dim3A_138 = vector.broadcast %broadcast_in_dim3A_137 : f32 to vector<16xf32>
      %broadcast_in_dim3A_139 = arith.constant 0x7F800000 : f32
      %broadcast_in_dim3A_140 = vector.broadcast %broadcast_in_dim3A_139 : f32 to vector<16xf32>
      %broadcast_in_dim3A_141 = arith.constant 0x7F800000 : f32
      %broadcast_in_dim3A_142 = vector.broadcast %broadcast_in_dim3A_141 : f32 to vector<16xf32>
      %broadcast_in_dim3A_143 = arith.constant 0x7F800000 : f32
      %broadcast_in_dim3A_144 = vector.broadcast %broadcast_in_dim3A_143 : f32 to vector<16xf32>
      %scan3A_145 = arith.constant 0 : i32
      %scan3A_146 = arith.constant 128 : i32
      %scan3A_147 = arith.addi %scan3A_145, %scan3A_146 : i32
      %scan3A_148 = arith.constant 1 : i32
      %scan3A_149:8 = scf.for %scan3A_264 = %scan3A_145 to %scan3A_147 step %scan3A_148 iter_args(%scan3A_265 = %broadcast_in_dim3A_130, %scan3A_266 = %broadcast_in_dim3A_132, %scan3A_267 = %broadcast_in_dim3A_134, %scan3A_268 = %broadcast_in_dim3A_136, %scan3A_269 = %broadcast_in_dim3A_138, %scan3A_270 = %broadcast_in_dim3A_140, %scan3A_271 = %broadcast_in_dim3A_142, %scan3A_272 = %broadcast_in_dim3A_144) -> (vector<16xf32>, vector<16xf32>, vector<16xf32>, vector<16xf32>, vector<16xf32>, vector<16xf32>, vector<16xf32>, vector<16xf32>)  : i32 {
        %mul3A_273 = arith.constant 4 : i32
        %mul3A_274 = arith.muli %scan3A_264, %mul3A_273 : i32
        %add3A_275 = arith.constant 0 : i32
        %add3A_276 = arith.addi %mul3A_274, %add3A_275 : i32
        %mul3A_277 = arith.constant 16 : i32
        %mul3A_278 = arith.muli %add3A_276, %mul3A_277 : i32
        %get3A_279 = arith.index_cast %mul3A_278 : i32 to index
        %get3A_280 = tpu.vector_load %arg6[%get3A_279] {strides = array<i32>} : memref<24576xf32, #tpu.memory_space<vmem>>, vector<16xf32>,
        %add3A_281 = arith.constant 8192 : i32
        %add3A_282 = arith.addi %add3A_281, %mul3A_278 : i32
        %get3A_283 = arith.index_cast %add3A_282 : i32 to index
        %get3A_284 = tpu.vector_load %arg6[%get3A_283] {strides = array<i32>} : memref<24576xf32, #tpu.memory_space<vmem>>, vector<16xf32>,
        %add3A_285 = arith.constant 16384 : i32
        %add3A_286 = arith.addi %add3A_285, %mul3A_278 : i32
        %get3A_287 = arith.index_cast %add3A_286 : i32 to index
        %get3A_288 = tpu.vector_load %arg6[%get3A_287] {strides = array<i32>} : memref<24576xf32, #tpu.memory_space<vmem>>, vector<16xf32>,
        %mul3A_289 = arith.mulf %get3A_280, %bitcast3A_98 : vector<16xf32>
        %mul3A_290 = arith.mulf %get3A_284, %bitcast3A_113 : vector<16xf32>
        %mul3A_291 = arith.mulf %get3A_288, %bitcast3A_128 : vector<16xf32>
        %add3A_292 = arith.addf %mul3A_289, %mul3A_290 : vector<16xf32>
        %sub3A_293 = arith.subf %add3A_292, %mul3A_289 : vector<16xf32>
        %sub3A_294 = arith.subf %add3A_292, %sub3A_293 : vector<16xf32>
        %sub3A_295 = arith.subf %mul3A_289, %sub3A_294 : vector<16xf32>
        %sub3A_296 = arith.subf %mul3A_290, %sub3A_293 : vector<16xf32>
        %add3A_297 = arith.addf %sub3A_295, %sub3A_296 : vector<16xf32>
        %add3A_298 = arith.addf %add3A_292, %mul3A_291 : vector<16xf32>
        %sub3A_299 = arith.subf %add3A_298, %add3A_292 : vector<16xf32>
        %sub3A_300 = arith.subf %add3A_298, %sub3A_299 : vector<16xf32>
        %sub3A_301 = arith.subf %add3A_292, %sub3A_300 : vector<16xf32>
        %sub3A_302 = arith.subf %mul3A_291, %sub3A_299 : vector<16xf32>
        %add3A_303 = arith.addf %sub3A_301, %sub3A_302 : vector<16xf32>
        %add3A_304 = arith.addf %add3A_297, %add3A_303 : vector<16xf32>
        %add3A_305 = arith.addf %add3A_298, %add3A_304 : vector<16xf32>
        %add3A_306 = arith.addf %add3A_305, %add3A_85 : vector<16xf32>
        %get3A_307 = arith.index_cast %mul3A_278 : i32 to index
        %get3A_308 = tpu.vector_load %arg7[%get3A_307] {strides = array<i32>} : memref<8192xf32, #tpu.memory_space<vmem>>, vector<16xf32>,
        %add3A_309 = arith.addf %add3A_306, %get3A_308 : vector<16xf32>
        %swap3A_310 = arith.index_cast %mul3A_278 : i32 to index
        %swap3A_311 = tpu.vector_load %arg8[%swap3A_310] {strides = array<i32>} : memref<8192xf32, #tpu.memory_space<vmem>>, vector<16xf32>,
        tpu.vector_store %arg8[%swap3A_310], %add3A_309 {strides = array<i32>} : memref<8192xf32, #tpu.memory_space<vmem>>, vector<16xf32>,
        %min3A_312 = arith.minimumf %scan3A_265, %add3A_309 : vector<16xf32>
        %max3A_313 = arith.maximumf %scan3A_265, %add3A_309 : vector<16xf32>
        %min3A_314 = arith.minimumf %scan3A_266, %max3A_313 : vector<16xf32>
        %mul3A_315 = arith.constant 4 : i32
        %mul3A_316 = arith.muli %scan3A_264, %mul3A_315 : i32
        %add3A_317 = arith.constant 1 : i32
        %add3A_318 = arith.addi %mul3A_316, %add3A_317 : i32
        %mul3A_319 = arith.constant 16 : i32
        %mul3A_320 = arith.muli %add3A_318, %mul3A_319 : i32
        %get3A_321 = arith.index_cast %mul3A_320 : i32 to index
        %get3A_322 = tpu.vector_load %arg6[%get3A_321] {strides = array<i32>} : memref<24576xf32, #tpu.memory_space<vmem>>, vector<16xf32>,
        %add3A_323 = arith.constant 8192 : i32
        %add3A_324 = arith.addi %add3A_323, %mul3A_320 : i32
        %get3A_325 = arith.index_cast %add3A_324 : i32 to index
        %get3A_326 = tpu.vector_load %arg6[%get3A_325] {strides = array<i32>} : memref<24576xf32, #tpu.memory_space<vmem>>, vector<16xf32>,
        %add3A_327 = arith.constant 16384 : i32
        %add3A_328 = arith.addi %add3A_327, %mul3A_320 : i32
        %get3A_329 = arith.index_cast %add3A_328 : i32 to index
        %get3A_330 = tpu.vector_load %arg6[%get3A_329] {strides = array<i32>} : memref<24576xf32, #tpu.memory_space<vmem>>, vector<16xf32>,
        %mul3A_331 = arith.mulf %get3A_322, %bitcast3A_98 : vector<16xf32>
        %mul3A_332 = arith.mulf %get3A_326, %bitcast3A_113 : vector<16xf32>
        %mul3A_333 = arith.mulf %get3A_330, %bitcast3A_128 : vector<16xf32>
        %add3A_334 = arith.addf %mul3A_331, %mul3A_332 : vector<16xf32>
        %sub3A_335 = arith.subf %add3A_334, %mul3A_331 : vector<16xf32>
        %sub3A_336 = arith.subf %add3A_334, %sub3A_335 : vector<16xf32>
        %sub3A_337 = arith.subf %mul3A_331, %sub3A_336 : vector<16xf32>
        %sub3A_338 = arith.subf %mul3A_332, %sub3A_335 : vector<16xf32>
        %add3A_339 = arith.addf %sub3A_337, %sub3A_338 : vector<16xf32>
        %add3A_340 = arith.addf %add3A_334, %mul3A_333 : vector<16xf32>
        %sub3A_341 = arith.subf %add3A_340, %add3A_334 : vector<16xf32>
        %sub3A_342 = arith.subf %add3A_340, %sub3A_341 : vector<16xf32>
        %sub3A_343 = arith.subf %add3A_334, %sub3A_342 : vector<16xf32>
        %sub3A_344 = arith.subf %mul3A_333, %sub3A_341 : vector<16xf32>
        %add3A_345 = arith.addf %sub3A_343, %sub3A_344 : vector<16xf32>
        %add3A_346 = arith.addf %add3A_339, %add3A_345 : vector<16xf32>
        %add3A_347 = arith.addf %add3A_340, %add3A_346 : vector<16xf32>
        %add3A_348 = arith.addf %add3A_347, %add3A_85 : vector<16xf32>
        %get3A_349 = arith.index_cast %mul3A_320 : i32 to index
        %get3A_350 = tpu.vector_load %arg7[%get3A_349] {strides = array<i32>} : memref<8192xf32, #tpu.memory_space<vmem>>, vector<16xf32>,
        %add3A_351 = arith.addf %add3A_348, %get3A_350 : vector<16xf32>
        %swap3A_352 = arith.index_cast %mul3A_320 : i32 to index
        %swap3A_353 = tpu.vector_load %arg8[%swap3A_352] {strides = array<i32>} : memref<8192xf32, #tpu.memory_space<vmem>>, vector<16xf32>,
        tpu.vector_store %arg8[%swap3A_352], %add3A_351 {strides = array<i32>} : memref<8192xf32, #tpu.memory_space<vmem>>, vector<16xf32>,
        %min3A_354 = arith.minimumf %scan3A_267, %add3A_351 : vector<16xf32>
        %max3A_355 = arith.maximumf %scan3A_267, %add3A_351 : vector<16xf32>
        %min3A_356 = arith.minimumf %scan3A_268, %max3A_355 : vector<16xf32>
        %mul3A_357 = arith.constant 4 : i32
        %mul3A_358 = arith.muli %scan3A_264, %mul3A_357 : i32
        %add3A_359 = arith.constant 2 : i32
        %add3A_360 = arith.addi %mul3A_358, %add3A_359 : i32
        %mul3A_361 = arith.constant 16 : i32
        %mul3A_362 = arith.muli %add3A_360, %mul3A_361 : i32
        %get3A_363 = arith.index_cast %mul3A_362 : i32 to index
        %get3A_364 = tpu.vector_load %arg6[%get3A_363] {strides = array<i32>} : memref<24576xf32, #tpu.memory_space<vmem>>, vector<16xf32>,
        %add3A_365 = arith.constant 8192 : i32
        %add3A_366 = arith.addi %add3A_365, %mul3A_362 : i32
        %get3A_367 = arith.index_cast %add3A_366 : i32 to index
        %get3A_368 = tpu.vector_load %arg6[%get3A_367] {strides = array<i32>} : memref<24576xf32, #tpu.memory_space<vmem>>, vector<16xf32>,
        %add3A_369 = arith.constant 16384 : i32
        %add3A_370 = arith.addi %add3A_369, %mul3A_362 : i32
        %get3A_371 = arith.index_cast %add3A_370 : i32 to index
        %get3A_372 = tpu.vector_load %arg6[%get3A_371] {strides = array<i32>} : memref<24576xf32, #tpu.memory_space<vmem>>, vector<16xf32>,
        %mul3A_373 = arith.mulf %get3A_364, %bitcast3A_98 : vector<16xf32>
        %mul3A_374 = arith.mulf %get3A_368, %bitcast3A_113 : vector<16xf32>
        %mul3A_375 = arith.mulf %get3A_372, %bitcast3A_128 : vector<16xf32>
        %add3A_376 = arith.addf %mul3A_373, %mul3A_374 : vector<16xf32>
        %sub3A_377 = arith.subf %add3A_376, %mul3A_373 : vector<16xf32>
        %sub3A_378 = arith.subf %add3A_376, %sub3A_377 : vector<16xf32>
        %sub3A_379 = arith.subf %mul3A_373, %sub3A_378 : vector<16xf32>
        %sub3A_380 = arith.subf %mul3A_374, %sub3A_377 : vector<16xf32>
        %add3A_381 = arith.addf %sub3A_379, %sub3A_380 : vector<16xf32>
        %add3A_382 = arith.addf %add3A_376, %mul3A_375 : vector<16xf32>
        %sub3A_383 = arith.subf %add3A_382, %add3A_376 : vector<16xf32>
        %sub3A_384 = arith.subf %add3A_382, %sub3A_383 : vector<16xf32>
        %sub3A_385 = arith.subf %add3A_376, %sub3A_384 : vector<16xf32>
        %sub3A_386 = arith.subf %mul3A_375, %sub3A_383 : vector<16xf32>
        %add3A_387 = arith.addf %sub3A_385, %sub3A_386 : vector<16xf32>
        %add3A_388 = arith.addf %add3A_381, %add3A_387 : vector<16xf32>
        %add3A_389 = arith.addf %add3A_382, %add3A_388 : vector<16xf32>
        %add3A_390 = arith.addf %add3A_389, %add3A_85 : vector<16xf32>
        %get3A_391 = arith.index_cast %mul3A_362 : i32 to index
        %get3A_392 = tpu.vector_load %arg7[%get3A_391] {strides = array<i32>} : memref<8192xf32, #tpu.memory_space<vmem>>, vector<16xf32>,
        %add3A_393 = arith.addf %add3A_390, %get3A_392 : vector<16xf32>
        %swap3A_394 = arith.index_cast %mul3A_362 : i32 to index
        %swap3A_395 = tpu.vector_load %arg8[%swap3A_394] {strides = array<i32>} : memref<8192xf32, #tpu.memory_space<vmem>>, vector<16xf32>,
        tpu.vector_store %arg8[%swap3A_394], %add3A_393 {strides = array<i32>} : memref<8192xf32, #tpu.memory_space<vmem>>, vector<16xf32>,
        %min3A_396 = arith.minimumf %scan3A_269, %add3A_393 : vector<16xf32>
        %max3A_397 = arith.maximumf %scan3A_269, %add3A_393 : vector<16xf32>
        %min3A_398 = arith.minimumf %scan3A_270, %max3A_397 : vector<16xf32>
        %mul3A_399 = arith.constant 4 : i32
        %mul3A_400 = arith.muli %scan3A_264, %mul3A_399 : i32
        %add3A_401 = arith.constant 3 : i32
        %add3A_402 = arith.addi %mul3A_400, %add3A_401 : i32
        %mul3A_403 = arith.constant 16 : i32
        %mul3A_404 = arith.muli %add3A_402, %mul3A_403 : i32
        %get3A_405 = arith.index_cast %mul3A_404 : i32 to index
        %get3A_406 = tpu.vector_load %arg6[%get3A_405] {strides = array<i32>} : memref<24576xf32, #tpu.memory_space<vmem>>, vector<16xf32>,
        %add3A_407 = arith.constant 8192 : i32
        %add3A_408 = arith.addi %add3A_407, %mul3A_404 : i32
        %get3A_409 = arith.index_cast %add3A_408 : i32 to index
        %get3A_410 = tpu.vector_load %arg6[%get3A_409] {strides = array<i32>} : memref<24576xf32, #tpu.memory_space<vmem>>, vector<16xf32>,
        %add3A_411 = arith.constant 16384 : i32
        %add3A_412 = arith.addi %add3A_411, %mul3A_404 : i32
        %get3A_413 = arith.index_cast %add3A_412 : i32 to index
        %get3A_414 = tpu.vector_load %arg6[%get3A_413] {strides = array<i32>} : memref<24576xf32, #tpu.memory_space<vmem>>, vector<16xf32>,
        %mul3A_415 = arith.mulf %get3A_406, %bitcast3A_98 : vector<16xf32>
        %mul3A_416 = arith.mulf %get3A_410, %bitcast3A_113 : vector<16xf32>
        %mul3A_417 = arith.mulf %get3A_414, %bitcast3A_128 : vector<16xf32>
        %add3A_418 = arith.addf %mul3A_415, %mul3A_416 : vector<16xf32>
        %sub3A_419 = arith.subf %add3A_418, %mul3A_415 : vector<16xf32>
        %sub3A_420 = arith.subf %add3A_418, %sub3A_419 : vector<16xf32>
        %sub3A_421 = arith.subf %mul3A_415, %sub3A_420 : vector<16xf32>
        %sub3A_422 = arith.subf %mul3A_416, %sub3A_419 : vector<16xf32>
        %add3A_423 = arith.addf %sub3A_421, %sub3A_422 : vector<16xf32>
        %add3A_424 = arith.addf %add3A_418, %mul3A_417 : vector<16xf32>
        %sub3A_425 = arith.subf %add3A_424, %add3A_418 : vector<16xf32>
        %sub3A_426 = arith.subf %add3A_424, %sub3A_425 : vector<16xf32>
        %sub3A_427 = arith.subf %add3A_418, %sub3A_426 : vector<16xf32>
        %sub3A_428 = arith.subf %mul3A_417, %sub3A_425 : vector<16xf32>
        %add3A_429 = arith.addf %sub3A_427, %sub3A_428 : vector<16xf32>
        %add3A_430 = arith.addf %add3A_423, %add3A_429 : vector<16xf32>
        %add3A_431 = arith.addf %add3A_424, %add3A_430 : vector<16xf32>
        %add3A_432 = arith.addf %add3A_431, %add3A_85 : vector<16xf32>
        %get3A_433 = arith.index_cast %mul3A_404 : i32 to index
        %get3A_434 = tpu.vector_load %arg7[%get3A_433] {strides = array<i32>} : memref<8192xf32, #tpu.memory_space<vmem>>, vector<16xf32>,
        %add3A_435 = arith.addf %add3A_432, %get3A_434 : vector<16xf32>
        %swap3A_436 = arith.index_cast %mul3A_404 : i32 to index
        %swap3A_437 = tpu.vector_load %arg8[%swap3A_436] {strides = array<i32>} : memref<8192xf32, #tpu.memory_space<vmem>>, vector<16xf32>,
        tpu.vector_store %arg8[%swap3A_436], %add3A_435 {strides = array<i32>} : memref<8192xf32, #tpu.memory_space<vmem>>, vector<16xf32>,
        %min3A_438 = arith.minimumf %scan3A_271, %add3A_435 : vector<16xf32>
        %max3A_439 = arith.maximumf %scan3A_271, %add3A_435 : vector<16xf32>
        %min3A_440 = arith.minimumf %scan3A_272, %max3A_439 : vector<16xf32>
        scf.yield %min3A_312, %min3A_314, %min3A_354, %min3A_356, %min3A_396, %min3A_398, %min3A_438, %min3A_440 : vector<16xf32>, vector<16xf32>, vector<16xf32>, vector<16xf32>, vector<16xf32>, vector<16xf32>, vector<16xf32>, vector<16xf32>
      }
      %scan3A_150 = arith.constant 128 : i32
      %min3A_151 = arith.minimumf %scan3A_149#0, %scan3A_149#2 : vector<16xf32>
      %max3A = arith.maximumf %scan3A_149#0, %scan3A_149#2 : vector<16xf32>
      %min3A_152 = arith.minimumf %scan3A_149#1, %scan3A_149#3 : vector<16xf32>
      %min3A_153 = arith.minimumf %max3A, %min3A_152 : vector<16xf32>
      %min3A_154 = arith.minimumf %min3A_151, %scan3A_149#4 : vector<16xf32>
      %max3A_155 = arith.maximumf %min3A_151, %scan3A_149#4 : vector<16xf32>
      %min3A_156 = arith.minimumf %min3A_153, %scan3A_149#5 : vector<16xf32>
      %min3A_157 = arith.minimumf %max3A_155, %min3A_156 : vector<16xf32>
      %min3A_158 = arith.minimumf %min3A_154, %scan3A_149#6 : vector<16xf32>
      %max3A_159 = arith.maximumf %min3A_154, %scan3A_149#6 : vector<16xf32>
      %min3A_160 = arith.minimumf %min3A_157, %scan3A_149#7 : vector<16xf32>
      %min3A_161 = arith.minimumf %max3A_159, %min3A_160 : vector<16xf32>
      %reduce_max3A = arith.constant true
      %reduce_max3A_162 = vector.broadcast %reduce_max3A : i1 to vector<16xi1>
      %reduce_max3A_163 = tpu.scan <max>, %min3A_161 masked %reduce_max3A_162 : vector<16xf32>, vector<16xi1> -> vector<16xf32>
      %reduce_max3A_164 = vector.extract %reduce_max3A_163[15] : f32 from vector<16xf32>
      %broadcast_in_dim3A_165 = vector.broadcast %reduce_max3A_164 : f32 to vector<16xf32>
      %broadcast_in_dim3A_166 = arith.constant 0 : i32
      %broadcast_in_dim3A_167 = vector.broadcast %broadcast_in_dim3A_166 : i32 to vector<16xi32>
      %scan3A_168 = arith.constant 0 : i32
      %scan3A_169 = arith.constant 128 : i32
      %scan3A_170 = arith.addi %scan3A_168, %scan3A_169 : i32
      %scan3A_171 = arith.constant 1 : i32
      %scan3A_172 = scf.for %scan3A_264 = %scan3A_168 to %scan3A_170 step %scan3A_171 iter_args(%scan3A_265 = %broadcast_in_dim3A_167) -> (vector<16xi32>)  : i32 {
        %mul3A_266 = arith.constant 4 : i32
        %mul3A_267 = arith.muli %scan3A_264, %mul3A_266 : i32
        %add3A_268 = arith.constant 0 : i32
        %add3A_269 = arith.addi %mul3A_267, %add3A_268 : i32
        %mul3A_270 = arith.constant 16 : i32
        %mul3A_271 = arith.muli %add3A_269, %mul3A_270 : i32
        %get3A_272 = arith.index_cast %mul3A_271 : i32 to index
        %get3A_273 = tpu.vector_load %arg8[%get3A_272] {strides = array<i32>} : memref<8192xf32, #tpu.memory_space<vmem>>, vector<16xf32>,
        %le3A_274 = arith.cmpf ole, %get3A_273, %broadcast_in_dim3A_165 : vector<16xf32>
        %mul3A_275 = arith.constant 16 : i32
        %mul3A_276 = vector.broadcast %mul3A_275 : i32 to vector<16xi32>
        %mul3A_277 = arith.muli %scan3A_265, %mul3A_276 : vector<16xi32>
        %add3A_278 = arith.addi %iota3A, %mul3A_277 : vector<16xi32>
        tpu.vector_store_idx %arg10[%add3A_278], %get3A_273 masked %le3A_274 : memref<8208xf32, #tpu.memory_space<vmem>>[vector<16xi32>], vector<16xf32>, vector<16xi1>
        %add3A_279 = vector.broadcast %mul3A_271 : i32 to vector<16xi32>
        %add3A_280 = arith.addi %iota3A, %add3A_279 : vector<16xi32>
        tpu.vector_store_idx %arg11[%add3A_278], %add3A_280 masked %le3A_274 : memref<8208xi32, #tpu.memory_space<vmem>>[vector<16xi32>], vector<16xi32>, vector<16xi1>
        %convert_element_type3A_281 = arith.extui %le3A_274 : vector<16xi1> to vector<16xi32>
        %add3A_282 = arith.addi %scan3A_265, %convert_element_type3A_281 : vector<16xi32>
        %mul3A_283 = arith.constant 4 : i32
        %mul3A_284 = arith.muli %scan3A_264, %mul3A_283 : i32
        %add3A_285 = arith.constant 1 : i32
        %add3A_286 = arith.addi %mul3A_284, %add3A_285 : i32
        %mul3A_287 = arith.constant 16 : i32
        %mul3A_288 = arith.muli %add3A_286, %mul3A_287 : i32
        %get3A_289 = arith.index_cast %mul3A_288 : i32 to index
        %get3A_290 = tpu.vector_load %arg8[%get3A_289] {strides = array<i32>} : memref<8192xf32, #tpu.memory_space<vmem>>, vector<16xf32>,
        %le3A_291 = arith.cmpf ole, %get3A_290, %broadcast_in_dim3A_165 : vector<16xf32>
        %mul3A_292 = arith.constant 16 : i32
        %mul3A_293 = vector.broadcast %mul3A_292 : i32 to vector<16xi32>
        %mul3A_294 = arith.muli %add3A_282, %mul3A_293 : vector<16xi32>
        %add3A_295 = arith.addi %iota3A, %mul3A_294 : vector<16xi32>
        tpu.vector_store_idx %arg10[%add3A_295], %get3A_290 masked %le3A_291 : memref<8208xf32, #tpu.memory_space<vmem>>[vector<16xi32>], vector<16xf32>, vector<16xi1>
        %add3A_296 = vector.broadcast %mul3A_288 : i32 to vector<16xi32>
        %add3A_297 = arith.addi %iota3A, %add3A_296 : vector<16xi32>
        tpu.vector_store_idx %arg11[%add3A_295], %add3A_297 masked %le3A_291 : memref<8208xi32, #tpu.memory_space<vmem>>[vector<16xi32>], vector<16xi32>, vector<16xi1>
        %convert_element_type3A_298 = arith.extui %le3A_291 : vector<16xi1> to vector<16xi32>
        %add3A_299 = arith.addi %add3A_282, %convert_element_type3A_298 : vector<16xi32>
        %mul3A_300 = arith.constant 4 : i32
        %mul3A_301 = arith.muli %scan3A_264, %mul3A_300 : i32
        %add3A_302 = arith.constant 2 : i32
        %add3A_303 = arith.addi %mul3A_301, %add3A_302 : i32
        %mul3A_304 = arith.constant 16 : i32
        %mul3A_305 = arith.muli %add3A_303, %mul3A_304 : i32
        %get3A_306 = arith.index_cast %mul3A_305 : i32 to index
        %get3A_307 = tpu.vector_load %arg8[%get3A_306] {strides = array<i32>} : memref<8192xf32, #tpu.memory_space<vmem>>, vector<16xf32>,
        %le3A_308 = arith.cmpf ole, %get3A_307, %broadcast_in_dim3A_165 : vector<16xf32>
        %mul3A_309 = arith.constant 16 : i32
        %mul3A_310 = vector.broadcast %mul3A_309 : i32 to vector<16xi32>
        %mul3A_311 = arith.muli %add3A_299, %mul3A_310 : vector<16xi32>
        %add3A_312 = arith.addi %iota3A, %mul3A_311 : vector<16xi32>
        tpu.vector_store_idx %arg10[%add3A_312], %get3A_307 masked %le3A_308 : memref<8208xf32, #tpu.memory_space<vmem>>[vector<16xi32>], vector<16xf32>, vector<16xi1>
        %add3A_313 = vector.broadcast %mul3A_305 : i32 to vector<16xi32>
        %add3A_314 = arith.addi %iota3A, %add3A_313 : vector<16xi32>
        tpu.vector_store_idx %arg11[%add3A_312], %add3A_314 masked %le3A_308 : memref<8208xi32, #tpu.memory_space<vmem>>[vector<16xi32>], vector<16xi32>, vector<16xi1>
        %convert_element_type3A_315 = arith.extui %le3A_308 : vector<16xi1> to vector<16xi32>
        %add3A_316 = arith.addi %add3A_299, %convert_element_type3A_315 : vector<16xi32>
        %mul3A_317 = arith.constant 4 : i32
        %mul3A_318 = arith.muli %scan3A_264, %mul3A_317 : i32
        %add3A_319 = arith.constant 3 : i32
        %add3A_320 = arith.addi %mul3A_318, %add3A_319 : i32
        %mul3A_321 = arith.constant 16 : i32
        %mul3A_322 = arith.muli %add3A_320, %mul3A_321 : i32
        %get3A_323 = arith.index_cast %mul3A_322 : i32 to index
        %get3A_324 = tpu.vector_load %arg8[%get3A_323] {strides = array<i32>} : memref<8192xf32, #tpu.memory_space<vmem>>, vector<16xf32>,
        %le3A_325 = arith.cmpf ole, %get3A_324, %broadcast_in_dim3A_165 : vector<16xf32>
        %mul3A_326 = arith.constant 16 : i32
        %mul3A_327 = vector.broadcast %mul3A_326 : i32 to vector<16xi32>
        %mul3A_328 = arith.muli %add3A_316, %mul3A_327 : vector<16xi32>
        %add3A_329 = arith.addi %iota3A, %mul3A_328 : vector<16xi32>
        tpu.vector_store_idx %arg10[%add3A_329], %get3A_324 masked %le3A_325 : memref<8208xf32, #tpu.memory_space<vmem>>[vector<16xi32>], vector<16xf32>, vector<16xi1>
        %add3A_330 = vector.broadcast %mul3A_322 : i32 to vector<16xi32>
        %add3A_331 = arith.addi %iota3A, %add3A_330 : vector<16xi32>
        tpu.vector_store_idx %arg11[%add3A_329], %add3A_331 masked %le3A_325 : memref<8208xi32, #tpu.memory_space<vmem>>[vector<16xi32>], vector<16xi32>, vector<16xi1>
        %convert_element_type3A_332 = arith.extui %le3A_325 : vector<16xi1> to vector<16xi32>
        %add3A_333 = arith.addi %add3A_316, %convert_element_type3A_332 : vector<16xi32>
        scf.yield %add3A_333 : vector<16xi32>
      }
      %scan3A_173 = arith.constant 128 : i32
      %reduce_max3A_174 = arith.constant true
      %reduce_max3A_175 = vector.broadcast %reduce_max3A_174 : i1 to vector<16xi1>
      %reduce_max3A_176 = arith.constant -2147483648 : i32
      %reduce_max3A_177 = vector.broadcast %reduce_max3A_176 : i32 to vector<16xi32>
      %reduce_max3A_178 = arith.xori %scan3A_172, %reduce_max3A_177 : vector<16xi32>
      %reduce_max3A_179 = tpu.scan <max>, %reduce_max3A_178 masked %reduce_max3A_175 : vector<16xi32>, vector<16xi1> -> vector<16xi32>
      %reduce_max3A_180 = arith.xori %reduce_max3A_179, %reduce_max3A_177 : vector<16xi32>
      %reduce_max3A_181 = vector.extract %reduce_max3A_180[15] : i32 from vector<16xi32>
      %reduce_min3A = arith.constant true
      %reduce_min3A_182 = vector.broadcast %reduce_min3A : i1 to vector<16xi1>
      %reduce_min3A_183 = arith.constant -2147483648 : i32
      %reduce_min3A_184 = vector.broadcast %reduce_min3A_183 : i32 to vector<16xi32>
      %reduce_min3A_185 = arith.xori %scan3A_172, %reduce_min3A_184 : vector<16xi32>
      %reduce_min3A_186 = tpu.scan <min>, %reduce_min3A_185 masked %reduce_min3A_182 : vector<16xi32>, vector<16xi1> -> vector<16xi32>
      %reduce_min3A_187 = arith.xori %reduce_min3A_186, %reduce_min3A_184 : vector<16xi32>
      %reduce_min3A_188 = vector.extract %reduce_min3A_187[15] : i32 from vector<16xi32>
      %max3A_189 = arith.constant 8 : i32
      %max3A_190 = arith.maxsi %reduce_max3A_181, %max3A_189 : i32
      %sub3A_191 = arith.subi %max3A_190, %reduce_min3A_188 : i32
      %while3A = arith.constant 0 : i32
      %while3A_192 = arith.constant 0 : i32
      %while3A_193 = arith.subi %sub3A_191, %while3A : i32
      %while3A_194 = arith.addi %while3A, %while3A_193 : i32
      %while3A_195 = arith.constant 1 : i32
      %while3A_196 = arith.divsi %while3A_193, %while3A_195 : i32
      %while3A_197 = arith.muli %while3A_196, %while3A_195 : i32
      %while3A_198 = arith.addi %while3A, %while3A_197 : i32
      %while3A_199 = arith.constant 1 : i32
      %while3A_200 = scf.for %while3A_264 = %while3A to %while3A_198 step %while3A_199 iter_args(%while3A_265 = %while3A_192) -> (i32)  : i32 {
        %add3A_266 = arith.addi %reduce_min3A_188, %while3A_264 : i32
        %broadcast_in_dim3A_267 = vector.broadcast %add3A_266 : i32 to vector<16xi32>
        %le3A_268 = arith.cmpi sle, %scan3A_172, %broadcast_in_dim3A_267 : vector<16xi32>
        %mul3A_269 = arith.constant 16 : i32
        %mul3A_270 = arith.muli %add3A_266, %mul3A_269 : i32
        %add3A_271 = vector.broadcast %mul3A_270 : i32 to vector<16xi32>
        %add3A_272 = arith.addi %iota3A, %add3A_271 : vector<16xi32>
        %broadcast_in_dim3A_273 = arith.constant 0x7F800000 : f32
        %broadcast_in_dim3A_274 = vector.broadcast %broadcast_in_dim3A_273 : f32 to vector<16xf32>
        tpu.vector_store_idx %arg10[%add3A_272], %broadcast_in_dim3A_274 masked %le3A_268 : memref<8208xf32, #tpu.memory_space<vmem>>[vector<16xi32>], vector<16xf32>, vector<16xi1>
        %broadcast_in_dim3A_275 = arith.constant 2147483647 : i32
        %broadcast_in_dim3A_276 = vector.broadcast %broadcast_in_dim3A_275 : i32 to vector<16xi32>
        tpu.vector_store_idx %arg11[%add3A_272], %broadcast_in_dim3A_276 masked %le3A_268 : memref<8208xi32, #tpu.memory_space<vmem>>[vector<16xi32>], vector<16xi32>, vector<16xi1>
        %while3A_277 = arith.constant 0 : i32
        scf.yield %while3A_277 : i32
      }
      %while3A_201 = arith.constant 1 : i32
      %while3A_202 = scf.for %while3A_264 = %while3A_198 to %while3A_194 step %while3A_201 iter_args(%while3A_265 = %while3A_200) -> (i32)  : i32 {
        %add3A_266 = arith.addi %reduce_min3A_188, %while3A_264 : i32
        %broadcast_in_dim3A_267 = vector.broadcast %add3A_266 : i32 to vector<16xi32>
        %le3A_268 = arith.cmpi sle, %scan3A_172, %broadcast_in_dim3A_267 : vector<16xi32>
        %mul3A_269 = arith.constant 16 : i32
        %mul3A_270 = arith.muli %add3A_266, %mul3A_269 : i32
        %add3A_271 = vector.broadcast %mul3A_270 : i32 to vector<16xi32>
        %add3A_272 = arith.addi %iota3A, %add3A_271 : vector<16xi32>
        %broadcast_in_dim3A_273 = arith.constant 0x7F800000 : f32
        %broadcast_in_dim3A_274 = vector.broadcast %broadcast_in_dim3A_273 : f32 to vector<16xf32>
        tpu.vector_store_idx %arg10[%add3A_272], %broadcast_in_dim3A_274 masked %le3A_268 : memref<8208xf32, #tpu.memory_space<vmem>>[vector<16xi32>], vector<16xf32>, vector<16xi1>
        %broadcast_in_dim3A_275 = arith.constant 2147483647 : i32
        %broadcast_in_dim3A_276 = vector.broadcast %broadcast_in_dim3A_275 : i32 to vector<16xi32>
        tpu.vector_store_idx %arg11[%add3A_272], %broadcast_in_dim3A_276 masked %le3A_268 : memref<8208xi32, #tpu.memory_space<vmem>>[vector<16xi32>], vector<16xi32>, vector<16xi1>
        %while3A_277 = arith.constant 0 : i32
        scf.yield %while3A_277 : i32
      }
      %le3A = arith.constant 8 : i32
      %le3A_203 = arith.cmpi sle, %reduce_max3A_181, %le3A : i32
      %convert_element_type3A_204 = arith.extui %le3A_203 : i1 to i32
      %cond3A_205 = arith.constant 0 : i32
      %cond3A_206 = arith.constant 0 : i32
      %cond3A_207 = arith.cmpi ne, %convert_element_type3A_204, %cond3A_206 : i32
      %cond3A_208 = scf.if %cond3A_207 -> (i32) {
        %get3A_264 = arith.constant 0 : index
        %get3A_265 = tpu.vector_load %arg10[%get3A_264] {strides = array<i32>} : memref<8208xf32, #tpu.memory_space<vmem>>, vector<16xf32>,
        %get3A_266 = arith.constant 16 : index
        %get3A_267 = tpu.vector_load %arg10[%get3A_266] {strides = array<i32>} : memref<8208xf32, #tpu.memory_space<vmem>>, vector<16xf32>,
        %get3A_268 = arith.constant 32 : index
        %get3A_269 = tpu.vector_load %arg10[%get3A_268] {strides = array<i32>} : memref<8208xf32, #tpu.memory_space<vmem>>, vector<16xf32>,
        %get3A_270 = arith.constant 48 : index
        %get3A_271 = tpu.vector_load %arg10[%get3A_270] {strides = array<i32>} : memref<8208xf32, #tpu.memory_space<vmem>>, vector<16xf32>,
        %get3A_272 = arith.constant 64 : index
        %get3A_273 = tpu.vector_load %arg10[%get3A_272] {strides = array<i32>} : memref<8208xf32, #tpu.memory_space<vmem>>, vector<16xf32>,
        %get3A_274 = arith.constant 80 : index
        %get3A_275 = tpu.vector_load %arg10[%get3A_274] {strides = array<i32>} : memref<8208xf32, #tpu.memory_space<vmem>>, vector<16xf32>,
        %get3A_276 = arith.constant 96 : index
        %get3A_277 = tpu.vector_load %arg10[%get3A_276] {strides = array<i32>} : memref<8208xf32, #tpu.memory_space<vmem>>, vector<16xf32>,
        %get3A_278 = arith.constant 112 : index
        %get3A_279 = tpu.vector_load %arg10[%get3A_278] {strides = array<i32>} : memref<8208xf32, #tpu.memory_space<vmem>>, vector<16xf32>,
        %get3A_280 = arith.constant 0 : index
        %get3A_281 = tpu.vector_load %arg11[%get3A_280] {strides = array<i32>} : memref<8208xi32, #tpu.memory_space<vmem>>, vector<16xi32>,
        %get3A_282 = arith.constant 16 : index
        %get3A_283 = tpu.vector_load %arg11[%get3A_282] {strides = array<i32>} : memref<8208xi32, #tpu.memory_space<vmem>>, vector<16xi32>,
        %get3A_284 = arith.constant 32 : index
        %get3A_285 = tpu.vector_load %arg11[%get3A_284] {strides = array<i32>} : memref<8208xi32, #tpu.memory_space<vmem>>, vector<16xi32>,
        %get3A_286 = arith.constant 48 : index
        %get3A_287 = tpu.vector_load %arg11[%get3A_286] {strides = array<i32>} : memref<8208xi32, #tpu.memory_space<vmem>>, vector<16xi32>,
        %get3A_288 = arith.constant 64 : index
        %get3A_289 = tpu.vector_load %arg11[%get3A_288] {strides = array<i32>} : memref<8208xi32, #tpu.memory_space<vmem>>, vector<16xi32>,
        %get3A_290 = arith.constant 80 : index
        %get3A_291 = tpu.vector_load %arg11[%get3A_290] {strides = array<i32>} : memref<8208xi32, #tpu.memory_space<vmem>>, vector<16xi32>,
        %get3A_292 = arith.constant 96 : index
        %get3A_293 = tpu.vector_load %arg11[%get3A_292] {strides = array<i32>} : memref<8208xi32, #tpu.memory_space<vmem>>, vector<16xi32>,
        %get3A_294 = arith.constant 112 : index
        %get3A_295 = tpu.vector_load %arg11[%get3A_294] {strides = array<i32>} : memref<8208xi32, #tpu.memory_space<vmem>>, vector<16xi32>,
        %scan3A_296 = arith.constant 0 : i32
        %scan3A_297 = arith.constant 32 : i32
        %scan3A_298 = arith.addi %scan3A_296, %scan3A_297 : i32
        %scan3A_299 = arith.constant 1 : i32
        %scan3A_300:8 = scf.for %scan3A_303 = %scan3A_296 to %scan3A_298 step %scan3A_299 iter_args(%scan3A_304 = %get3A_265, %scan3A_305 = %get3A_267, %scan3A_306 = %get3A_269, %scan3A_307 = %get3A_271, %scan3A_308 = %get3A_273, %scan3A_309 = %get3A_275, %scan3A_310 = %get3A_277, %scan3A_311 = %get3A_279) -> (vector<16xf32>, vector<16xf32>, vector<16xf32>, vector<16xf32>, vector<16xf32>, vector<16xf32>, vector<16xf32>, vector<16xf32>)  : i32 {
          %lt3A_312 = arith.cmpf olt, %scan3A_305, %scan3A_304 : vector<16xf32>
          %eq3A_313 = arith.cmpf oeq, %scan3A_305, %scan3A_304 : vector<16xf32>
          %lt3A_314 = arith.cmpi slt, %get3A_283, %get3A_281 : vector<16xi32>
          %and3A_315 = arith.andi %eq3A_313, %lt3A_314 : vector<16xi1>
          %or3A = arith.ori %lt3A_312, %and3A_315 : vector<16xi1>
          %select_n3A_316 = arith.select %or3A, %scan3A_305, %scan3A_304 : vector<16xi1>, vector<16xf32>
          %select_n3A_317 = arith.select %or3A, %get3A_283, %get3A_281 : vector<16xi1>, vector<16xi32>
          %lt3A_318 = arith.cmpf olt, %scan3A_306, %select_n3A_316 : vector<16xf32>
          %eq3A_319 = arith.cmpf oeq, %scan3A_306, %select_n3A_316 : vector<16xf32>
          %lt3A_320 = arith.cmpi slt, %get3A_285, %select_n3A_317 : vector<16xi32>
          %and3A_321 = arith.andi %eq3A_319, %lt3A_320 : vector<16xi1>
          %or3A_322 = arith.ori %lt3A_318, %and3A_321 : vector<16xi1>
          %select_n3A_323 = arith.select %or3A_322, %scan3A_306, %select_n3A_316 : vector<16xi1>, vector<16xf32>
          %select_n3A_324 = arith.select %or3A_322, %get3A_285, %select_n3A_317 : vector<16xi1>, vector<16xi32>
          %lt3A_325 = arith.cmpf olt, %scan3A_307, %select_n3A_323 : vector<16xf32>
          %eq3A_326 = arith.cmpf oeq, %scan3A_307, %select_n3A_323 : vector<16xf32>
          %lt3A_327 = arith.cmpi slt, %get3A_287, %select_n3A_324 : vector<16xi32>
          %and3A_328 = arith.andi %eq3A_326, %lt3A_327 : vector<16xi1>
          %or3A_329 = arith.ori %lt3A_325, %and3A_328 : vector<16xi1>
          %select_n3A_330 = arith.select %or3A_329, %scan3A_307, %select_n3A_323 : vector<16xi1>, vector<16xf32>
          %select_n3A_331 = arith.select %or3A_329, %get3A_287, %select_n3A_324 : vector<16xi1>, vector<16xi32>
          %lt3A_332 = arith.cmpf olt, %scan3A_308, %select_n3A_330 : vector<16xf32>
          %eq3A_333 = arith.cmpf oeq, %scan3A_308, %select_n3A_330 : vector<16xf32>
          %lt3A_334 = arith.cmpi slt, %get3A_289, %select_n3A_331 : vector<16xi32>
          %and3A_335 = arith.andi %eq3A_333, %lt3A_334 : vector<16xi1>
          %or3A_336 = arith.ori %lt3A_332, %and3A_335 : vector<16xi1>
          %select_n3A_337 = arith.select %or3A_336, %scan3A_308, %select_n3A_330 : vector<16xi1>, vector<16xf32>
          %select_n3A_338 = arith.select %or3A_336, %get3A_289, %select_n3A_331 : vector<16xi1>, vector<16xi32>
          %lt3A_339 = arith.cmpf olt, %scan3A_309, %select_n3A_337 : vector<16xf32>
          %eq3A_340 = arith.cmpf oeq, %scan3A_309, %select_n3A_337 : vector<16xf32>
          %lt3A_341 = arith.cmpi slt, %get3A_291, %select_n3A_338 : vector<16xi32>
          %and3A_342 = arith.andi %eq3A_340, %lt3A_341 : vector<16xi1>
          %or3A_343 = arith.ori %lt3A_339, %and3A_342 : vector<16xi1>
          %select_n3A_344 = arith.select %or3A_343, %scan3A_309, %select_n3A_337 : vector<16xi1>, vector<16xf32>
          %select_n3A_345 = arith.select %or3A_343, %get3A_291, %select_n3A_338 : vector<16xi1>, vector<16xi32>
          %lt3A_346 = arith.cmpf olt, %scan3A_310, %select_n3A_344 : vector<16xf32>
          %eq3A_347 = arith.cmpf oeq, %scan3A_310, %select_n3A_344 : vector<16xf32>
          %lt3A_348 = arith.cmpi slt, %get3A_293, %select_n3A_345 : vector<16xi32>
          %and3A_349 = arith.andi %eq3A_347, %lt3A_348 : vector<16xi1>
          %or3A_350 = arith.ori %lt3A_346, %and3A_349 : vector<16xi1>
          %select_n3A_351 = arith.select %or3A_350, %scan3A_310, %select_n3A_344 : vector<16xi1>, vector<16xf32>
          %select_n3A_352 = arith.select %or3A_350, %get3A_293, %select_n3A_345 : vector<16xi1>, vector<16xi32>
          %lt3A_353 = arith.cmpf olt, %scan3A_311, %select_n3A_351 : vector<16xf32>
          %eq3A_354 = arith.cmpf oeq, %scan3A_311, %select_n3A_351 : vector<16xf32>
          %lt3A_355 = arith.cmpi slt, %get3A_295, %select_n3A_352 : vector<16xi32>
          %and3A_356 = arith.andi %eq3A_354, %lt3A_355 : vector<16xi1>
          %or3A_357 = arith.ori %lt3A_353, %and3A_356 : vector<16xi1>
          %select_n3A_358 = arith.select %or3A_357, %scan3A_311, %select_n3A_351 : vector<16xi1>, vector<16xf32>
          %select_n3A_359 = arith.select %or3A_357, %get3A_295, %select_n3A_352 : vector<16xi1>, vector<16xi32>
          %reduce_min3A_360 = arith.constant true
          %reduce_min3A_361 = vector.broadcast %reduce_min3A_360 : i1 to vector<16xi1>
          %reduce_min3A_362 = tpu.scan <min>, %select_n3A_358 masked %reduce_min3A_361 : vector<16xf32>, vector<16xi1> -> vector<16xf32>
          %reduce_min3A_363 = vector.extract %reduce_min3A_362[15] : f32 from vector<16xf32>
          %eq3A_364 = vector.broadcast %reduce_min3A_363 : f32 to vector<16xf32>
          %eq3A_365 = arith.cmpf oeq, %select_n3A_358, %eq3A_364 : vector<16xf32>
          %jit3A_366 = arith.constant 2147483647 : i32
          %broadcast_in_dim3A_367 = vector.broadcast %jit3A_366 : i32 to vector<16xi32>
          %select_n3A_368 = arith.select %eq3A_365, %select_n3A_359, %broadcast_in_dim3A_367 : vector<16xi1>, vector<16xi32>
          %reduce_min3A_369 = arith.constant true
          %reduce_min3A_370 = vector.broadcast %reduce_min3A_369 : i1 to vector<16xi1>
          %reduce_min3A_371 = arith.constant -2147483648 : i32
          %reduce_min3A_372 = vector.broadcast %reduce_min3A_371 : i32 to vector<16xi32>
          %reduce_min3A_373 = arith.xori %select_n3A_368, %reduce_min3A_372 : vector<16xi32>
          %reduce_min3A_374 = tpu.scan <min>, %reduce_min3A_373 masked %reduce_min3A_370 : vector<16xi32>, vector<16xi1> -> vector<16xi32>
          %reduce_min3A_375 = arith.xori %reduce_min3A_374, %reduce_min3A_372 : vector<16xi32>
          %reduce_min3A_376 = vector.extract %reduce_min3A_375[15] : i32 from vector<16xi32>
          %broadcast_in_dim3A_377 = vector.broadcast %scan3A_303 : i32 to vector<16xi32>
          %broadcast_in_dim3A_378 = vector.broadcast %reduce_min3A_376 : i32 to vector<16xi32>
          %eq3A_379 = arith.constant 0 : i32
          %eq3A_380 = vector.broadcast %eq3A_379 : i32 to vector<16xi32>
          %eq3A_381 = arith.cmpi eq, %iota3A, %eq3A_380 : vector<16xi32>
          tpu.vector_store_idx %arg13[%broadcast_in_dim3A_377], %broadcast_in_dim3A_378 masked %eq3A_381 : memref<32xi32, #tpu.memory_space<vmem>>[vector<16xi32>], vector<16xi32>, vector<16xi1>
          %broadcast_in_dim3A_382 = vector.broadcast %reduce_min3A_376 : i32 to vector<16xi32>
          %broadcast_in_dim3A_383 = arith.constant 0x7F800000 : f32
          %broadcast_in_dim3A_384 = vector.broadcast %broadcast_in_dim3A_383 : f32 to vector<16xf32>
          %eq3A_385 = arith.cmpi eq, %get3A_281, %broadcast_in_dim3A_382 : vector<16xi32>
          %select_n3A_386 = arith.select %eq3A_385, %broadcast_in_dim3A_384, %scan3A_304 : vector<16xi1>, vector<16xf32>
          %eq3A_387 = arith.cmpi eq, %get3A_283, %broadcast_in_dim3A_382 : vector<16xi32>
          %select_n3A_388 = arith.select %eq3A_387, %broadcast_in_dim3A_384, %scan3A_305 : vector<16xi1>, vector<16xf32>
          %eq3A_389 = arith.cmpi eq, %get3A_285, %broadcast_in_dim3A_382 : vector<16xi32>
          %select_n3A_390 = arith.select %eq3A_389, %broadcast_in_dim3A_384, %scan3A_306 : vector<16xi1>, vector<16xf32>
          %eq3A_391 = arith.cmpi eq, %get3A_287, %broadcast_in_dim3A_382 : vector<16xi32>
          %select_n3A_392 = arith.select %eq3A_391, %broadcast_in_dim3A_384, %scan3A_307 : vector<16xi1>, vector<16xf32>
          %eq3A_393 = arith.cmpi eq, %get3A_289, %broadcast_in_dim3A_382 : vector<16xi32>
          %select_n3A_394 = arith.select %eq3A_393, %broadcast_in_dim3A_384, %scan3A_308 : vector<16xi1>, vector<16xf32>
          %eq3A_395 = arith.cmpi eq, %get3A_291, %broadcast_in_dim3A_382 : vector<16xi32>
          %select_n3A_396 = arith.select %eq3A_395, %broadcast_in_dim3A_384, %scan3A_309 : vector<16xi1>, vector<16xf32>
          %eq3A_397 = arith.cmpi eq, %get3A_293, %broadcast_in_dim3A_382 : vector<16xi32>
          %select_n3A_398 = arith.select %eq3A_397, %broadcast_in_dim3A_384, %scan3A_310 : vector<16xi1>, vector<16xf32>
          %eq3A_399 = arith.cmpi eq, %get3A_295, %broadcast_in_dim3A_382 : vector<16xi32>
          %select_n3A_400 = arith.select %eq3A_399, %broadcast_in_dim3A_384, %scan3A_311 : vector<16xi1>, vector<16xf32>
          scf.yield %select_n3A_386, %select_n3A_388, %select_n3A_390, %select_n3A_392, %select_n3A_394, %select_n3A_396, %select_n3A_398, %select_n3A_400 : vector<16xf32>, vector<16xf32>, vector<16xf32>, vector<16xf32>, vector<16xf32>, vector<16xf32>, vector<16xf32>, vector<16xf32>
        }
        %scan3A_301 = arith.constant 32 : i32
        %cond3A_302 = arith.constant 0 : i32
        scf.yield %cond3A_302 : i32
      } else {
        %scan3A_264 = arith.constant 0xFF800000 : f32
        %scan3A_265 = arith.constant -1 : i32
        %scan3A_266 = arith.constant 0 : i32
        %scan3A_267 = arith.constant 32 : i32
        %scan3A_268 = arith.addi %scan3A_266, %scan3A_267 : i32
        %scan3A_269 = arith.constant 1 : i32
        %scan3A_270:2 = scf.for %scan3A_273 = %scan3A_266 to %scan3A_268 step %scan3A_269 iter_args(%scan3A_274 = %scan3A_264, %scan3A_275 = %scan3A_265) -> (f32, i32)  : i32 {
          %broadcast_in_dim3A_276 = arith.constant 0x7F800000 : f32
          %broadcast_in_dim3A_277 = vector.broadcast %broadcast_in_dim3A_276 : f32 to vector<16xf32>
          %broadcast_in_dim3A_278 = arith.constant 2147483647 : i32
          %broadcast_in_dim3A_279 = vector.broadcast %broadcast_in_dim3A_278 : i32 to vector<16xi32>
          %while3A_280 = arith.constant 0 : i32
          %while3A_281 = arith.subi %reduce_max3A_181, %while3A_280 : i32
          %while3A_282 = arith.addi %while3A_280, %while3A_281 : i32
          %while3A_283 = arith.constant 1 : i32
          %while3A_284 = arith.divsi %while3A_281, %while3A_283 : i32
          %while3A_285 = arith.muli %while3A_284, %while3A_283 : i32
          %while3A_286 = arith.addi %while3A_280, %while3A_285 : i32
          %while3A_287 = arith.constant 1 : i32
          %while3A_288:2 = scf.for %while3A_313 = %while3A_280 to %while3A_286 step %while3A_287 iter_args(%while3A_314 = %broadcast_in_dim3A_277, %while3A_315 = %broadcast_in_dim3A_279) -> (vector<16xf32>, vector<16xi32>)  : i32 {
            %mul3A_316 = arith.constant 16 : i32
            %mul3A_317 = arith.muli %while3A_313, %mul3A_316 : i32
            %get3A_318 = arith.index_cast %mul3A_317 : i32 to index
            %get3A_319 = tpu.vector_load %arg10[%get3A_318] {strides = array<i32>} : memref<8208xf32, #tpu.memory_space<vmem>>, vector<16xf32>,
            %mul3A_320 = arith.constant 16 : i32
            %mul3A_321 = arith.muli %while3A_313, %mul3A_320 : i32
            %get3A_322 = arith.index_cast %mul3A_321 : i32 to index
            %get3A_323 = tpu.vector_load %arg11[%get3A_322] {strides = array<i32>} : memref<8208xi32, #tpu.memory_space<vmem>>, vector<16xi32>,
            %broadcast_in_dim3A_324 = vector.broadcast %scan3A_274 : f32 to vector<16xf32>
            %broadcast_in_dim3A_325 = vector.broadcast %scan3A_275 : i32 to vector<16xi32>
            %gt3A = arith.cmpf ogt, %get3A_319, %broadcast_in_dim3A_324 : vector<16xf32>
            %eq3A_326 = arith.cmpf oeq, %get3A_319, %broadcast_in_dim3A_324 : vector<16xf32>
            %gt3A_327 = arith.cmpi sgt, %get3A_323, %broadcast_in_dim3A_325 : vector<16xi32>
            %and3A_328 = arith.andi %eq3A_326, %gt3A_327 : vector<16xi1>
            %or3A = arith.ori %gt3A, %and3A_328 : vector<16xi1>
            %lt3A_329 = arith.cmpf olt, %get3A_319, %while3A_314 : vector<16xf32>
            %eq3A_330 = arith.cmpf oeq, %get3A_319, %while3A_314 : vector<16xf32>
            %lt3A_331 = arith.cmpi slt, %get3A_323, %while3A_315 : vector<16xi32>
            %and3A_332 = arith.andi %eq3A_330, %lt3A_331 : vector<16xi1>
            %or3A_333 = arith.ori %lt3A_329, %and3A_332 : vector<16xi1>
            %and3A_334 = arith.andi %or3A, %or3A_333 : vector<16xi1>
            %select_n3A_335 = arith.select %and3A_334, %get3A_319, %while3A_314 : vector<16xi1>, vector<16xf32>
            %select_n3A_336 = arith.select %and3A_334, %get3A_323, %while3A_315 : vector<16xi1>, vector<16xi32>
            scf.yield %select_n3A_335, %select_n3A_336 : vector<16xf32>, vector<16xi32>
          }
          %while3A_289 = arith.constant 1 : i32
          %while3A_290:2 = scf.for %while3A_313 = %while3A_286 to %while3A_282 step %while3A_289 iter_args(%while3A_314 = %while3A_288#0, %while3A_315 = %while3A_288#1) -> (vector<16xf32>, vector<16xi32>)  : i32 {
            %mul3A_316 = arith.constant 16 : i32
            %mul3A_317 = arith.muli %while3A_313, %mul3A_316 : i32
            %get3A_318 = arith.index_cast %mul3A_317 : i32 to index
            %get3A_319 = tpu.vector_load %arg10[%get3A_318] {strides = array<i32>} : memref<8208xf32, #tpu.memory_space<vmem>>, vector<16xf32>,
            %mul3A_320 = arith.constant 16 : i32
            %mul3A_321 = arith.muli %while3A_313, %mul3A_320 : i32
            %get3A_322 = arith.index_cast %mul3A_321 : i32 to index
            %get3A_323 = tpu.vector_load %arg11[%get3A_322] {strides = array<i32>} : memref<8208xi32, #tpu.memory_space<vmem>>, vector<16xi32>,
            %broadcast_in_dim3A_324 = vector.broadcast %scan3A_274 : f32 to vector<16xf32>
            %broadcast_in_dim3A_325 = vector.broadcast %scan3A_275 : i32 to vector<16xi32>
            %gt3A = arith.cmpf ogt, %get3A_319, %broadcast_in_dim3A_324 : vector<16xf32>
            %eq3A_326 = arith.cmpf oeq, %get3A_319, %broadcast_in_dim3A_324 : vector<16xf32>
            %gt3A_327 = arith.cmpi sgt, %get3A_323, %broadcast_in_dim3A_325 : vector<16xi32>
            %and3A_328 = arith.andi %eq3A_326, %gt3A_327 : vector<16xi1>
            %or3A = arith.ori %gt3A, %and3A_328 : vector<16xi1>
            %lt3A_329 = arith.cmpf olt, %get3A_319, %while3A_314 : vector<16xf32>
            %eq3A_330 = arith.cmpf oeq, %get3A_319, %while3A_314 : vector<16xf32>
            %lt3A_331 = arith.cmpi slt, %get3A_323, %while3A_315 : vector<16xi32>
            %and3A_332 = arith.andi %eq3A_330, %lt3A_331 : vector<16xi1>
            %or3A_333 = arith.ori %lt3A_329, %and3A_332 : vector<16xi1>
            %and3A_334 = arith.andi %or3A, %or3A_333 : vector<16xi1>
            %select_n3A_335 = arith.select %and3A_334, %get3A_319, %while3A_314 : vector<16xi1>, vector<16xf32>
            %select_n3A_336 = arith.select %and3A_334, %get3A_323, %while3A_315 : vector<16xi1>, vector<16xi32>
            scf.yield %select_n3A_335, %select_n3A_336 : vector<16xf32>, vector<16xi32>
          }
          %reduce_min3A_291 = arith.constant true
          %reduce_min3A_292 = vector.broadcast %reduce_min3A_291 : i1 to vector<16xi1>
          %reduce_min3A_293 = tpu.scan <min>, %while3A_290#0 masked %reduce_min3A_292 : vector<16xf32>, vector<16xi1> -> vector<16xf32>
          %reduce_min3A_294 = vector.extract %reduce_min3A_293[15] : f32 from vector<16xf32>
          %eq3A_295 = vector.broadcast %reduce_min3A_294 : f32 to vector<16xf32>
          %eq3A_296 = arith.cmpf oeq, %while3A_290#0, %eq3A_295 : vector<16xf32>
          %jit3A_297 = arith.constant 2147483647 : i32
          %broadcast_in_dim3A_298 = vector.broadcast %jit3A_297 : i32 to vector<16xi32>
          %select_n3A_299 = arith.select %eq3A_296, %while3A_290#1, %broadcast_in_dim3A_298 : vector<16xi1>, vector<16xi32>
          %reduce_min3A_300 = arith.constant true
          %reduce_min3A_301 = vector.broadcast %reduce_min3A_300 : i1 to vector<16xi1>
          %reduce_min3A_302 = arith.constant -2147483648 : i32
          %reduce_min3A_303 = vector.broadcast %reduce_min3A_302 : i32 to vector<16xi32>
          %reduce_min3A_304 = arith.xori %select_n3A_299, %reduce_min3A_303 : vector<16xi32>
          %reduce_min3A_305 = tpu.scan <min>, %reduce_min3A_304 masked %reduce_min3A_301 : vector<16xi32>, vector<16xi1> -> vector<16xi32>
          %reduce_min3A_306 = arith.xori %reduce_min3A_305, %reduce_min3A_303 : vector<16xi32>
          %reduce_min3A_307 = vector.extract %reduce_min3A_306[15] : i32 from vector<16xi32>
          %broadcast_in_dim3A_308 = vector.broadcast %scan3A_273 : i32 to vector<16xi32>
          %broadcast_in_dim3A_309 = vector.broadcast %reduce_min3A_307 : i32 to vector<16xi32>
          %eq3A_310 = arith.constant 0 : i32
          %eq3A_311 = vector.broadcast %eq3A_310 : i32 to vector<16xi32>
          %eq3A_312 = arith.cmpi eq, %iota3A, %eq3A_311 : vector<16xi32>
          tpu.vector_store_idx %arg13[%broadcast_in_dim3A_308], %broadcast_in_dim3A_309 masked %eq3A_312 : memref<32xi32, #tpu.memory_space<vmem>>[vector<16xi32>], vector<16xi32>, vector<16xi1>
          scf.yield %reduce_min3A_294, %reduce_min3A_307 : f32, i32
        }
        %scan3A_271 = arith.constant 32 : i32
        %cond3A_272 = arith.constant 0 : i32
        scf.yield %cond3A_272 : i32
      }
      %get3A = arith.constant 0 : index
      %get3A_209 = tpu.vector_load %arg13[%get3A] {strides = array<i32>} : memref<32xi32, #tpu.memory_space<vmem>>, vector<16xi32>,
      %gather3A_210 = tpu.vector_load_idx %arg5[%get3A_209] : memref<24576xf32, #tpu.memory_space<vmem>>[vector<16xi32>], vector<16xf32>,
      %add3A_211 = arith.constant 8192 : i32
      %add3A_212 = vector.broadcast %add3A_211 : i32 to vector<16xi32>
      %add3A_213 = arith.addi %get3A_209, %add3A_212 : vector<16xi32>
      %gather3A_214 = tpu.vector_load_idx %arg5[%add3A_213] : memref<24576xf32, #tpu.memory_space<vmem>>[vector<16xi32>], vector<16xf32>,
      %add3A_215 = arith.constant 16384 : i32
      %add3A_216 = vector.broadcast %add3A_215 : i32 to vector<16xi32>
      %add3A_217 = arith.addi %get3A_209, %add3A_216 : vector<16xi32>
      %gather3A_218 = tpu.vector_load_idx %arg5[%add3A_217] : memref<24576xf32, #tpu.memory_space<vmem>>[vector<16xi32>], vector<16xf32>,
      %mul3A_219 = arith.constant 96 : i32
      %mul3A_220 = arith.muli %scan3A_69, %mul3A_219 : i32
      %add3A_221 = arith.constant 0 : i32
      %add3A_222 = arith.addi %mul3A_220, %add3A_221 : i32
      %sub3A_223 = arith.subf %gather3A_210, %gather3A : vector<16xf32>
      %swap3A = arith.index_cast %add3A_222 : i32 to index
      %swap3A_224 = tpu.vector_load %arg12[%swap3A] {strides = array<i32>} : memref<12288xf32, #tpu.memory_space<vmem>>, vector<16xf32>,
      tpu.vector_store %arg12[%swap3A], %sub3A_223 {strides = array<i32>} : memref<12288xf32, #tpu.memory_space<vmem>>, vector<16xf32>,
      %sub3A_225 = arith.subf %gather3A_214, %gather3A_76 : vector<16xf32>
      %add3A_226 = arith.constant 32 : i32
      %add3A_227 = arith.addi %add3A_222, %add3A_226 : i32
      %swap3A_228 = arith.index_cast %add3A_227 : i32 to index
      %swap3A_229 = tpu.vector_load %arg12[%swap3A_228] {strides = array<i32>} : memref<12288xf32, #tpu.memory_space<vmem>>, vector<16xf32>,
      tpu.vector_store %arg12[%swap3A_228], %sub3A_225 {strides = array<i32>} : memref<12288xf32, #tpu.memory_space<vmem>>, vector<16xf32>,
      %sub3A_230 = arith.subf %gather3A_218, %gather3A_80 : vector<16xf32>
      %add3A_231 = arith.constant 64 : i32
      %add3A_232 = arith.addi %add3A_222, %add3A_231 : i32
      %swap3A_233 = arith.index_cast %add3A_232 : i32 to index
      %swap3A_234 = tpu.vector_load %arg12[%swap3A_233] {strides = array<i32>} : memref<12288xf32, #tpu.memory_space<vmem>>, vector<16xf32>,
      tpu.vector_store %arg12[%swap3A_233], %sub3A_230 {strides = array<i32>} : memref<12288xf32, #tpu.memory_space<vmem>>, vector<16xf32>,
      %get3A_235 = arith.constant 16 : index
      %get3A_236 = tpu.vector_load %arg13[%get3A_235] {strides = array<i32>} : memref<32xi32, #tpu.memory_space<vmem>>, vector<16xi32>,
      %gather3A_237 = tpu.vector_load_idx %arg5[%get3A_236] : memref<24576xf32, #tpu.memory_space<vmem>>[vector<16xi32>], vector<16xf32>,
      %add3A_238 = arith.constant 8192 : i32
      %add3A_239 = vector.broadcast %add3A_238 : i32 to vector<16xi32>
      %add3A_240 = arith.addi %get3A_236, %add3A_239 : vector<16xi32>
      %gather3A_241 = tpu.vector_load_idx %arg5[%add3A_240] : memref<24576xf32, #tpu.memory_space<vmem>>[vector<16xi32>], vector<16xf32>,
      %add3A_242 = arith.constant 16384 : i32
      %add3A_243 = vector.broadcast %add3A_242 : i32 to vector<16xi32>
      %add3A_244 = arith.addi %get3A_236, %add3A_243 : vector<16xi32>
      %gather3A_245 = tpu.vector_load_idx %arg5[%add3A_244] : memref<24576xf32, #tpu.memory_space<vmem>>[vector<16xi32>], vector<16xf32>,
      %mul3A_246 = arith.constant 96 : i32
      %mul3A_247 = arith.muli %scan3A_69, %mul3A_246 : i32
      %add3A_248 = arith.constant 16 : i32
      %add3A_249 = arith.addi %mul3A_247, %add3A_248 : i32
      %sub3A_250 = arith.subf %gather3A_237, %gather3A : vector<16xf32>
      %swap3A_251 = arith.index_cast %add3A_249 : i32 to index
      %swap3A_252 = tpu.vector_load %arg12[%swap3A_251] {strides = array<i32>} : memref<12288xf32, #tpu.memory_space<vmem>>, vector<16xf32>,
      tpu.vector_store %arg12[%swap3A_251], %sub3A_250 {strides = array<i32>} : memref<12288xf32, #tpu.memory_space<vmem>>, vector<16xf32>,
      %sub3A_253 = arith.subf %gather3A_241, %gather3A_76 : vector<16xf32>
      %add3A_254 = arith.constant 32 : i32
      %add3A_255 = arith.addi %add3A_249, %add3A_254 : i32
      %swap3A_256 = arith.index_cast %add3A_255 : i32 to index
      %swap3A_257 = tpu.vector_load %arg12[%swap3A_256] {strides = array<i32>} : memref<12288xf32, #tpu.memory_space<vmem>>, vector<16xf32>,
      tpu.vector_store %arg12[%swap3A_256], %sub3A_253 {strides = array<i32>} : memref<12288xf32, #tpu.memory_space<vmem>>, vector<16xf32>,
      %sub3A_258 = arith.subf %gather3A_245, %gather3A_80 : vector<16xf32>
      %add3A_259 = arith.constant 64 : i32
      %add3A_260 = arith.addi %add3A_249, %add3A_259 : i32
      %swap3A_261 = arith.index_cast %add3A_260 : i32 to index
      %swap3A_262 = tpu.vector_load %arg12[%swap3A_261] {strides = array<i32>} : memref<12288xf32, #tpu.memory_space<vmem>>, vector<16xf32>,
      tpu.vector_store %arg12[%swap3A_261], %sub3A_258 {strides = array<i32>} : memref<12288xf32, #tpu.memory_space<vmem>>, vector<16xf32>,
      %scan3A_263 = arith.constant 0 : i32
      scf.yield %scan3A_263 : i32
    }
    %scan3A_66 = arith.constant 128 : i32
    %mul3A_67 = arith.constant 96 : i32
    %mul3A_68 = arith.muli %mul3A_59, %mul3A_67 : i32
    "tpu.region"() ({
      %run_scoped3A = tpu.sem_alloc : memref<!tpu.dma_semaphore, #tpu.memory_space<semaphore_mem>>
      %dma_start3A = tpu.memref_slice %arg4[%add3A_30, %mul3A_68] : memref<8x49152xf32, #tpu.memory_space<hbm>> -> memref<1x12288xf32, #tpu.memory_space<hbm>>
      %dma_start3A_69 = tpu.memref_squeeze %dma_start3A : memref<1x12288xf32, #tpu.memory_space<hbm>> -> memref<12288xf32, #tpu.memory_space<hbm>>
      %dma_start3A_70 = tpu.memref_slice %arg4[%add3A_30, %mul3A_68] : memref<8x49152xf32, #tpu.memory_space<hbm>> -> memref<1x12288xf32, #tpu.memory_space<hbm>>
      %dma_start3A_71 = tpu.memref_squeeze %dma_start3A_70 : memref<1x12288xf32, #tpu.memory_space<hbm>> -> memref<12288xf32, #tpu.memory_space<hbm>>
      tpu.enqueue_dma source(%arg12 : memref<12288xf32, #tpu.memory_space<vmem>>) target(%dma_start3A_71 : memref<12288xf32, #tpu.memory_space<hbm>>) target_semaphore(%run_scoped3A : memref<!tpu.dma_semaphore, #tpu.memory_space<semaphore_mem>>)
      %dma_wait3A = tpu.memref_slice %arg4[%add3A_30, %mul3A_68] : memref<8x49152xf32, #tpu.memory_space<hbm>> -> memref<1x12288xf32, #tpu.memory_space<hbm>>
      %dma_wait3A_72 = tpu.memref_squeeze %dma_wait3A : memref<1x12288xf32, #tpu.memory_space<hbm>> -> memref<12288xf32, #tpu.memory_space<hbm>>
      %dma_wait3A_73 = tpu.memref_slice %arg4[%add3A_30, %mul3A_68] : memref<8x49152xf32, #tpu.memory_space<hbm>> -> memref<1x12288xf32, #tpu.memory_space<hbm>>
      %dma_wait3A_74 = tpu.memref_squeeze %dma_wait3A_73 : memref<1x12288xf32, #tpu.memory_space<hbm>> -> memref<12288xf32, #tpu.memory_space<hbm>>
      tpu.wait_dma2 semaphore(%run_scoped3A : memref<!tpu.dma_semaphore, #tpu.memory_space<semaphore_mem>>) src(%arg12 : memref<12288xf32, #tpu.memory_space<vmem>>) dst(%dma_wait3A_74 : memref<12288xf32, #tpu.memory_space<hbm>>)
      tpu.yield
    }) : () -> ()
    return
  }
}

</mosaic_0001>

<sc_bundles>
// kernel: kernel.3.cloned.1.call-start
scs
__scs_entry_jumppad:
0x0: {  	(pc) =	sbr.rel $0x88, $3  }
0x1: {  	(tag) =	ssettag $0x0;
	lr =	simm.s32 $0x1  }
0x2: {  	[smem:$0x3FA0] =	sst lr;
	_ =	strace $0xD0000000  }
0x3: {  	_ = 	snop  }
0x4: {  	_ = 	snop  }
0x5: {  	_ = 	snop  }
0x6: {  	_ = 	snop  }
0x7: {  	_ = 	snop  }
__scs_overlays_trampoline_lowered:
0x8: {  	[smem:$0x3FAF] =	sst s0  }
0x9: {  	[smem:$0x3FB0] =	sst s1  }
0xa: {  	[smem:$0x3FB1] =	sst s2  }
0xb: {  	[smem:$0x3FB2] =	sst s3  }
0xc: {  	[smem:$0x3FB3] =	sst s4  }
0xd: {  	[smem:$0x3FB4] =	sst s5  }
0xe: {  	[smem:$0x3FB5] =	sst s6  }
0xf: {  	[smem:$0x3FB6] =	sst s7  }
0x10: {  	[smem:$0x3FB7] =	sst s8  }
0x11: {  	[smem:$0x3FB8] =	sst s9;
	s0 =	simm.s32 @!p0 $0x0  }
0x12: {  	s1 =	sld [smem:$0x3F9E];
	s0 =	simm.s32 @p0 $0x1  }
0x13: {  	[smem:$0x3FB9] =	sst s0;
	s0 =	simm.s32 @!p1 $0x0  }
0x14: {  	s2 =	sld [smem:$0x3F9D];
	s0 =	simm.s32 @p1 $0x1  }
0x15: {  	[smem:$0x3FBA] =	sst s0;
	s0 =	simm.s32 @!p2 $0x0  }
0x16: {  	s3 =	sld [smem:$0x3FDB];
	s0 =	simm.s32 @p2 $0x1  }
0x17: {  	s4 =	simm.s32 $0x1BF5;
	[smem:$0x3FBC] =	sst s0  }
0x18: {  	s0 =	sld [smem:$0x3F9F];
	_ =	swait.ge [sflag:s4], $0x0  }
0x19: {  	s7 =	sld [smem:$0x3FA0]  }
0x1a: {  	s8 =	sadd.s32 $0xFFFFE003, lr  }
0x1b: {  	s9 =	sadd.s32 $0xFFFFFEF7, lr;
	s5 =	simm.s32 $0xFFFFFFFF;
	p2 =	slt.u32 s8, $0xFFFFF086  }
0x1c: {  	p1 =	slt.u32 s9, $0xF7A;
	s5 =	simm.s32 @!p2 $0x0  }
0x1d: {  	s5 =	simm.s32 @p1 $0x1;
	p0 =	seq.s32 s7, s2  }
0x1e: {  	s7 =	smul.u32 @!p0 $0xF7A, s2;
	p2 =	seq.s32 @!p0 s5, $0x0  }
0x1f: {  	s9 =	smul.u32 $0xF7A, s1;
	s8 =	simm.s32 @!p0 $0x1BF5;
	p2 =	por !p2, p0  }
0x20: {  	[sflag:s8] =	ssyncset.s32 @!p0 $0xFFFFF086;
	s6 =	sadd.s32 @!p0 s3, s7;
	s7 =	simm.s32 @!p0 $0x108  }
0x21: {  	s3 =	sadd.s32 s3, s9;
	s6 =	sadd.s32 @!p0 $0x88, s6;
	s7 =	simm.s32 @p2 $0x1082  }
0x22: {  	[simem:s7], [sflag:s8] =	dma.local @!p0 [hbm:s6], $0xF7A  }
0x23: {  	s9 =	sor.u32 $0xD0000000, s2;
	s6 =	simm.s32 $0x108;
	_ =	swait.ge @!p0 [sflag:s8], $0x0  }
0x24: {  	s3 =	sadd.s32 $0x88, s3;
	s6 =	simm.s32 @!p1 $0x1082;
	[sflag:s4] =	ssyncset.s32 $0xFFFFF086  }
0x25: {  	[simem:s6], [sflag:s4] =	dma.local [hbm:s3], $0xF7A  }
0x26: {  	[smem:$0x3FA0] =	sst s1;
	(tag) =	ssettag s2;
	_ =	strace s9  }
0x27: {  	s1 =	sld [smem:$0x3FB0]  }
0x28: {  	s2 =	sld [smem:$0x3FB1]  }
0x29: {  	s4 =	sld [smem:$0x3FB3]  }
0x2a: {  	p0 =	seq.s32 s5, $0x0;
	s5 =	sld [smem:$0x3FB4]  }
0x2b: {  	s6 =	sld [smem:$0x3FB5]  }
0x2c: {  	s7 =	sld [smem:$0x3FB6]  }
0x2d: {  	s3 =	simm.s32 $0x108;
	s8 =	sld [smem:$0x3FB7]  }
0x2e: {  	s3 =	simm.s32 @!p0 $0x1082;
	s9 =	sld [smem:$0x3FB8]  }
0x2f: {  	lr =	sadd.s32 s0, s3;
	s0 =	sld [smem:$0x3FAF]  }
0x30: {  	s3 =	sld [smem:$0x3FB2]  }
0x31: {  	[smem:$0x3FBB] =	sst s10  }
0x32: {  	s10 =	sld [smem:$0x3FB9];
	_ =	sdelay $0x3  }
0x33: {  	p0 =	seq.s32 s10, $0x1;
	s10 =	sld [smem:$0x3FBB];
	_ =	sdelay $0x3  }
0x34: {  	[smem:$0x3FBB] =	sst s10  }
0x35: {  	s10 =	sld [smem:$0x3FBA];
	_ =	sdelay $0x3  }
0x36: {  	p1 =	seq.s32 s10, $0x1;
	s10 =	sld [smem:$0x3FBB];
	_ =	sdelay $0x3  }
0x37: {  	[smem:$0x3FBB] =	sst s10  }
0x38: {  	s10 =	sld [smem:$0x3FBC]  }
0x39: {  	_ = 	snop;
	(pc) =	sbr.ind lr, $3  }
0x3a: {  	_ = 	snop  }
0x3b: {  	_ = 	snop  }
0x3c: {  	p2 =	seq.s32 s10, $0x1;
	s10 =	sld [smem:$0x3FBB]  }
0x3d: {  	_ =	shalt  }
0x3e: {  	_ =	shalt  }
0x3f: {  	_ =	shalt  }
0x40: {  	_ =	shalt  }
0x41: {  	_ =	shalt  }
0x42: {  	_ =	shalt  }
0x43: {  	_ =	shalt  }
0x44: {  	_ =	shalt  }
0x45: {  	_ =	shalt  }
0x46: {  	_ =	shalt  }
0x47: {  	_ =	shalt  }
0x48: {  	_ =	shalt  }
0x49: {  	_ =	shalt  }
0x4a: {  	_ =	shalt  }
0x4b: {  	_ =	shalt  }
0x4c: {  	_ =	shalt  }
0x4d: {  	_ =	shalt  }
0x4e: {  	_ =	shalt  }
0x4f: {  	_ =	shalt  }
0x50: {  	_ =	shalt  }
0x51: {  	_ =	shalt  }
0x52: {  	_ =	shalt  }
0x53: {  	_ =	shalt  }
0x54: {  	_ =	shalt  }
0x55: {  	_ =	shalt  }
0x56: {  	_ =	shalt  }
0x57: {  	_ =	shalt  }
0x58: {  	_ =	shalt  }
0x59: {  	_ =	shalt  }
0x5a: {  	_ =	shalt  }
0x5b: {  	_ =	shalt  }
0x5c: {  	_ =	shalt  }
0x5d: {  	_ =	shalt  }
0x5e: {  	_ =	shalt  }
0x5f: {  	_ =	shalt  }
0x60: {  	_ =	shalt  }
0x61: {  	_ =	shalt  }
0x62: {  	_ =	shalt  }
0x63: {  	_ =	shalt  }
0x64: {  	_ =	shalt  }
0x65: {  	_ =	shalt  }
0x66: {  	_ =	shalt  }
0x67: {  	_ =	shalt  }
0x68: {  	_ =	shalt  }
0x69: {  	_ =	shalt  }
0x6a: {  	_ =	shalt  }
0x6b: {  	_ =	shalt  }
0x6c: {  	_ =	shalt  }
0x6d: {  	_ =	shalt  }
0x6e: {  	_ =	shalt  }
0x6f: {  	_ =	shalt  }
0x70: {  	_ =	shalt  }
0x71: {  	_ =	shalt  }
0x72: {  	_ =	shalt  }
0x73: {  	_ =	shalt  }
0x74: {  	_ =	shalt  }
0x75: {  	_ =	shalt  }
0x76: {  	_ =	shalt  }
0x77: {  	_ =	shalt  }
0x78: {  	_ =	shalt  }
0x79: {  	_ =	shalt  }
0x7a: {  	_ =	shalt  }
0x7b: {  	_ =	shalt  }
0x7c: {  	_ =	shalt  }
0x7d: {  	_ =	shalt  }
0x7e: {  	_ =	shalt  }
0x7f: {  	_ =	shalt  }
0x80: {  	_ =	shalt  }
0x81: {  	_ =	shalt  }
0x82: {  	_ =	shalt  }
0x83: {  	_ =	shalt  }
0x84: {  	_ =	shalt  }
0x85: {  	_ =	shalt  }
0x86: {  	_ =	shalt  }
0x87: {  	_ =	shalt  }
.Lfunc_end0:
.L_simem_size_0:
called_computation_lowered:
.L_overlay_start_0:
0x88: {  	s2 =	sld [smem:$0x3FD9]  }
0x89: {  	s3 =	sld [smem:$0x3FFE];
	_ =	sdelay $0x1  }
0x8a: {  	s1 =	srdreg.scid  }
0x8b: {  	s0 =	sand.u32 $0x1, s1  }
0x8c: {  	s15 =	sshll.u32 s0, $0xA;
	s2 =	sadd.s32 s3, s2  }
0x8d: {  	s2 =	sadd.s32 s2, s15  }
0x8e: {  	[smem:$0x3FC7] =	sst s2  }
0x8f: {  	_ = 	snop  }
0x90: {  	s2 =	sld [smem:$0x3FD0];
	_ =	sdelay $0x2  }
0x91: {  	s4 =	simm.s32 $0xA;
	s5 =	simm.s32 $0x10;
	s16 =	sld [smem:$0x3FC9]  }
0x92: {  	[smem:s5], [sflag:s4] =	dma.local [hbm:s2], $0x1  }
0x93: {  	_ =	swait.eq [sflag:s4], $0x1  }
0x94: {  	[sflag:s4] =	ssyncset.done $0x0  }
0x95: {  	s17 =	sld [smem:$0x10];
	[sflag:s4] =	ssyncadd.s32 $0xFFFFFFFF  }
0x96: {  	s18 =	sld [smem:$0x11];
	(tm) =	ssettm $0x1  }
0x97: {  	s19 =	sld [smem:$0x3FFB];
	_ =	sdelay $0x3  }
0x98: {  	_ =	strace s19  }
0x99: {  	s5 =	sld [smem:$0x3FFC];
	_ =	sdelay $0x3  }
0x9a: {  	_ =	strace s5  }
0x9b: {  	s5 =	sld [smem:$0x3FFD];
	_ =	sdelay $0x3  }
0x9c: {  	_ =	strace s5  }
0x9d: {  	_ =	strace $0x8FFFFFFF  }
0x9e: {  	s20 =	sld [smem:$0x3FDB];
	_ =	sdelay $0x1  }
0x9f: {  	s6 =	simm.s32 $_scs_section_size  }
0xa0: {  	s7 =	simm.s32 $_size__tile_overlayer_lowered;
	s8 =	simm.s32 $_tile_overlayer_lowered  }
0xa1: {  	s23 =	simm.s32 $0x1BFF;
	s22 =	sshll.u32 s8, $0x1;
	s5 =	sadd.s32 s6, s20  }
0xa2: {  	s9 =	simm.s32 $0x0;
	s21 =	sshll.u32 s7, $0x1;
	s7 =	sadd.s32 s22, s5  }
0xa3: {  	[timem:s9], [sflag:s23] =	dma.local [hbm:s7], s21  }
0xa4: {  	_ =	swait.ge [sflag:s23], s21  }
0xa5: {  	s6 =	ssub.s32 $0x0, s21;
	[sflag:s23] =	ssyncset.done $0x0  }
0xa6: {  	[sflag:s23] =	ssyncadd.s32 s6;
	_ =	sdelay $0x1  }
0xa7: {  	s24 =	simm.s32 $0x1B8B  }
0xa8: {  	_ =	swait.ge [sflag:s24], $0x1  }
0xa9: {  	[sflag:s24] =	ssyncset.done $0x0  }
0xaa: {  	s25 =	simm.s32 $0x1B8E;
	[sflag:s24] =	ssyncadd.s32 $0xFFFFFFFF  }
0xab: {  	s26 =	simm.s32 $execute0_lowered;
	[smem:$0x3FD2] =	sst s25  }
0xac: {  	s6 =	sshll.u32 s26, $0x1;
	_ =	strace $0x80000046;
	[dreg:$0x1] =	wrdreg $0xFFFFFFFF  }
0xad: {  	s28 =	simm.s32 $_size_execute0_lowered;
	s5 =	sadd.s32 s5, s6;
	[dreg:$0x0] =	wrdreg $0x0  }
0xae: {  	s6 =	sshll.u32 s28, $0x1;
	[dreg:$0x2] =	wrdreg s5  }
0xaf: {  	[dreg:$0x3] =	wrdreg s6  }
0xb0: {  	[dreg:$0x4] =	wrdreg $0xC0  }
0xb1: {  	_ =	task [dreg:s9], $0x5FFFF  }
0xb2: {  	[dreg:$0x1] =	wrdreg $0xFFFFFFFF  }
0xb3: {  	[dreg:$0x0] =	wrdreg $0x60  }
0xb4: {  	[dreg:$0x2] =	wrdreg s16  }
0xb5: {  	[dreg:$0x3] =	wrdreg s18  }
0xb6: {  	[dreg:$0x4] =	wrdreg s17  }
0xb7: {  	[dreg:$0x5] =	wrdreg $0x178800  }
0xb8: {  	[dreg:$0x6] =	wrdreg $0x9  }
0xb9: {  	_ =	task.clear_ibuf [dreg:s9], $0x7FFFF;
	_ =	strace $0x90000046  }
0xba: {  	s29 =	simm.s32 $0x9;
	_ =	strace $0x80000048  }
0xbb: {  	_ =	swait.ge [sflag:s29], $0x1  }
0xbc: {  	[sflag:s29] =	ssyncadd.s32 $0xFFFFFFFF  }
0xbd: {  	_ =	strace $0x90000048  }
0xbe: {  	_ =	sfence  }
0xbf: {  	s30 =	sld [smem:$0x0];
	_ =	sdelay $0x2  }
0xc0: {  	s31 =	sshll.u32 s1, $0xD;
	s1 =	sshrl.u32 s1, $0x2  }
0xc1: {  	s3 =	sand.u32 $0x4000, s31;
	s1 =	sadd.s32 s1, s30  }
0xc2: {  	s0 =	sor.u32 s3, s0;
	s1 =	sshll.u32 s1, $0x11  }
0xc3: {  	s0 =	sor.u32 s1, s0  }
0xc4: {  	s0 =	sadd.s32 $0x8F2B, s0  }
0xc5: {  	[sflag:s0] =	ssyncadd.remote.s32 $0x1  }
0xc6: {  	_ =	sfence.sel $0xFFFF  }
0xc7: {  	[dreg:$0x0] =	wrdreg $0xFFFFFFFF;
	(pc) =	sbr.abs _section_cstart, $3  }
0xc8: {  	[dreg:$0x1] =	wrdreg $0xFFFFFFFF  }
0xc9: {  	_ =	task.clear_ibuf [dreg:s9], $0x2FFFF;
	_ =	strace $0x9FFFFFFF  }
0xca: {  	(tm) =	ssettm $0x7FFFFFFF  }
0xcb: {  	_ =	shalt  }
tec
execute0_lowered:
.L_overlay_start_1:
0x0: {  	(tag) =	ssettag $0x1  }
0x1: {  	s0 =	rddreg [dreg:$0x0]  }
0x2: {  	s1 =	rddreg [dreg:$0x1]  }
0x3: {  	s8 =	rddreg [dreg:$0x2]  }
0x4: {  	s2 =	rddreg [dreg:$0x3];
	s4 =	srdreg.scid  }
0x5: {  	s3 =	simm.s32 $0x0;
	s12 =	stileid.u32;
	s13 =	simm.s32 $0x10000  }
0x6: {  	s15 =	simm.s32 $0x17780;
	s17 =	simm.s32 $0x17800;
	s19 =	simm.s32 $0x12680  }
0x7: {  	s20 =	simm.s32 $0x17700;
	s22 =	simm.s32 $0x0;
	s4 =	sand.u32 $0x1, s4  }
0x8: {  	[smem:$0x7FF] =	sst s3;
	s6 =	sshrl.u32 s12, $0x2;
	s18 =	sand.u32 $0x3, s12  }
0x9: {  	s14 =	sshll.u32 s12, $0x7;
	s12 =	simm.s32 $0x1;
	s5 =	ssub.s32 $0x2, s4  }
0xa: {  	s4 =	sshll.u32 s4, $0x9;
	s7 =	sshll.u32 s6, $0x7;
	s10 =	smul.u32 $0x18000, s18  }
0xb: {  	_ =	strace $0x80000047;
	s16 =	sshll.u32 s6, $0x9;
	s14 =	sshrl.u32 s14, $0x2  }
0xc: {  	p0 =	sne.s32 s18, $0x0;
	s9 =	sshrl.u32 s5, $0x1;
	s7 =	sor.u32 s4, s7  }
.Ltmp0:
0xd: {  	s16 =	sshrl.u32 s16, $0x2;
	s9 =	ssub.s32 s5, s9;
	(pc) =	sbr.rel .LBB2_1-.Ltmp0, $4  }
0xe: {  	v0 =	vimm.f32 $1.000000000e+10;
	v1 =	vimm.s32 $0x400;
	vm1 =	vcmask $0x300;
	s11 =	sshrl.u32 s7, $0x3;
	s5 =	sshll.u32 s18, $0xB;
	s31 =	sor.u32 s10, s7  }
0xf: {  	vm0 =	vcmask $0x3F08;
	vm2 =	vcmask $0x704;
	v2 =	vlaneseq.u32;
	s7 =	sshll.u32 s18, $0x7;
	s18 =	simm.s32 $0x10600;
	s4 =	sadd.s32 s0, s11  }
0x10: {  	v3 =	vimm.s32 $0x0;
	v4 =	vimm.f32 $+Inf;
	v1 =	vsel vm1, $0x0, v1;
	s0 =	sshrl.u32 s31, $0x3;
	s6 =	sadd.s32 s1, s11;
	s9 =	smax.u32 s9, $0x1  }
0x11: {  	v5 =	vimm.s32 $0x7FFFFFFF;
	vm1 =	vmmov $0x1;
	v1 =	vsel vm2, $0x200, v1;
	s1 =	simm.s32 $0x400;
	s8 =	sadd.s32 s8, s0;
	s0 =	simm.s32 $0x80  }
.LBB2_31:
0x12: {  	s22 =	sadd.s32 $0x1, s22  }
0x13: {  	s0 =	simm.s32 $0x80;
	p1 =	sne.s32 s22, s9  }
.Ltmp1:
0x14: {  	s1 =	simm.s32 $0x400;
	s10 =	simm.s32 $0x14700;
	(pc) =	sbr.rel @!p1 .LBB2_32-.Ltmp1, $4  }
0x15: {  	[hbm4b:s8+s0] =	stream.strided.scatter [tilespmem:s10], [sflag:$0x1], $0x3000, s1, s0, $0x38;
	[tilespmem:$0x178C0] =	vst v63  }
0x16: {  	_ =	swait.ge [sflag:s12], $0x3000  }
0x17: {  	[sflag:s12] =	ssyncset.done $0x0  }
0x18: {  	[sflag:s12] =	ssyncadd.s32 $0xFFFFD000  }
.LBB2_1:
0x19: {  	[tilespmem:s3], [sflag:$0x1] =	stream.strided.gather [hbm4b:s4+s0], $0x6000, s1, s0, $0x38;
	[tilespmem:$0x178C0] =	vst v63  }
0x1a: {  	_ =	swait.ge [sflag:s12], $0x6000  }
0x1b: {  	[sflag:s12] =	ssyncset.done $0x0  }
0x1c: {  	s23 =	simm.s32 $0x0;
	[sflag:s12] =	ssyncadd.s32 $0xFFFFA000  }
0x1d: {  	v7 =	vld [tilespmem:s23+$0x4030]  }
0x1e: {  	v8 =	vld [tilespmem:s23+$0x0]  }
0x1f: {  	v9 =	vld [tilespmem:s23+$0x2000]  }
0x20: {  	v11 =	vld [tilespmem:s23+$0x10]  }
0x21: {  	v12 =	vld [tilespmem:s23+$0x2010]  }
0x22: {  	v16 =	vld [tilespmem:s23+$0x4010]  }
0x23: {  	v18 =	vld [tilespmem:s23+$0x20]  }
0x24: {  	v19 =	vld [tilespmem:s23+$0x2020]  }
0x25: {  	v21 =	vld [tilespmem:s23+$0x4020]  }
0x26: {  	v23 =	vld [tilespmem:s23+$0x30];
	v6 =	vmul.f32 v7, v7;
	v13 =	vshrl.u32 v7, $0x10  }
0x27: {  	v26 =	vld [tilespmem:s23+$0x2030];
	v14 =	vmul.f32 v8, v8;
	v15 =	vshrl.u32 v8, $0x10;
	v17 =	vshrl.u32 v9, $0x10  }
0x28: {  	v20 =	vshrl.u32 v11, $0x10;
	v22 =	vshrl.u32 v12, $0x10;
	v24 =	vmul.f32 v9, v9  }
0x29: {  	v25 =	vshrl.u32 v16, $0x10;
	v27 =	vmul.f32 v11, v11;
	v28 =	vshrl.u32 v18, $0x10  }
0x2a: {  	v29 =	vmul.f32 v12, v12;
	v30 =	vshrl.u32 v19, $0x10;
	v31 =	vmul.f32 v18, v18  }
0x2b: {  	v10 =	vld [tilespmem:s23+$0x4000];
	v32 =	vshrl.u32 v21, $0x10;
	v33 =	vmul.f32 v19, v19;
	v34 =	vshrl.u32 v23, $0x10  }
0x2c: {  	v35 =	vmul.f32 v23, v23;
	v36 =	vmul.f32 v26, v26;
	v13 =	vand.u32 $0x1, v13  }
0x2d: {  	v15 =	vand.u32 $0x1, v15;
	v20 =	vand.u32 $0x1, v20;
	v22 =	vand.u32 $0x1, v22  }
0x2e: {  	v25 =	vand.u32 $0x1, v25;
	v28 =	vand.u32 $0x1, v28;
	v30 =	vand.u32 $0x1, v30  }
0x2f: {  	v32 =	vand.u32 $0x1, v32;
	v34 =	vand.u32 $0x1, v34;
	v7 =	vadd.s32 v13, v7  }
0x30: {  	v13 =	vand.u32 $0x1, v17;
	v17 =	vshrl.u32 v10, $0x10;
	v8 =	vadd.s32 v15, v8  }
0x31: {  	v15 =	vshrl.u32 v26, $0x10;
	v11 =	vadd.s32 v20, v11;
	v12 =	vadd.s32 v22, v12  }
0x32: {  	v18 =	vadd.s32 v28, v18;
	v19 =	vadd.s32 v30, v19;
	v20 =	vadd.s32 v32, v21  }
0x33: {  	v22 =	vadd.s32 v34, v23;
	v7 =	vadd.s32 $0x7FFF, v7;
	v17 =	vand.u32 $0x1, v17  }
0x34: {  	v9 =	vadd.s32 v13, v9;
	v13 =	vand.u32 $0x1, v15;
	v23 =	vadd.s32 $0x7FFF, v8  }
0x35: {  	v63 =	vadd.s32 $0x7FFF, v11;
	v12 =	vadd.s32 $0x7FFF, v12;
	v18 =	vadd.s32 $0x7FFF, v18  }
0x36: {  	v19 =	vadd.s32 $0x7FFF, v19;
	v32 =	vadd.s32 $0x7FFF, v20;
	v34 =	vadd.s32 $0x7FFF, v22  }
0x37: {  	v11 =	vmul.f32 v16, v16;
	v7 =	vand.u32 $0xFFFF0000, v7;
	v15 =	vadd.s32 v17, v10  }
0x38: {  	v17 =	vadd.s32 v25, v16;
	v62 =	vadd.s32 $0x7FFF, v9;
	v8 =	vadd.s32 v13, v26  }
0x39: {  	v13 =	vadd.f32 v24, v14;
	v9 =	vadd.f32 v33, v31;
	v25 =	vand.u32 $0xFFFF0000, v23  }
0x3a: {  	v14 =	vmul.f32 v21, v21;
	v22 =	vand.u32 $0xFFFF0000, v63;
	v21 =	vand.u32 $0xFFFF0000, v12  }
0x3b: {  	v16 =	vand.u32 $0xFFFF0000, v18;
	v18 =	vand.u32 $0xFFFF0000, v32;
	v7 =	vmul.f32 $-2.000000000e+00, v7  }
0x3c: {  	v26 =	vadd.s32 $0x7FFF, v15;
	v17 =	vadd.s32 $0x7FFF, v17;
	v37 =	vadd.s32 $0x7FFF, v8  }
0x3d: {  	v15 =	vmul.f32 v10, v10;
	v10 =	vadd.f32 v29, v27;
	v8 =	vadd.f32 v36, v35  }
0x3e: {  	v24 =	vand.u32 $0xFFFF0000, v62;
	v23 =	vand.u32 $0xFFFF0000, v26;
	v20 =	vand.u32 $0xFFFF0000, v17  }
0x3f: {  	s24 =	simm.s32 $0x40;
	s25 =	simm.s32 $0x200;
	v17 =	vand.u32 $0xFFFF0000, v19;
	v19 =	vand.u32 $0xFFFF0000, v34;
	v12 =	vand.u32 $0xFFFF0000, v37;
	[tilespmem:s23+$0xA030] =	vst v7  }
.LBB2_2:
0x40: {  	p1 =	sne.s32 s25, $0x7F00;
	v7 =	vld [tilespmem:s24+$0x4030];
	v13 =	vadd.f32 v15, v13;
	v15 =	vmul.f32 $-2.000000000e+00, v25;
	v24 =	vmul.f32 $-2.000000000e+00, v24  }
0x41: {  	v23 =	vmul.f32 $-2.000000000e+00, v23;
	v10 =	vadd.f32 v11, v10;
	v11 =	vmul.f32 $-2.000000000e+00, v22;
	v25 =	vld [tilespmem:s24+$0x0]  }
0x42: {  	v20 =	vmul.f32 $-2.000000000e+00, v20;
	v9 =	vadd.f32 v14, v9;
	v22 =	vld [tilespmem:s24+$0x2000];
	[tilespmem:s23+$0x6000] =	vst v15;
	v15 =	vmul.f32 $-2.000000000e+00, v21  }
0x43: {  	v16 =	vmul.f32 $-2.000000000e+00, v16;
	v17 =	vmul.f32 $-2.000000000e+00, v17;
	v8 =	vadd.f32 v6, v8;
	v14 =	vld [tilespmem:s24+$0x4000];
	[tilespmem:s23+$0x8000] =	vst v24  }
0x44: {  	v18 =	vmul.f32 $-2.000000000e+00, v18;
	v19 =	vmul.f32 $-2.000000000e+00, v19;
	v21 =	vld [tilespmem:s24+$0x10];
	[tilespmem:s23+$0xA000] =	vst v23  }
0x45: {  	v23 =	vld [tilespmem:s24+$0x2010];
	v6 =	vmul.f32 v7, v7;
	v24 =	vshrl.u32 v7, $0x10;
	[tilespmem:s23+$0x6010] =	vst v11;
	v11 =	vmul.f32 $-2.000000000e+00, v12  }
0x46: {  	v12 =	vmul.f32 v25, v25;
	v26 =	vshrl.u32 v25, $0x10;
	v27 =	vld [tilespmem:s24+$0x4010];
	v24 =	vand.u32 $0x1, v24;
	[tilespmem:s23+$0x8010] =	vst v15  }
0x47: {  	v15 =	vand.u32 $0x1, v26;
	v26 =	vshrl.u32 v22, $0x10;
	v28 =	vld [tilespmem:s24+$0x20];
	v7 =	vadd.s32 v24, v7;
	[tilespmem:s23+$0xA010] =	vst v20  }
0x48: {  	v20 =	vand.u32 $0x1, v26;
	v24 =	vshrl.u32 v14, $0x10;
	v26 =	vld [tilespmem:s24+$0x2020];
	v7 =	vadd.s32 $0x7FFF, v7;
	[tilespmem:s23+$0x6020] =	vst v16  }
0x49: {  	v16 =	vand.u32 $0x1, v24;
	v24 =	vshrl.u32 v21, $0x10;
	v29 =	vld [tilespmem:s24+$0x4020];
	v7 =	vand.u32 $0xFFFF0000, v7;
	[tilespmem:s23+$0x8020] =	vst v17  }
0x4a: {  	v17 =	vand.u32 $0x1, v24;
	v24 =	vshrl.u32 v23, $0x10;
	v30 =	vld [tilespmem:s24+$0x30];
	v7 =	vmul.f32 $-2.000000000e+00, v7;
	[tilespmem:s23+$0xA020] =	vst v18  }
0x4b: {  	v18 =	vmul.f32 v22, v22;
	v24 =	vand.u32 $0x1, v24;
	v31 =	vshrl.u32 v27, $0x10;
	v32 =	vld [tilespmem:s24+$0x2030];
	[tilespmem:s23+$0x6030] =	vst v19  }
0x4c: {  	v19 =	vmul.f32 v21, v21;
	v31 =	vand.u32 $0x1, v31;
	v33 =	vshrl.u32 v28, $0x10;
	[tilespmem:s24+$0xA030] =	vst v7  }
0x4d: {  	v7 =	vmul.f32 v23, v23;
	v33 =	vand.u32 $0x1, v33;
	v34 =	vshrl.u32 v26, $0x10;
	[tilespmem:s23+$0x8030] =	vst v11  }
0x4e: {  	v35 =	vmul.f32 v28, v28;
	v11 =	vand.u32 $0x1, v34;
	v34 =	vshrl.u32 v29, $0x10;
	[tilespmem:s23+$0xC000] =	vst v13  }
0x4f: {  	v36 =	vmul.f32 v26, v26;
	v13 =	vand.u32 $0x1, v34;
	v34 =	vshrl.u32 v30, $0x10;
	[tilespmem:s23+$0xC010] =	vst v10  }
0x50: {  	v37 =	vmul.f32 v30, v30;
	v10 =	vand.u32 $0x1, v34;
	v34 =	vshrl.u32 v32, $0x10;
	[tilespmem:s23+$0xC020] =	vst v9  }
0x51: {  	v9 =	vadd.s32 v15, v25;
	v25 =	vmul.f32 v32, v32;
	v15 =	vand.u32 $0x1, v34;
	[tilespmem:s23+$0xC030] =	vst v8;
	s23 =	smov.u32 s24  }
0x52: {  	v16 =	vadd.s32 v16, v14;
	v17 =	vadd.s32 v17, v21;
	v8 =	vadd.s32 v20, v22  }
0x53: {  	v21 =	vadd.s32 v31, v27;
	v20 =	vadd.s32 v24, v23;
	v22 =	vadd.s32 v33, v28  }
0x54: {  	v11 =	vadd.s32 v11, v26;
	v13 =	vadd.s32 v13, v29;
	v10 =	vadd.s32 v10, v30  }
0x55: {  	v23 =	vadd.s32 $0x7FFF, v9;
	v24 =	vadd.s32 $0x7FFF, v8;
	v8 =	vadd.s32 v15, v32  }
0x56: {  	v16 =	vadd.s32 $0x7FFF, v16;
	v17 =	vadd.s32 $0x7FFF, v17;
	v20 =	vadd.s32 $0x7FFF, v20  }
0x57: {  	v26 =	vadd.s32 $0x7FFF, v21;
	v30 =	vadd.s32 $0x7FFF, v11;
	v28 =	vadd.s32 $0x7FFF, v22  }
0x58: {  	v31 =	vadd.s32 $0x7FFF, v13;
	v32 =	vadd.s32 $0x7FFF, v10;
	v33 =	vadd.s32 $0x7FFF, v8  }
0x59: {  	v13 =	vadd.f32 v18, v12;
	v15 =	vmul.f32 v14, v14;
	v10 =	vadd.f32 v7, v19  }
.Ltmp2:
0x5a: {  	v11 =	vmul.f32 v27, v27;
	v9 =	vadd.f32 v36, v35;
	v8 =	vadd.f32 v25, v37;
	(pc) =	sbr.rel @p1 .LBB2_2-.Ltmp2, $4  }
0x5b: {  	v14 =	vmul.f32 v29, v29;
	v25 =	vand.u32 $0xFFFF0000, v23;
	v24 =	vand.u32 $0xFFFF0000, v24  }
0x5c: {  	v22 =	vand.u32 $0xFFFF0000, v17;
	v23 =	vand.u32 $0xFFFF0000, v16;
	v21 =	vand.u32 $0xFFFF0000, v20  }
0x5d: {  	v17 =	vand.u32 $0xFFFF0000, v30;
	v20 =	vand.u32 $0xFFFF0000, v26;
	v16 =	vand.u32 $0xFFFF0000, v28  }
0x5e: {  	s24 =	sshra.s32 s25, $0x2;
	s25 =	sadd.s32 $0x100, s25;
	v18 =	vand.u32 $0xFFFF0000, v31;
	v19 =	vand.u32 $0xFFFF0000, v32;
	v12 =	vand.u32 $0xFFFF0000, v33  }
0x5f: {  	v7 =	vld [tilespmem:s24+$0x4030];
	v25 =	vmul.f32 $-2.000000000e+00, v25  }
0x60: {  	v26 =	vld [tilespmem:s24+$0x0];
	v24 =	vmul.f32 $-2.000000000e+00, v24;
	v23 =	vmul.f32 $-2.000000000e+00, v23  }
0x61: {  	v27 =	vld [tilespmem:s24+$0x2000];
	v22 =	vmul.f32 $-2.000000000e+00, v22;
	v13 =	vadd.f32 v15, v13;
	v45 =	vmul.f32 $-2.000000000e+00, v21  }
0x62: {  	v10 =	vadd.f32 v11, v10;
	v46 =	vmul.f32 $-2.000000000e+00, v20;
	v16 =	vmul.f32 $-2.000000000e+00, v16  }
0x63: {  	v9 =	vadd.f32 v14, v9;
	v17 =	vmul.f32 $-2.000000000e+00, v17;
	v47 =	vmul.f32 $-2.000000000e+00, v18;
	[tilespmem:s23+$0x6000] =	vst v25  }
0x64: {  	v6 =	vadd.f32 v6, v8;
	v48 =	vmul.f32 $-2.000000000e+00, v19;
	v12 =	vmul.f32 $-2.000000000e+00, v12;
	v25 =	vld [tilespmem:s24+$0x4000];
	[tilespmem:s23+$0x8000] =	vst v24  }
0x65: {  	v24 =	vld [tilespmem:s24+$0x10];
	v49 =	vshrl.u32 v7, $0x10;
	v20 =	vmul.f32 v26, v26;
	v51 =	vshrl.u32 v26, $0x10  }
0x66: {  	[tilespmem:s23+$0xA000] =	vst v23;
	v54 =	vshrl.u32 v27, $0x10;
	v31 =	vmul.f32 v27, v27;
	v52 =	vand.u32 $0x1, v49  }
0x67: {  	v23 =	vld [tilespmem:s24+$0x2010];
	v53 =	vand.u32 $0x1, v51;
	v21 =	vand.u32 $0x1, v54;
	v11 =	vadd.s32 v52, v7  }
0x68: {  	[tilespmem:s23+$0x6010] =	vst v22;
	v18 =	vadd.s32 v53, v26;
	v21 =	vadd.s32 v21, v27;
	v7 =	vmul.f32 v7, v7  }
0x69: {  	v14 =	vld [tilespmem:s24+$0x4010];
	[tilespmem:s23+$0x8010] =	vst v45;
	v28 =	vshrl.u32 v25, $0x10;
	v11 =	vadd.s32 $0x7FFF, v11;
	v18 =	vadd.s32 $0x7FFF, v18  }
0x6a: {  	v50 =	vld [tilespmem:s24+$0x20];
	[tilespmem:s23+$0xA010] =	vst v46;
	v21 =	vadd.s32 $0x7FFF, v21;
	v55 =	vand.u32 $0x1, v28;
	v56 =	vshrl.u32 v24, $0x10  }
0x6b: {  	v22 =	vld [tilespmem:s24+$0x2020];
	[tilespmem:s23+$0x6020] =	vst v16;
	v11 =	vand.u32 $0xFFFF0000, v11;
	v60 =	vmul.f32 v24, v24;
	v49 =	vand.u32 $0xFFFF0000, v21  }
0x6c: {  	v29 =	vld [tilespmem:s24+$0x4020];
	[tilespmem:s23+$0x8020] =	vst v17;
	v57 =	vand.u32 $0x1, v56;
	v58 =	vshrl.u32 v23, $0x10;
	v11 =	vmul.f32 $-2.000000000e+00, v11  }
0x6d: {  	v30 =	vld [tilespmem:s24+$0x30];
	[tilespmem:s23+$0xA020] =	vst v47;
	v35 =	vmul.f32 v23, v23;
	v39 =	vadd.s32 v55, v25;
	v47 =	vand.u32 $0xFFFF0000, v18  }
0x6e: {  	v51 =	vmul.f32 $-2.000000000e+00, v49;
	v32 =	vshrl.u32 v14, $0x10;
	v59 =	vand.u32 $0x1, v58  }
0x6f: {  	v17 =	vadd.s32 v57, v24;
	v46 =	vadd.s32 $0x7FFF, v39;
	v15 =	vmul.f32 $-2.000000000e+00, v47  }
0x70: {  	v57 =	vadd.f32 v31, v20;
	v58 =	vmul.f32 v25, v25;
	v32 =	vand.u32 $0x1, v32  }
0x71: {  	v33 =	vld [tilespmem:s24+$0x2030];
	[tilespmem:s23+$0x6030] =	vst v48;
	v34 =	vshrl.u32 v50, $0x10;
	v37 =	vmul.f32 v50, v50;
	v8 =	vadd.s32 v59, v23  }
0x72: {  	[tilespmem:s24+$0xA030] =	vst v11;
	v48 =	vadd.s32 $0x7FFF, v17;
	v59 =	vadd.f32 v35, v60;
	v60 =	vmul.f32 v14, v14  }
0x73: {  	v36 =	vshrl.u32 v22, $0x10;
	v34 =	vand.u32 $0x1, v34;
	v26 =	vmul.f32 v22, v22;
	[tilespmem:s23+$0xC020] =	vst v9  }
0x74: {  	v40 =	vadd.s32 v32, v14;
	[tilespmem:s23+$0xC030] =	vst v6;
	v6 =	vadd.s32 $0x7FFF, v8;
	v9 =	vand.u32 $0xFFFF0000, v48  }
0x75: {  	[tilespmem:s23+$0x8030] =	vst v12;
	v36 =	vand.u32 $0x1, v36;
	v38 =	vshrl.u32 v29, $0x10;
	v41 =	vadd.s32 v34, v50  }
0x76: {  	[tilespmem:s23+$0xC000] =	vst v13;
	v50 =	vand.u32 $0xFFFF0000, v46;
	v16 =	vadd.s32 $0x7FFF, v40;
	v6 =	vand.u32 $0xFFFF0000, v6  }
0x77: {  	[tilespmem:s23+$0xC010] =	vst v10;
	v9 =	vmul.f32 $-2.000000000e+00, v9;
	v10 =	vadd.f32 v60, v59;
	v38 =	vand.u32 $0x1, v38  }
0x78: {  	[tilespmem:s24+$0x6000] =	vst v15;
	v61 =	vshrl.u32 v30, $0x10;
	v24 =	vmul.f32 v30, v30;
	v42 =	vadd.s32 v36, v22  }
0x79: {  	[tilespmem:s24+$0x8000] =	vst v51;
	v8 =	vmul.f32 $-2.000000000e+00, v50;
	v12 =	vadd.s32 $0x7FFF, v41;
	v53 =	vand.u32 $0xFFFF0000, v16  }
0x7a: {  	v6 =	vmul.f32 $-2.000000000e+00, v6;
	v27 =	vand.u32 $0x1, v61;
	v62 =	vshrl.u32 v33, $0x10;
	[tilespmem:s24+$0x6010] =	vst v9  }
0x7b: {  	v23 =	vmul.f32 v33, v33;
	v43 =	vadd.s32 v38, v29;
	v52 =	vadd.s32 $0x7FFF, v42;
	[tilespmem:s24+$0xC010] =	vst v10  }
0x7c: {  	v12 =	vand.u32 $0xFFFF0000, v12;
	v15 =	vmul.f32 $-2.000000000e+00, v53;
	v63 =	vand.u32 $0x1, v62;
	[tilespmem:s24+$0xA000] =	vst v8  }
0x7d: {  	v44 =	vadd.s32 v27, v30;
	v11 =	vand.u32 $0xFFFF0000, v52;
	v12 =	vmul.f32 $-2.000000000e+00, v12;
	[tilespmem:s24+$0x8010] =	vst v6  }
0x7e: {  	v54 =	vadd.s32 $0x7FFF, v43;
	v45 =	vadd.s32 v63, v33;
	v56 =	vmul.f32 $-2.000000000e+00, v11;
	[tilespmem:s24+$0xA010] =	vst v15  }
0x7f: {  	v55 =	vadd.s32 $0x7FFF, v44;
	v8 =	vand.u32 $0xFFFF0000, v54;
	v11 =	vadd.f32 v58, v57;
	[tilespmem:s24+$0x6020] =	vst v12  }
0x80: {  	v6 =	vadd.s32 $0x7FFF, v45;
	v9 =	vand.u32 $0xFFFF0000, v55;
	v8 =	vmul.f32 $-2.000000000e+00, v8;
	[tilespmem:s24+$0x8020] =	vst v56  }
0x81: {  	p1 =	por $0x1, $0x1;
	v63 =	vadd.f32 v23, v24;
	v6 =	vand.u32 $0xFFFF0000, v6;
	v9 =	vmul.f32 $-2.000000000e+00, v9;
	[tilespmem:s24+$0xC000] =	vst v11  }
.Ltmp3:
0x82: {  	v61 =	vadd.f32 v26, v37;
	v62 =	vmul.f32 v29, v29;
	v6 =	vmul.f32 $-2.000000000e+00, v6;
	[tilespmem:s24+$0xA020] =	vst v8;
	(pc) =	sbr.rel @!p1 .LBB2_5-.Ltmp3, $4  }
0x83: {  	v7 =	vadd.f32 v7, v63;
	[tilespmem:s24+$0x6030] =	vst v9  }
0x84: {  	[tilespmem:s24+$0x8030] =	vst v6;
	v6 =	vadd.f32 v62, v61  }
0x85: {  	[tilespmem:s24+$0xC030] =	vst v7  }
0x86: {  	s1 =	simm.s32 $0x100;
	s0 =	simm.s32 $0x0;
	s23 =	simm.s32 $0x0;
	[tilespmem:s24+$0xC020] =	vst v6  }
.LBB2_4:
0x87: {  	p1 =	sne.s32 s1, $0x1F00;
	[tilespmem:s0+$0xE030] =	vst v0;
	s24 =	smov.u32 s1;
	s1 =	sadd.s32 $0x100, s1  }
.Ltmp4:
0x88: {  	[tilespmem:s0+$0xE020] =	vst v0;
	(pc) =	sbr.rel @p1 .LBB2_4-.Ltmp4, $3  }
0x89: {  	[tilespmem:s0+$0xE000] =	vst v0  }
0x8a: {  	[tilespmem:s0+$0xE010] =	vst v0;
	_ =	sdelay $0x1  }
0x8b: {  	s0 =	sshra.s32 s24, $0x2  }
.LBB2_5:
0x8c: {  	[tilespmem:s0+$0xE030] =	vst v0  }
0x8d: {  	[tilespmem:s0+$0xE020] =	vst v0  }
0x8e: {  	[tilespmem:s0+$0xE000] =	vst v0  }
0x8f: {  	v6 =	vimm.s32 $0x0;
	[tilespmem:s0+$0xE010] =	vst v0;
	v9 =	vimm.s32 $0x0  }
.LBB2_6:
0x90: {  	v7 =	vadd.s32 $0x2000, v9  }
0x91: {  	v8 =	vadd.s32 $0x4000, v9;
	_ =	sdelay $0x2  }
0x92: {  	s1 =	simm.s32 $0x0  }
0x93: {  	v7 =	vld.idx.msk [tilespmem:v7+s1+$0x0], $0xffff  }
0x94: {  	v8 =	vld.idx.msk [tilespmem:v8+s1+$0x0], $0xffff  }
0x95: {  	v9 =	vld.idx.msk [tilespmem:v9+s1+$0x0], $0xffff  }
0x96: {  	v10 =	vor.u32 s23, v1;
	_ =	sdelay $0x2  }
0x97: {  	s0 =	sadd.s32 $0x0, s5;
	v11 =	vsel vm0, v8, v7  }
0x98: {  	s24 =	sand.u32 $0x1F80, s0;
	s1 =	sand.u32 $0x40, s1;
	v11 =	vsel vm1, v9, v11  }
0x99: {  	s1 =	sor.u32 s1, s24;
	[tilespmem:v10+s13+$0x0] =	vst.idx.msk $0x7, v11  }
0x9a: {  	v10 =	vld [tilespmem:s1+$0x0]  }
0x9b: {  	v11 =	vld [tilespmem:s1+$0x4000];
	_ =	sdelay $0x1  }
0x9c: {  	v12 =	vld [tilespmem:s1+$0x2000];
	_ =	sdelay $0x2  }
0x9d: {  	v10 =	vsub.f32 v10, v9;
	v11 =	vsub.f32 v11, v8;
	_ =	sdelay $0x1  }
0x9e: {  	s24 =	simm.s32 $0xE020;
	v12 =	vsub.f32 v12, v7;
	v10 =	vmul.f32 v10, v10;
	v11 =	vmul.f32 v11, v11  }
0x9f: {  	v13 =	vld [tilespmem:s24+$0xFFFFFFE0]  }
0xa0: {  	v10 =	vadd.f32 v11, v10;
	v11 =	vmul.f32 v12, v12;
	_ =	sdelay $0x1  }
0xa1: {  	v10 =	vadd.f32 v10, v11  }
0xa2: {  	s25 =	simm.s32 $0x10;
	s21 =	sadd.s32 $0x10, s0  }
0xa3: {  	s25 =	sand.u32 $0x50, s25;
	s26 =	sand.u32 $0x1F80, s21;
	v11 =	vmin.f32 v13, v10  }
0xa4: {  	s25 =	sor.u32 s25, s26;
	[tilespmem:s24+$0xFFFFFFE0] =	vst v11  }
0xa5: {  	v10 =	vld [tilespmem:s25+$0x0]  }
0xa6: {  	v12 =	vld [tilespmem:s25+$0x4000];
	_ =	sdelay $0x1  }
0xa7: {  	v13 =	vld [tilespmem:s25+$0x2000];
	_ =	sdelay $0x2  }
0xa8: {  	v10 =	vsub.f32 v10, v9;
	v12 =	vsub.f32 v12, v8;
	_ =	sdelay $0x1  }
0xa9: {  	v13 =	vsub.f32 v13, v7;
	v10 =	vmul.f32 v10, v10;
	v12 =	vmul.f32 v12, v12  }
0xaa: {  	v14 =	vld [tilespmem:s24+$0xFFFFFFF0]  }
0xab: {  	v10 =	vadd.f32 v12, v10;
	v12 =	vmul.f32 v13, v13;
	_ =	sdelay $0x1  }
0xac: {  	v10 =	vadd.f32 v10, v12  }
0xad: {  	s31 =	simm.s32 $0x20;
	s30 =	sadd.s32 $0x20, s0  }
0xae: {  	s28 =	sand.u32 $0x1F80, s30;
	s25 =	sand.u32 $0x60, s31;
	v13 =	vmin.f32 v14, v10  }
0xaf: {  	s25 =	sor.u32 s25, s28;
	[tilespmem:s24+$0xFFFFFFF0] =	vst v13  }
0xb0: {  	v10 =	vld [tilespmem:s25+$0x0]  }
0xb1: {  	v12 =	vld [tilespmem:s25+$0x4000];
	_ =	sdelay $0x1  }
0xb2: {  	v14 =	vld [tilespmem:s25+$0x2000];
	_ =	sdelay $0x2  }
0xb3: {  	v10 =	vsub.f32 v10, v9;
	v12 =	vsub.f32 v12, v8;
	_ =	sdelay $0x1  }
0xb4: {  	v14 =	vsub.f32 v14, v7;
	v10 =	vmul.f32 v10, v10;
	v12 =	vmul.f32 v12, v12  }
0xb5: {  	v15 =	vld [tilespmem:s24+$0x0]  }
0xb6: {  	v10 =	vadd.f32 v12, v10;
	v12 =	vmul.f32 v14, v14;
	_ =	sdelay $0x1  }
0xb7: {  	v10 =	vadd.f32 v10, v12  }
0xb8: {  	s28 =	simm.s32 $0x30;
	s25 =	sadd.s32 $0x30, s0  }
0xb9: {  	s28 =	sand.u32 $0x70, s28;
	s29 =	sand.u32 $0x1F80, s25;
	v14 =	vmin.f32 v15, v10  }
0xba: {  	s28 =	sor.u32 s28, s29;
	[tilespmem:s24+$0x0] =	vst v14  }
0xbb: {  	v15 =	vld [tilespmem:s28+$0x0]  }
0xbc: {  	v16 =	vld [tilespmem:s28+$0x4000];
	_ =	sdelay $0x1  }
0xbd: {  	v10 =	vimm.f32 $-Inf;
	v17 =	vld [tilespmem:s28+$0x2000]  }
0xbe: {  	v12 =	vor.u32 s0, v2;
	vm2 =	vgt.f32 v11, v10  }
0xbf: {  	v18 =	vor.u32 s21, v2;
	v11 =	vsel vm2, v11, v10;
	v12 =	vsel vm2, v12, v6  }
0xc0: {  	vm2 =	vgt.f32 v13, v10;
	v19 =	vsub.f32 v15, v9;
	v16 =	vsub.f32 v16, v8  }
0xc1: {  	v20 =	vor.u32 s30, v2;
	vm3 =	vgt.f32 v14, v10;
	v15 =	vsel vm2, v13, v10  }
0xc2: {  	v21 =	vsub.f32 v17, v7;
	v22 =	vmul.f32 v19, v19;
	v16 =	vmul.f32 v16, v16  }
0xc3: {  	v17 =	vsel vm2, v18, v6;
	v13 =	vsel vm3, v14, v10;
	v14 =	vsel vm3, v20, v6  }
0xc4: {  	s26 =	simm.s32 $0xE020;
	s28 =	simm.s32 $0x40;
	v18 =	vld [tilespmem:s24+$0x10];
	v19 =	vmul.f32 v21, v21;
	v20 =	vadd.f32 v16, v22;
	v16 =	vimm.s32 $0x0  }
.LBB2_7:
0xc5: {  	p1 =	sne.s32 s28, $0x7C0  }
0xc6: {  	s24 =	sadd.s32 $0x40, s24;
	s29 =	smov.u32 s28;
	s28 =	sadd.s32 $0x40, s28  }
0xc7: {  	s21 =	sadd.s32 s29, s5;
	v19 =	vadd.f32 v20, v19  }
0xc8: {  	s30 =	sand.u32 $0x40, s29;
	s1 =	sand.u32 $0x1F80, s21;
	s0 =	sadd.s32 $0x10, s21  }
0xc9: {  	s10 =	sor.u32 s30, s1;
	s11 =	sand.u32 $0x1F80, s0;
	s30 =	sadd.s32 $0x20, s21;
	v18 =	vmin.f32 v18, v19;
	v19 =	vor.u32 s25, v2  }
0xca: {  	s25 =	sadd.s32 $0x30, s21;
	s1 =	sand.u32 $0x1F80, s30;
	[tilespmem:s26+$0x10] =	vst v18;
	vm2 =	vgt.f32 v18, v10;
	s26 =	smov.u32 s24  }
0xcb: {  	s31 =	sand.u32 $0x1F80, s25;
	v20 =	vld [tilespmem:s10+$0x0];
	v10 =	vsel vm2, v18, v10;
	v16 =	vsel vm2, v19, v16  }
0xcc: {  	v18 =	vld [tilespmem:s10+$0x4000];
	_ =	sdelay $0x1  }
0xcd: {  	v19 =	vld [tilespmem:s10+$0x2000];
	_ =	sdelay $0x1  }
0xce: {  	v20 =	vsub.f32 v20, v9  }
0xcf: {  	v18 =	vsub.f32 v18, v8;
	_ =	sdelay $0x1  }
0xd0: {  	v20 =	vmul.f32 v20, v20;
	v19 =	vsub.f32 v19, v7;
	v18 =	vmul.f32 v18, v18  }
0xd1: {  	v21 =	vld [tilespmem:s24+$0xFFFFFFE0]  }
0xd2: {  	v18 =	vadd.f32 v18, v20;
	v19 =	vmul.f32 v19, v19;
	_ =	sdelay $0x1  }
0xd3: {  	v18 =	vadd.f32 v18, v19  }
0xd4: {  	s10 =	sadd.s32 $0x10, s29  }
0xd5: {  	s10 =	sand.u32 $0x50, s10;
	v18 =	vmin.f32 v21, v18  }
0xd6: {  	s10 =	sor.u32 s10, s11;
	v19 =	vor.u32 s21, v2;
	[tilespmem:s24+$0xFFFFFFE0] =	vst v18;
	vm2 =	vgt.f32 v18, v11  }
0xd7: {  	v11 =	vsel vm2, v18, v11;
	v12 =	vsel vm2, v19, v12;
	v18 =	vld [tilespmem:s10+$0x0]  }
0xd8: {  	v19 =	vld [tilespmem:s10+$0x4000];
	_ =	sdelay $0x1  }
0xd9: {  	v20 =	vld [tilespmem:s10+$0x2000];
	_ =	sdelay $0x1  }
0xda: {  	v18 =	vsub.f32 v18, v9  }
0xdb: {  	v19 =	vsub.f32 v19, v8;
	_ =	sdelay $0x1  }
0xdc: {  	v18 =	vmul.f32 v18, v18;
	v20 =	vsub.f32 v20, v7;
	v19 =	vmul.f32 v19, v19  }
0xdd: {  	v21 =	vld [tilespmem:s24+$0xFFFFFFF0]  }
0xde: {  	v18 =	vadd.f32 v19, v18;
	v19 =	vmul.f32 v20, v20;
	_ =	sdelay $0x1  }
0xdf: {  	v18 =	vadd.f32 v18, v19  }
0xe0: {  	s10 =	sadd.s32 $0x20, s29  }
0xe1: {  	s10 =	sand.u32 $0x60, s10;
	v18 =	vmin.f32 v21, v18  }
0xe2: {  	v19 =	vor.u32 s0, v2;
	s0 =	sor.u32 s10, s1;
	[tilespmem:s24+$0xFFFFFFF0] =	vst v18;
	vm2 =	vgt.f32 v18, v15  }
0xe3: {  	v15 =	vsel vm2, v18, v15;
	v17 =	vsel vm2, v19, v17;
	v18 =	vld [tilespmem:s0+$0x0]  }
0xe4: {  	v19 =	vld [tilespmem:s0+$0x4000];
	_ =	sdelay $0x1  }
0xe5: {  	v20 =	vld [tilespmem:s0+$0x2000];
	_ =	sdelay $0x1  }
0xe6: {  	v18 =	vsub.f32 v18, v9  }
0xe7: {  	v19 =	vsub.f32 v19, v8;
	_ =	sdelay $0x1  }
0xe8: {  	v18 =	vmul.f32 v18, v18;
	v20 =	vsub.f32 v20, v7;
	v19 =	vmul.f32 v19, v19  }
0xe9: {  	v21 =	vld [tilespmem:s24+$0x0]  }
0xea: {  	v18 =	vadd.f32 v19, v18;
	v19 =	vmul.f32 v20, v20;
	_ =	sdelay $0x1  }
0xeb: {  	v18 =	vadd.f32 v18, v19  }
0xec: {  	s0 =	sadd.s32 $0x30, s29  }
0xed: {  	s0 =	sand.u32 $0x70, s0;
	v18 =	vmin.f32 v21, v18  }
0xee: {  	s0 =	sor.u32 s0, s31;
	v19 =	vor.u32 s30, v2;
	[tilespmem:s24+$0x0] =	vst v18;
	vm2 =	vgt.f32 v18, v13  }
0xef: {  	v13 =	vsel vm2, v18, v13;
	v14 =	vsel vm2, v19, v14;
	v18 =	vld [tilespmem:s0+$0x0]  }
0xf0: {  	v19 =	vld [tilespmem:s0+$0x4000]  }
0xf1: {  	v20 =	vld [tilespmem:s0+$0x2000];
	_ =	sdelay $0x2  }
0xf2: {  	v18 =	vsub.f32 v18, v9  }
.Ltmp5:
0xf3: {  	v19 =	vsub.f32 v19, v8;
	(pc) =	sbr.rel @p1 .LBB2_7-.Ltmp5, $4  }
0xf4: {  	v20 =	vsub.f32 v20, v7;
	v21 =	vmul.f32 v18, v18  }
0xf5: {  	v22 =	vmul.f32 v19, v19;
	v18 =	vld [tilespmem:s24+$0x10]  }
0xf6: {  	v19 =	vmul.f32 v20, v20  }
0xf7: {  	v20 =	vadd.f32 v22, v21  }
0xf8: {  	vm2 =	veq.f32 v15, v11;
	vm3 =	vlt.s32 v17, v12  }
0xf9: {  	vm2 =	vmand vm2, vm3;
	vm3 =	vgt.f32 v15, v11  }
0xfa: {  	v7 =	vadd.f32 v20, v19;
	vm2 =	vmor vm3, vm2  }
0xfb: {  	v8 =	vsel vm2, v15, v11;
	v9 =	vsel vm2, v17, v12  }
0xfc: {  	v7 =	vmin.f32 v18, v7;
	vm2 =	veq.f32 v13, v8;
	vm3 =	vlt.s32 v14, v9  }
0xfd: {  	vm4 =	vgt.f32 v7, v10;
	vm2 =	vmand vm2, vm3;
	vm3 =	vgt.f32 v13, v8  }
0xfe: {  	v11 =	vor.u32 s25, v2;
	v10 =	vsel vm4, v7, v10;
	vm2 =	vmor vm3, vm2  }
0xff: {  	v11 =	vsel vm4, v11, v16;
	v8 =	vsel vm2, v13, v8;
	v9 =	vsel vm2, v14, v9  }
0x100: {  	vm2 =	veq.f32 v10, v8;
	vm3 =	vlt.s32 v11, v9  }
0x101: {  	vm12 =	vgt.f32 v10, v8;
	vm2 =	vmand vm2, vm3  }
0x102: {  	s0 =	sshll.u32 s23, $0x9;
	vm2 =	vmor vm12, vm2  }
0x103: {  	s0 =	sand.u32 $0x200, s0;
	[tilespmem:s26+$0x10] =	vst v7;
	v7 =	vsel vm2, v10, v8  }
0x104: {  	s0 =	sadd.s32 s0, s2;
	v8 =	vsel vm2, v11, v9;
	[tilespmem:$0x17780] =	vst v7  }
0x105: {  	s1 =	sadd.s32 s14, s0;
	[tilespmem:$0x17790] =	vst v8  }
0x106: {  	[spmem:s1] =	stream.linear.scatter [tilespmem:s15], [sflag:$0x1], $0x20, $0x38;
	[tilespmem:$0x178C0] =	vst v63  }
0x107: {  	_ =	swait.ge [sflag:s12], $0x20  }
0x108: {  	[sflag:s12] =	ssyncset.done $0x0  }
0x109: {  	[sflag:s12] =	ssyncadd.s32 $0xFFFFFFE0  }
0x10a: {  	s0 =	sadd.s32 s16, s0;
	[bflag:$0x0] =	sbarrier.arrive $0xFFFF  }
0x10b: {  	[tilespmem:s17], [sflag:$0x1] =	stream.linear.gather [spmem:s0], $0x80, $0x38;
	[tilespmem:$0x178C0] =	vst v63  }
0x10c: {  	_ =	swait.ge [sflag:s12], $0x80  }
0x10d: {  	[sflag:s12] =	ssyncset.done $0x0  }
0x10e: {  	[sflag:s12] =	ssyncadd.s32 $0xFFFFFF80  }
0x10f: {  	v7 =	vld [tilespmem:$0x17800]  }
0x110: {  	v8 =	vld [tilespmem:$0x17810]  }
0x111: {  	v9 =	vld [tilespmem:$0x17820]  }
0x112: {  	v10 =	vld [tilespmem:$0x17830];
	_ =	sdelay $0x2  }
0x113: {  	v11 =	vld [tilespmem:$0x17840]  }
0x114: {  	v62 =	vld [tilespmem:$0x17850]  }
0x115: {  	vm2 =	veq.f32 v9, v7;
	vm3 =	vlt.s32 v10, v8  }
0x116: {  	vm13 =	vgt.f32 v9, v7;
	vm2 =	vmand vm2, vm3  }
0x117: {  	v63 =	vld [tilespmem:$0x17860];
	vm2 =	vmor vm13, vm2  }
0x118: {  	v7 =	vsel vm2, v9, v7;
	v8 =	vsel vm2, v10, v8;
	v9 =	vld [tilespmem:$0x17870]  }
0x119: {  	vm2 =	veq.f32 v11, v7;
	vm3 =	vlt.s32 v62, v8  }
0x11a: {  	vm14 =	vgt.f32 v11, v7;
	vm2 =	vmand vm2, vm3  }
0x11b: {  	vm2 =	vmor vm14, vm2  }
0x11c: {  	v7 =	vsel vm2, v11, v7;
	v8 =	vsel vm2, v62, v8  }
0x11d: {  	vm2 =	veq.f32 v63, v7;
	vm3 =	vlt.s32 v9, v8  }
0x11e: {  	vm15 =	vgt.f32 v63, v7;
	vm2 =	vmand vm2, vm3  }
0x11f: {  	vm2 =	vmor vm15, vm2  }
0x120: {  	v7 =	vsel vm2, v63, v7  }
0x121: {  	(xrf0) =	vmax.scan.msk.f32 $0xffff, v7;
	_ =	sdelay $0x5  }
0x122: {  	v10, _, _ =	vpop (xrf0)  }
0x123: {  	v10 =	vbroadcast v10, $0xF  }
0x124: {  	v8 =	vsel vm2, v9, v8  }
0x125: {  	vm2 =	veq.f32 v7, v10;
	v7 =	vxor.u32 $0x80000000, v8  }
0x126: {  	v7 =	vnsel vm2, $0xFFFFFFFF, v7  }
0x127: {  	(xrf0) =	vmin.scan.msk.u32 $0xffff, v7;
	_ =	sdelay $0x5  }
0x128: {  	v7, _, _ =	vpop (xrf0)  }
0x129: {  	(v2sf) =	vpush v7, $0xF;
	_ =	sdelay $0xa  }
0x12a: {  	s23 =	sadd.s32 $0x1, s23  }
0x12b: {  	p1 =	sne.s32 s23, $0x200  }
.Ltmp6:
0x12c: {  	_ = 	snop;
	(pc) =	sbr.rel @p1 .LBB2_6-.Ltmp6, $4  }
0x12d: {  	_ = 	snop  }
0x12e: {  	s31 =	spop (v2sf)  }
0x12f: {  	s0 =	sxor.u32 $0x80000000, s31  }
0x130: {  	v9 =	vmov s0  }
0x131: {  	s0 =	simm.s32 @!p0 $0x80;
	s1 =	simm.s32 @!p0 $0x400;
	s10 =	simm.s32 @!p0 $0x10000  }
0x132: {  	[hbm4b:s6+s0] =	stream.strided.scatter @!p0 [tilespmem:s10], [sflag:$0x1], $0x600, s1, s0, $0x38;
	[tilespmem:$0x178C0] =	vst v63  }
.Ltmp7:
0x133: {  	_ = 	snop;
	(pc) =	sbr.rel .LBB2_10-.Ltmp7, $4  }
0x134: {  	s0 =	simm.s32 @!p0 $0x1  }
0x135: {  	_ =	swait.ge @!p0 [sflag:s0], $0x600  }
0x136: {  	[sflag:s0] =	ssyncset.done @!p0 $0x0  }
0x137: {  	s23 =	simm.s32 $0x0;
	s24 =	simm.s32 $0x0;
	[sflag:s0] =	ssyncadd.s32 @!p0 $0xFFFFFA00  }
.LBB2_30:
0x138: {  	v9 =	vld [tilespmem:$0x17700];
	_ =	sdelay $0x4  }
0x139: {  	v10 =	vadd.s32 $0x2000, v9  }
0x13a: {  	v11 =	vadd.s32 $0x4000, v9;
	_ =	sdelay $0x2  }
0x13b: {  	v9 =	vld.idx.msk [tilespmem:v9+s3+$0x0], $0xffff  }
0x13c: {  	v10 =	vld.idx.msk [tilespmem:v10+s3+$0x0], $0xffff  }
0x13d: {  	v11 =	vld.idx.msk [tilespmem:v11+s3+$0x0], $0xffff;
	_ =	sdelay $0x1  }
0x13e: {  	s0 =	smul.u32 $0x180, s24  }
0x13f: {  	v9 =	vsub.f32 v9, v7  }
0x140: {  	s0 =	sshra.s32 s0, $0x2;
	v10 =	vsub.f32 v10, v8  }
0x141: {  	[tilespmem:s0+$0x14700] =	vst v9;
	v60 =	vsub.f32 v11, v6  }
0x142: {  	[tilespmem:s0+$0x14720] =	vst v10  }
0x143: {  	[tilespmem:s0+$0x14740] =	vst v60  }
0x144: {  	v9 =	vld [tilespmem:$0x17710];
	_ =	sdelay $0x4  }
0x145: {  	v61 =	vadd.s32 $0x2000, v9  }
0x146: {  	v62 =	vadd.s32 $0x4000, v9;
	_ =	sdelay $0x2  }
0x147: {  	v9 =	vld.idx.msk [tilespmem:v9+s3+$0x0], $0xffff  }
0x148: {  	v10 =	vld.idx.msk [tilespmem:v61+s3+$0x0], $0xffff  }
0x149: {  	v11 =	vld.idx.msk [tilespmem:v62+s3+$0x0], $0xffff  }
0x14a: {  	s24 =	sadd.s32 $0x1, s24  }
0x14b: {  	p1 =	sne.s32 s24, $0x80  }
.Ltmp8:
0x14c: {  	v7 =	vsub.f32 v9, v7;
	(pc) =	sbr.rel @!p1 .LBB2_31-.Ltmp8, $4  }
0x14d: {  	v63 =	vsub.f32 v10, v8  }
0x14e: {  	[tilespmem:s0+$0x14710] =	vst v7;
	v6 =	vsub.f32 v11, v6  }
0x14f: {  	[tilespmem:s0+$0x14730] =	vst v63  }
0x150: {  	[tilespmem:s0+$0x14750] =	vst v6  }
.LBB2_10:
0x151: {  	s0 =	sadd.s32 s7, s24  }
0x152: {  	v6 =	vmov s0  }
0x153: {  	v8 =	vor.u32 $0x200, v6;
	_ =	sdelay $0x1  }
0x154: {  	s28 =	simm.s32 $0x0  }
0x155: {  	v11 =	vld [tilespmem:s28+$0x6010];
	v9 =	vor.u32 $0x400, v6  }
0x156: {  	v7 =	vld.idx.msk [tilespmem:v6+s13+$0x0], $0xffff  }
0x157: {  	v8 =	vld.idx.msk [tilespmem:v8+s13+$0x0], $0xffff  }
0x158: {  	v12 =	vld [tilespmem:s28+$0x8010]  }
0x159: {  	v13 =	vld [tilespmem:s28+$0x6020]  }
0x15a: {  	v6 =	vld.idx.msk [tilespmem:v9+s13+$0x0], $0xffff  }
0x15b: {  	v15 =	vld [tilespmem:s28+$0x8020];
	v9 =	vmul.f32 v7, v7;
	v10 =	vshrl.u32 v7, $0x10  }
0x15c: {  	v17 =	vld [tilespmem:s28+$0x6030];
	v14 =	vshrl.u32 v8, $0x10;
	v16 =	vmul.f32 v8, v8;
	v10 =	vand.u32 $0x1, v10  }
0x15d: {  	v18 =	vld [tilespmem:s28+$0x8030];
	v14 =	vand.u32 $0x1, v14;
	v10 =	vadd.s32 v10, v7  }
0x15e: {  	v14 =	vadd.s32 v14, v8;
	v16 =	vadd.f32 v16, v9;
	v9 =	vadd.s32 $0x7FFF, v10  }
0x15f: {  	v20 =	vld [tilespmem:s28+$0xA020];
	v19 =	vshrl.u32 v6, $0x10;
	v10 =	vadd.s32 $0x7FFF, v14;
	v9 =	vand.u32 $0xFFFF0000, v9  }
0x160: {  	v22 =	vld [tilespmem:s28+$0xA030];
	v10 =	vand.u32 $0xFFFF0000, v10;
	v21 =	vmul.f32 v9, v11;
	v13 =	vmul.f32 v9, v13  }
0x161: {  	v19 =	vand.u32 $0x1, v19;
	v14 =	vld [tilespmem:s28+$0xA010];
	v17 =	vmul.f32 v9, v17;
	v12 =	vmul.f32 v10, v12  }
0x162: {  	v11 =	vadd.s32 v19, v6;
	v15 =	vmul.f32 v10, v15;
	v18 =	vmul.f32 v10, v18  }
0x163: {  	v11 =	vadd.s32 $0x7FFF, v11;
	v19 =	vadd.f32 v12, v21  }
0x164: {  	v11 =	vand.u32 $0xFFFF0000, v11;
	v23 =	vadd.f32 v15, v13;
	v24 =	vadd.f32 v18, v17  }
0x165: {  	v20 =	vmul.f32 v11, v20;
	v22 =	vmul.f32 v11, v22;
	v25 =	vsub.f32 v19, v21  }
0x166: {  	v14 =	vmul.f32 v11, v14;
	v26 =	vsub.f32 v23, v13;
	v28 =	vsub.f32 v24, v17  }
0x167: {  	v29 =	vadd.f32 v20, v23;
	v30 =	vadd.f32 v22, v24  }
0x168: {  	v27 =	vadd.f32 v14, v19;
	v12 =	vsub.f32 v12, v25  }
0x169: {  	v15 =	vsub.f32 v15, v26;
	v25 =	vsub.f32 v19, v25  }
0x16a: {  	v18 =	vsub.f32 v18, v28;
	v26 =	vsub.f32 v23, v26  }
0x16b: {  	v28 =	vsub.f32 v24, v28;
	v32 =	vsub.f32 v29, v23  }
0x16c: {  	v33 =	vsub.f32 v30, v24;
	v31 =	vsub.f32 v27, v19  }
0x16d: {  	v21 =	vsub.f32 v21, v25;
	v13 =	vsub.f32 v13, v26  }
0x16e: {  	v20 =	vsub.f32 v20, v32;
	v17 =	vsub.f32 v17, v28  }
0x16f: {  	v22 =	vsub.f32 v22, v33;
	v26 =	vsub.f32 v30, v33  }
0x170: {  	s25 =	simm.s32 $0x40;
	v49 =	vld [tilespmem:s28+$0xC030];
	v32 =	vsub.f32 v29, v32;
	v14 =	vsub.f32 v14, v31  }
0x171: {  	v34 =	vld [tilespmem:s25+$0x6010];
	v31 =	vsub.f32 v27, v31;
	v21 =	vadd.f32 v21, v12  }
0x172: {  	v12 =	vsub.f32 v24, v26;
	v17 =	vadd.f32 v17, v18;
	v18 =	vld [tilespmem:s25+$0x8010]  }
0x173: {  	v23 =	vsub.f32 v23, v32;
	v24 =	vld [tilespmem:s25+$0x6020];
	v13 =	vadd.f32 v13, v15  }
0x174: {  	v15 =	vld [tilespmem:s25+$0x8020];
	v19 =	vsub.f32 v19, v31;
	v12 =	vadd.f32 v12, v22  }
0x175: {  	v28 =	vld [tilespmem:s28+$0xC020];
	v22 =	vmul.f32 v6, v6;
	v20 =	vadd.f32 v23, v20  }
0x176: {  	v14 =	vadd.f32 v19, v14;
	v19 =	vld [tilespmem:s25+$0x6030];
	v17 =	vadd.f32 v12, v17  }
0x177: {  	v12 =	vadd.f32 v22, v16;
	v16 =	vld [tilespmem:s25+$0x8030];
	v13 =	vadd.f32 v20, v13;
	v22 =	vmul.f32 v9, v34  }
0x178: {  	v20 =	vld [tilespmem:s25+$0xA010];
	v14 =	vadd.f32 v14, v21;
	v18 =	vmul.f32 v10, v18;
	v23 =	vmul.f32 v9, v24  }
0x179: {  	v21 =	vld [tilespmem:s25+$0xA020];
	v15 =	vmul.f32 v10, v15;
	v17 =	vadd.f32 v17, v30;
	v13 =	vadd.f32 v13, v29  }
0x17a: {  	v25 =	vld [tilespmem:s28+$0xC010];
	v14 =	vadd.f32 v14, v27;
	v26 =	vadd.f32 v18, v22  }
0x17b: {  	s30 =	sand.u32 $0x1FC0, s23;
	v24 =	vld [tilespmem:s25+$0xA030];
	v29 =	vadd.f32 v15, v23;
	v17 =	vadd.f32 v17, v12;
	v19 =	vmul.f32 v9, v19  }
0x17c: {  	v30 =	vld [tilespmem:s30+$0x8000];
	v13 =	vadd.f32 v13, v12;
	v16 =	vmul.f32 v10, v16;
	v14 =	vadd.f32 v14, v12  }
0x17d: {  	v27 =	vld [tilespmem:s28+$0x6000];
	v20 =	vmul.f32 v11, v20;
	v31 =	vsub.f32 v29, v23;
	v17 =	vadd.f32 v17, v49  }
0x17e: {  	v28 =	vadd.f32 v13, v28;
	v13 =	vmul.f32 v11, v21;
	v21 =	vadd.f32 v16, v19  }
0x17f: {  	v25 =	vadd.f32 v14, v25;
	v14 =	vsub.f32 v26, v22  }
0x180: {  	v24 =	vmul.f32 v11, v24;
	v51 =	vadd.f32 v20, v26;
	v36 =	vsub.f32 v15, v31  }
0x181: {  	v15 =	vmul.f32 v10, v30;
	v35 =	vadd.f32 v13, v29;
	v52 =	vsub.f32 v21, v19  }
0x182: {  	v50 =	vld [tilespmem:s30+$0xA000];
	v27 =	vmul.f32 v9, v27;
	v37 =	vadd.f32 v24, v21;
	v18 =	vsub.f32 v18, v14  }
0x183: {  	v14 =	vsub.f32 v26, v14;
	v53 =	vsub.f32 v51, v26  }
0x184: {  	v54 =	vadd.f32 v15, v27;
	v39 =	vsub.f32 v35, v29  }
0x185: {  	v38 =	vsub.f32 v16, v52;
	v16 =	vsub.f32 v29, v31  }
0x186: {  	v30 =	vsub.f32 v21, v52;
	v40 =	vsub.f32 v37, v21  }
0x187: {  	v31 =	vmul.f32 v11, v50;
	v22 =	vsub.f32 v22, v14;
	v20 =	vsub.f32 v20, v53  }
0x188: {  	v32 =	vsub.f32 v51, v53;
	v41 =	vsub.f32 v54, v27  }
0x189: {  	v55 =	vsub.f32 v35, v39;
	v42 =	vadd.f32 v31, v54  }
0x18a: {  	v23 =	vsub.f32 v23, v16;
	v19 =	vsub.f32 v19, v30  }
0x18b: {  	[tilespmem:s28+$0xE030] =	vst v17;
	v24 =	vsub.f32 v24, v40;
	v56 =	vsub.f32 v37, v40  }
0x18c: {  	[tilespmem:s28+$0xE020] =	vst v28;
	v14 =	vsub.f32 v54, v41;
	v43 =	vsub.f32 v42, v54  }
0x18d: {  	s26 =	simm.s32 $0x80;
	[tilespmem:s28+$0xE010] =	vst v25;
	v22 =	vadd.f32 v22, v18;
	v15 =	vsub.f32 v15, v41  }
0x18e: {  	v59 =	vld [tilespmem:s26+$0x6010];
	v14 =	vsub.f32 v27, v14;
	v16 =	vsub.f32 v42, v43  }
0x18f: {  	v63 =	vld [tilespmem:s26+$0x8020];
	v26 =	vsub.f32 v26, v32;
	v31 =	vsub.f32 v31, v43  }
0x190: {  	v41 =	vadd.f32 v14, v15;
	v14 =	vsub.f32 v54, v16  }
0x191: {  	v29 =	vsub.f32 v29, v55;
	v23 =	vadd.f32 v23, v36  }
0x192: {  	v60 =	vld [tilespmem:s26+$0x8010];
	v19 =	vadd.f32 v19, v38;
	v16 =	vadd.f32 v14, v31  }
0x193: {  	v21 =	vsub.f32 v21, v56;
	v20 =	vadd.f32 v26, v20  }
0x194: {  	v36 =	vmul.f32 v9, v59;
	v46 =	vmul.f32 v10, v63;
	v18 =	vadd.f32 v16, v41  }
0x195: {  	v30 =	vld [tilespmem:s28+$0xC000];
	v27 =	vsub.f32 v13, v39;
	v13 =	vimm.f32 $+Inf;
	v21 =	vadd.f32 v21, v24  }
0x196: {  	v57 =	vld [tilespmem:s25+$0xC020];
	v62 =	vmax.f32 v13, v17;
	v20 =	vadd.f32 v20, v22;
	v18 =	vadd.f32 v18, v42  }
0x197: {  	v61 =	vld [tilespmem:s26+$0x6020];
	v22 =	vmul.f32 v10, v60;
	v26 =	vadd.f32 v29, v27;
	v19 =	vadd.f32 v21, v19  }
0x198: {  	v15 =	vmin.f32 v13, v28;
	v27 =	vld [tilespmem:s26+$0x6030];
	v20 =	vadd.f32 v20, v51;
	v24 =	vadd.f32 v18, v12  }
0x199: {  	v21 =	vld [tilespmem:s26+$0x8030];
	v23 =	vadd.f32 v26, v23;
	v14 =	vmin.f32 v13, v25;
	v25 =	vmax.f32 v13, v25  }
0x19a: {  	v58 =	vld [tilespmem:s25+$0xC030];
	v16 =	vmin.f32 v13, v17;
	v17 =	vmin.f32 v13, v25;
	v25 =	vadd.f32 v24, v30  }
0x19b: {  	v28 =	vmax.f32 v13, v28;
	v26 =	vadd.f32 v22, v36;
	v19 =	vadd.f32 v19, v37;
	v24 =	vld [tilespmem:s26+$0xA010]  }
0x19c: {  	v31 =	vld [tilespmem:s25+$0xC010];
	v37 =	vmul.f32 v9, v61;
	v20 =	vadd.f32 v20, v12;
	v23 =	vadd.f32 v23, v35;
	[tilespmem:s28+$0xE000] =	vst v25  }
0x19d: {  	v47 =	vsub.f32 v26, v36;
	v29 =	vadd.f32 v19, v12;
	v18 =	vmin.f32 v13, v28;
	v28 =	vld [tilespmem:s26+$0xA020]  }
0x19e: {  	v34 =	vmul.f32 v9, v27;
	v23 =	vadd.f32 v23, v12;
	v43 =	vmul.f32 v10, v21;
	s28 =	simm.s32 $0x40;
	v44 =	vld [tilespmem:s26+$0xA030]  }
0x19f: {  	v41 =	vsub.f32 v22, v47;
	v30 =	vadd.f32 v46, v37;
	v21 =	vld [tilespmem:s25+$0x6000];
	s31 =	sand.u32 $0x1FC0, s28  }
0x1a0: {  	v29 =	vadd.f32 v29, v58;
	v33 =	vadd.f32 v43, v34;
	v42 =	vmul.f32 v11, v24;
	v24 =	vld [tilespmem:s31+$0xA000]  }
0x1a1: {  	v19 =	vmin.f32 v13, v62;
	v32 =	vadd.f32 v23, v57;
	v45 =	vsub.f32 v30, v37;
	v49 =	vld [tilespmem:s31+$0x8000]  }
0x1a2: {  	v35 =	vadd.f32 v20, v31;
	v48 =	vsub.f32 v33, v34;
	v20 =	vmin.f32 v13, v25;
	[tilespmem:s25+$0xE030] =	vst v29  }
0x1a3: {  	v40 =	vsub.f32 v46, v45;
	[tilespmem:s25+$0xE020] =	vst v32;
	v38 =	vmul.f32 v11, v28;
	v39 =	vmul.f32 v11, v44  }
0x1a4: {  	v22 =	vmovc v14;
	v23 =	vmovc v15;
	[tilespmem:s25+$0xE010] =	vst v35;
	v27 =	vadd.f32 v42, v26;
	v44 =	vmul.f32 v9, v21;
	v21 =	vimm.f32 $+Inf  }
0x1a5: {  	s29 =	simm.s32 $0x300;
	v28 =	vadd.f32 v38, v30;
	v31 =	vadd.f32 v39, v33;
	v46 =	vmul.f32 v11, v24;
	v24 =	vmovc v16  }
.LBB2_11:
0x1a6: {  	p1 =	sne.s32 s29, $0x7F00;
	v47 =	vsub.f32 v26, v47;
	v43 =	vsub.f32 v43, v48;
	v49 =	vmul.f32 v10, v49  }
0x1a7: {  	v45 =	vsub.f32 v30, v45;
	v48 =	vsub.f32 v33, v48;
	v14 =	vmin.f32 v14, v35  }
0x1a8: {  	v50 =	vsub.f32 v27, v26;
	v15 =	vmin.f32 v15, v32;
	v51 =	vadd.f32 v49, v44  }
0x1a9: {  	v52 =	vsub.f32 v28, v30;
	v53 =	vsub.f32 v31, v33;
	v16 =	vmin.f32 v16, v29  }
0x1aa: {  	v25 =	vmax.f32 v13, v25;
	v13 =	vmovc v20;
	v54 =	vsub.f32 v51, v44;
	v55 =	vadd.f32 v46, v51  }
0x1ab: {  	v35 =	vmax.f32 v22, v35;
	v22 =	vmovc v14;
	v36 =	vsub.f32 v36, v47;
	v42 =	vsub.f32 v42, v50  }
0x1ac: {  	v32 =	vmax.f32 v23, v32;
	v23 =	vmovc v15;
	v47 =	vsub.f32 v51, v54;
	v56 =	vsub.f32 v55, v51  }
0x1ad: {  	v29 =	vmax.f32 v24, v29;
	v24 =	vmovc v16;
	v37 =	vsub.f32 v37, v45;
	v45 =	vsub.f32 v49, v54  }
0x1ae: {  	v21 =	vmin.f32 v21, v25;
	v44 =	vsub.f32 v44, v47;
	v47 =	vsub.f32 v55, v56  }
0x1af: {  	v17 =	vmin.f32 v17, v35;
	v25 =	vsub.f32 v38, v52;
	v38 =	vsub.f32 v46, v56  }
0x1b0: {  	v18 =	vmin.f32 v18, v32;
	v35 =	vadd.f32 v44, v45;
	v44 =	vsub.f32 v51, v47  }
0x1b1: {  	v19 =	vmin.f32 v19, v29;
	v32 =	vsub.f32 v34, v48;
	v34 =	vsub.f32 v39, v53  }
0x1b2: {  	v29 =	vsub.f32 v27, v50;
	v38 =	vadd.f32 v44, v38;
	v39 =	vld [tilespmem:s25+$0xC000]  }
0x1b3: {  	v46 =	vsub.f32 v31, v53;
	v45 =	vsub.f32 v28, v52;
	v44 =	vld [tilespmem:s26+$0xC010]  }
0x1b4: {  	v41 =	vadd.f32 v36, v41;
	v47 =	vld [tilespmem:s26+$0xC020];
	v35 =	vadd.f32 v38, v35  }
0x1b5: {  	s0 =	sshra.s32 s29, $0x2;
	v36 =	vadd.f32 v37, v40;
	v32 =	vadd.f32 v32, v43;
	v38 =	vld [tilespmem:s26+$0xC030]  }
0x1b6: {  	v33 =	vsub.f32 v33, v46;
	v37 =	vld [tilespmem:s0+$0x6010];
	v35 =	vadd.f32 v35, v55  }
0x1b7: {  	v26 =	vsub.f32 v26, v29;
	v29 =	vsub.f32 v30, v45;
	v40 =	vld [tilespmem:s0+$0x8010]  }
0x1b8: {  	v33 =	vadd.f32 v33, v34;
	v30 =	vld [tilespmem:s0+$0x6020];
	v34 =	vadd.f32 v35, v12  }
0x1b9: {  	v26 =	vadd.f32 v26, v42;
	v29 =	vadd.f32 v29, v25;
	v35 =	vld [tilespmem:s0+$0x8020]  }
0x1ba: {  	v32 =	vadd.f32 v33, v32;
	v42 =	vld [tilespmem:s0+$0x6030];
	v25 =	vadd.f32 v34, v39  }
0x1bb: {  	v29 =	vadd.f32 v29, v36;
	v33 =	vld [tilespmem:s0+$0x8030]  }
0x1bc: {  	v26 =	vadd.f32 v26, v41;
	v31 =	vadd.f32 v32, v31;
	v36 =	vmul.f32 v9, v37;
	v39 =	vld [tilespmem:s0+$0xA010];
	[tilespmem:s25+$0xE000] =	vst v25;
	s25 =	smov.u32 s26;
	s26 =	smov.u32 s0  }
0x1bd: {  	v28 =	vadd.f32 v29, v28;
	v40 =	vmul.f32 v10, v40;
	v41 =	vld [tilespmem:s26+$0xA020];
	v37 =	vmul.f32 v9, v30  }
0x1be: {  	v27 =	vadd.f32 v26, v27;
	v29 =	vadd.f32 v31, v12;
	v46 =	vmul.f32 v10, v35;
	v48 =	vld [tilespmem:s26+$0xA030]  }
0x1bf: {  	s28 =	sadd.s32 $0x40, s28;
	v28 =	vadd.f32 v28, v12;
	v26 =	vadd.f32 v40, v36;
	v34 =	vmul.f32 v9, v42  }
0x1c0: {  	v27 =	vadd.f32 v27, v12;
	v29 =	vadd.f32 v29, v38;
	s0 =	sand.u32 $0x1FC0, s28;
	v43 =	vmul.f32 v10, v33;
	v50 =	vld [tilespmem:s25+$0x6000]  }
0x1c1: {  	v32 =	vadd.f32 v28, v47;
	v30 =	vadd.f32 v46, v37;
	v42 =	vmul.f32 v11, v39;
	v51 =	vld [tilespmem:s0+$0xA000]  }
.Ltmp9:
0x1c2: {  	v35 =	vadd.f32 v27, v44;
	v38 =	vmul.f32 v11, v41;
	v33 =	vadd.f32 v43, v34;
	v49 =	vld [tilespmem:s0+$0x8000];
	[tilespmem:s25+$0xE030] =	vst v29;
	(pc) =	sbr.rel @p1 .LBB2_11-.Ltmp9, $4  }
0x1c3: {  	v47 =	vsub.f32 v26, v36;
	v45 =	vsub.f32 v30, v37;
	v39 =	vmul.f32 v11, v48;
	[tilespmem:s25+$0xE020] =	vst v32  }
0x1c4: {  	v20 =	vmin.f32 v20, v25;
	v27 =	vadd.f32 v42, v26;
	v48 =	vsub.f32 v33, v34;
	[tilespmem:s25+$0xE010] =	vst v35  }
0x1c5: {  	v28 =	vadd.f32 v38, v30;
	v31 =	vadd.f32 v39, v33;
	v44 =	vmul.f32 v9, v50  }
0x1c6: {  	s29 =	sadd.s32 $0x100, s29;
	v41 =	vsub.f32 v40, v47;
	v40 =	vsub.f32 v46, v45;
	v46 =	vmul.f32 v11, v51  }
0x1c7: {  	v49 =	vmul.f32 v10, v49;
	_ =	sdelay $0x1  }
0x1c8: {  	v50 =	vadd.f32 v49, v44;
	_ =	sdelay $0x1  }
0x1c9: {  	v51 =	vadd.f32 v46, v50  }
0x1ca: {  	v52 =	vsub.f32 v50, v44  }
0x1cb: {  	v53 =	vsub.f32 v51, v50  }
0x1cc: {  	v54 =	vsub.f32 v50, v52  }
0x1cd: {  	v55 =	vsub.f32 v51, v53  }
0x1ce: {  	v49 =	vsub.f32 v49, v52;
	v60 =	vsub.f32 v44, v54  }
0x1cf: {  	v61 =	vsub.f32 v46, v53;
	v50 =	vsub.f32 v50, v55;
	_ =	sdelay $0x1  }
0x1d0: {  	v44 =	vadd.f32 v60, v49;
	v46 =	vadd.f32 v50, v61;
	_ =	sdelay $0x1  }
0x1d1: {  	v44 =	vadd.f32 v46, v44  }
0x1d2: {  	v63 =	vld [tilespmem:s25+$0xC000]  }
0x1d3: {  	v44 =	vadd.f32 v44, v51;
	_ =	sdelay $0x1  }
0x1d4: {  	v45 =	vsub.f32 v30, v45;
	v44 =	vadd.f32 v44, v12  }
0x1d5: {  	v62 =	vsub.f32 v26, v47;
	v43 =	vsub.f32 v43, v48  }
0x1d6: {  	v37 =	vsub.f32 v37, v45;
	v45 =	vld [tilespmem:s26+$0xC030];
	v44 =	vadd.f32 v44, v63  }
0x1d7: {  	v56 =	vsub.f32 v33, v48;
	v57 =	vsub.f32 v27, v26;
	v52 =	vld [tilespmem:s26+$0xC010]  }
0x1d8: {  	v58 =	vsub.f32 v28, v30;
	v59 =	vsub.f32 v31, v33;
	s0 =	sadd.s32 $0x40, s28;
	v46 =	vld [tilespmem:s26+$0xC020];
	[tilespmem:s25+$0xE000] =	vst v44  }
0x1d9: {  	s0 =	sand.u32 $0x1FC0, s0;
	v36 =	vsub.f32 v36, v62;
	v42 =	vsub.f32 v42, v57;
	v61 =	vld [tilespmem:s26+$0x6000]  }
0x1da: {  	v38 =	vsub.f32 v38, v58;
	v34 =	vsub.f32 v34, v56;
	v54 =	vld [tilespmem:s0+$0x8000]  }
0x1db: {  	v39 =	vsub.f32 v39, v59;
	v63 =	vsub.f32 v31, v59  }
0x1dc: {  	v62 =	vsub.f32 v28, v58;
	v60 =	vsub.f32 v27, v57;
	v57 =	vld [tilespmem:s0+$0xA000]  }
0x1dd: {  	v36 =	vadd.f32 v36, v41;
	v55 =	vsub.f32 v33, v63  }
0x1de: {  	v56 =	vsub.f32 v30, v62;
	v34 =	vadd.f32 v34, v43  }
0x1df: {  	v33 =	vadd.f32 v55, v39;
	v9 =	vmul.f32 v9, v61;
	v10 =	vmul.f32 v10, v54  }
0x1e0: {  	v37 =	vadd.f32 v37, v40;
	v30 =	vadd.f32 v56, v38  }
0x1e1: {  	v33 =	vadd.f32 v33, v34;
	v11 =	vmul.f32 v11, v57;
	v59 =	vadd.f32 v10, v9  }
0x1e2: {  	v30 =	vadd.f32 v30, v37;
	v58 =	vsub.f32 v26, v60  }
0x1e3: {  	v60 =	vadd.f32 v33, v31;
	v62 =	vadd.f32 v11, v59  }
0x1e4: {  	v26 =	vadd.f32 v58, v42;
	v40 =	vsub.f32 v59, v9  }
0x1e5: {  	v63 =	vadd.f32 v60, v12;
	v41 =	vsub.f32 v62, v59  }
0x1e6: {  	v61 =	vadd.f32 v30, v28;
	v42 =	vsub.f32 v59, v40  }
0x1e7: {  	v30 =	vadd.f32 v63, v45;
	v43 =	vsub.f32 v62, v41  }
0x1e8: {  	v10 =	vsub.f32 v10, v40;
	v9 =	vsub.f32 v9, v42  }
0x1e9: {  	v11 =	vsub.f32 v11, v41;
	v45 =	vsub.f32 v59, v43  }
0x1ea: {  	v26 =	vadd.f32 v26, v36  }
0x1eb: {  	v9 =	vadd.f32 v9, v10;
	v10 =	vadd.f32 v45, v11  }
0x1ec: {  	v47 =	vmin.f32 v16, v29  }
0x1ed: {  	v13 =	vmax.f32 v13, v25;
	v26 =	vadd.f32 v26, v27;
	v9 =	vadd.f32 v10, v9  }
0x1ee: {  	v48 =	vmax.f32 v22, v35;
	v13 =	vmin.f32 v21, v13;
	v49 =	vmax.f32 v23, v32;
	v11 =	vld [tilespmem:s26+$0xC000]  }
0x1ef: {  	v50 =	vmax.f32 v24, v29;
	v26 =	vadd.f32 v26, v12;
	v9 =	vadd.f32 v9, v62  }
0x1f0: {  	v53 =	vmin.f32 v19, v50;
	v51 =	vmin.f32 v17, v48;
	v28 =	vadd.f32 v61, v12  }
0x1f1: {  	v26 =	vadd.f32 v26, v52;
	v52 =	vmin.f32 v18, v49;
	v9 =	vadd.f32 v9, v12  }
0x1f2: {  	v54 =	vmin.f32 v20, v44;
	v57 =	vmax.f32 v20, v44;
	v28 =	vadd.f32 v28, v46  }
0x1f3: {  	v13 =	vmin.f32 v13, v57;
	v46 =	vmin.f32 v15, v32;
	v9 =	vadd.f32 v9, v11  }
0x1f4: {  	v56 =	vmin.f32 v47, v30;
	v10 =	vmin.f32 v14, v35;
	v14 =	vmax.f32 v46, v28  }
0x1f5: {  	v55 =	vmin.f32 v10, v26;
	v10 =	vmax.f32 v10, v26;
	v58 =	vmax.f32 v54, v9  }
0x1f6: {  	v10 =	vmin.f32 v51, v10;
	v59 =	vmin.f32 v54, v9;
	v13 =	vmin.f32 v13, v58  }
0x1f7: {  	v60 =	vmin.f32 v52, v14;
	v18 =	vmax.f32 v59, v55;
	v10 =	vmin.f32 v13, v10  }
0x1f8: {  	v11 =	vmin.f32 v46, v28;
	v12 =	vmin.f32 v59, v55;
	v10 =	vmin.f32 v18, v10  }
0x1f9: {  	v61 =	vmax.f32 v47, v30;
	v62 =	vmax.f32 v12, v11;
	v10 =	vmin.f32 v10, v60  }
0x1fa: {  	v63 =	vmin.f32 v53, v61;
	v11 =	vmin.f32 v12, v11;
	v10 =	vmin.f32 v62, v10  }
0x1fb: {  	v11 =	vmax.f32 v11, v56;
	v10 =	vmin.f32 v10, v63  }
0x1fc: {  	v10 =	vmin.f32 v11, v10  }
0x1fd: {  	(xrf0) =	vmax.scan.msk.f32 $0xffff, v10;
	_ =	sdelay $0x3  }
0x1fe: {  	[tilespmem:s26+$0xE010] =	vst v26  }
0x1ff: {  	[tilespmem:s26+$0xE030] =	vst v30  }
0x200: {  	[tilespmem:s26+$0xE020] =	vst v28;
	v10, _, _ =	vpop (xrf0)  }
0x201: {  	s1 =	simm.s32 $0xE020;
	s0 =	simm.s32 $0x0;
	[tilespmem:s26+$0xE000] =	vst v9;
	v9 =	vimm.s32 $0x0;
	v10 =	vbroadcast v10, $0xF  }
.LBB2_13:
0x202: {  	v11 =	vld [tilespmem:s1+$0xFFFFFFE0];
	_ =	sdelay $0x4  }
0x203: {  	v12 =	vshll.u32 v9, $0x4;
	vm2 =	vle.f32 v11, v10  }
0x204: {  	v12 =	vor.u32 v2, v12;
	_ =	sdelay $0x4  }
0x205: {  	[tilespmem:v12+s18+$0x0] =	vst.idx.msk vm2, v11;
	v11 =	vor.u32 s0, v2  }
0x206: {  	[tilespmem:v12+s19+$0x0] =	vst.idx.msk vm2, v11  }
0x207: {  	v11 =	vld [tilespmem:s1+$0xFFFFFFF0];
	_ =	sdelay $0x2  }
0x208: {  	v61 =	vsel vm2, $0x1, v3  }
0x209: {  	v9 =	vadd.s32 v61, v9  }
0x20a: {  	v12 =	vshll.u32 v9, $0x4;
	vm2 =	vle.f32 v11, v10  }
0x20b: {  	v12 =	vor.u32 v2, v12;
	_ =	sdelay $0x3  }
0x20c: {  	s10 =	sadd.s32 $0x10, s0  }
0x20d: {  	[tilespmem:v12+s18+$0x0] =	vst.idx.msk vm2, v11;
	v11 =	vor.u32 s10, v2  }
0x20e: {  	[tilespmem:v12+s19+$0x0] =	vst.idx.msk vm2, v11  }
0x20f: {  	v11 =	vld [tilespmem:s1+$0x0];
	_ =	sdelay $0x2  }
0x210: {  	v62 =	vsel vm2, $0x1, v3  }
0x211: {  	v9 =	vadd.s32 v62, v9  }
0x212: {  	v12 =	vshll.u32 v9, $0x4;
	vm2 =	vle.f32 v11, v10  }
0x213: {  	v12 =	vor.u32 v2, v12;
	_ =	sdelay $0x3  }
0x214: {  	s30 =	sadd.s32 $0x20, s0  }
0x215: {  	[tilespmem:v12+s18+$0x0] =	vst.idx.msk vm2, v11;
	v11 =	vor.u32 s30, v2  }
0x216: {  	[tilespmem:v12+s19+$0x0] =	vst.idx.msk vm2, v11  }
0x217: {  	v11 =	vld [tilespmem:s1+$0x10];
	_ =	sdelay $0x2  }
0x218: {  	v63 =	vsel vm2, $0x1, v3  }
0x219: {  	v9 =	vadd.s32 v63, v9  }
0x21a: {  	v12 =	vshll.u32 v9, $0x4;
	vm2 =	vle.f32 v11, v10  }
0x21b: {  	v12 =	vor.u32 v2, v12  }
0x21c: {  	p1 =	sne.s32 s0, $0x1FC0  }
.Ltmp10:
0x21d: {  	_ = 	snop;
	(pc) =	sbr.rel @p1 .LBB2_13-.Ltmp10, $4  }
0x21e: {  	_ = 	snop  }
0x21f: {  	s31 =	sadd.s32 $0x30, s0  }
0x220: {  	v13 =	vsel vm2, $0x1, v3;
	[tilespmem:v12+s18+$0x0] =	vst.idx.msk vm2, v11;
	v11 =	vor.u32 s31, v2  }
0x221: {  	s0 =	sadd.s32 $0x40, s0;
	s1 =	sadd.s32 $0x40, s1;
	v9 =	vadd.s32 v13, v9;
	[tilespmem:v12+s19+$0x0] =	vst.idx.msk vm2, v11  }
0x222: {  	v10 =	vxor.u32 $0x80000000, v9  }
0x223: {  	(xrf0) =	vmax.scan.msk.u32 $0xffff, v10;
	_ =	sdelay $0x1  }
0x224: {  	(xrf0) =	vmin.scan.msk.u32 $0xffff, v10;
	_ =	sdelay $0x3  }
0x225: {  	v10, _, _ =	vpop (xrf0)  }
0x226: {  	(v2sf) =	vpush v10, $0xF  }
0x227: {  	v10, _, _ =	vpop (xrf0)  }
0x228: {  	(v2sf) =	vpush v10, $0xF;
	_ =	sdelay $0xc  }
0x229: {  	s0 =	spop (v2sf)  }
0x22a: {  	s25 =	sxor.u32 $0x80000000, s0  }
0x22b: {  	s1 =	spop (v2sf);
	p1 =	sgt.s32 s25, $0x8;
	s0 =	smov.u32 s25  }
0x22c: {  	s28 =	sxor.u32 $0x80000000, s1;
	s0 =	simm.s32 @!p1 $0x8  }
0x22d: {  	s10 =	ssub.s32 s0, s28  }
0x22e: {  	p2 =	slt.s32 s10, $0x1  }
.Ltmp11:
0x22f: {  	_ = 	snop;
	(pc) =	sbr.rel @p2 .LBB2_22-.Ltmp11, $1  }
0x230: {  	_ =	sdelay $0x3  }
0x231: {  	s26 =	sadd.s32 $0x1, s28  }
0x232: {  	p3 =	sne.s32 s0, s26  }
.Ltmp12:
0x233: {  	s1 =	sshll.u32 s1, $0x4;
	(pc) =	sbr.rel @!p3 .LBB2_16-.Ltmp12, $2  }
0x234: {  	v10 =	vor.u32 s1, v2;
	_ =	sdelay $0x2  }
0x235: {  	vm4 =	vle.s32 v9, s28;
	p2 =	por $0x0, $0x0;
	s28 =	sadd.s32 $0x10, s1  }
0x236: {  	s1 =	sadd.s32 $0x1, s26  }
0x237: {  	p3 =	sne.s32 s0, s1  }
.Ltmp13:
0x238: {  	vm2 =	vmmov vm4;
	(pc) =	sbr.rel @!p3 .LBB2_18-.Ltmp13, $2  }
0x239: {  	_ =	sdelay $0x2  }
0x23a: {  	v11 =	vor.u32 s28, v2;
	vm3 =	vle.s32 v9, s26;
	s26 =	sadd.s32 $0x10, s28;
	[tilespmem:v10+s18+$0x0] =	vst.idx.msk vm4, v4;
	p2 =	por $0x1, $0x1  }
.LBB2_19:
0x23b: {  	s10 =	smov.u32 s1;
	s1 =	sadd.s32 $0x1, s1  }
0x23c: {  	[tilespmem:v10+s19+$0x0] =	vst.idx.msk vm2, v5;
	v10 =	vmov v11;
	v11 =	vor.u32 s26, v2;
	vm2 =	vmmov vm3;
	p3 =	sne.s32 s0, s1  }
.Ltmp14:
0x23d: {  	(pc) =	sbr.rel @p3 .LBB2_19-.Ltmp14, $2  }
0x23e: {  	_ =	sdelay $0x2  }
0x23f: {  	s26 =	sadd.s32 $0x10, s26;
	[tilespmem:v10+s18+$0x0] =	vst.idx.msk vm3, v4;
	vm3 =	vle.s32 v9, s10  }
0x240: {  	v9 =	vmov v10;
	v10 =	vmov v11;
	vm4 =	vmmov vm3  }
.LBB2_21:
0x241: {  	_ =	sdelay $0x4  }
0x242: {  	[tilespmem:v9+s19+$0x0] =	vst.idx.msk @p2 vm2, v5  }
0x243: {  	[tilespmem:v10+s18+$0x0] =	vst.idx.msk vm4, v4  }
0x244: {  	vm3 =	vmmov vm4;
	[tilespmem:v10+s19+$0x0] =	vst.idx.msk vm4, v5  }
.LBB2_22:
.Ltmp15:
0x245: {  	(pc) =	sbr.rel @p1 .LBB2_23-.Ltmp15, $1  }
0x246: {  	_ =	sdelay $0x3  }
0x247: {  	v22 =	vld [tilespmem:$0x10600]  }
0x248: {  	v24 =	vld [tilespmem:$0x10610]  }
0x249: {  	v15 =	vld [tilespmem:$0x12680]  }
0x24a: {  	v16 =	vld [tilespmem:$0x12690];
	_ =	sdelay $0x2  }
0x24b: {  	v26 =	vld [tilespmem:$0x10620]  }
0x24c: {  	v14 =	vld [tilespmem:$0x126A0]  }
0x24d: {  	vm2 =	vlt.s32 v16, v15;
	vm3 =	veq.f32 v24, v22  }
0x24e: {  	vm4 =	vlt.f32 v24, v22;
	vm3 =	vmand vm2, vm3  }
0x24f: {  	v17 =	vld [tilespmem:$0x10630];
	vm3 =	vmor vm4, vm3  }
0x250: {  	v10 =	vld [tilespmem:$0x126B0];
	v9 =	vsel vm3, v24, v22;
	v12 =	vsel vm3, v16, v15  }
0x251: {  	vm3 =	veq.f32 v26, v9;
	vm4 =	vlt.s32 v14, v12  }
0x252: {  	vm5 =	vlt.f32 v26, v9;
	vm3 =	vmand vm3, vm4  }
0x253: {  	v18 =	vld [tilespmem:$0x10640];
	vm3 =	vmor vm5, vm3  }
0x254: {  	v11 =	vld [tilespmem:$0x126C0];
	v9 =	vsel vm3, v26, v9;
	v13 =	vsel vm3, v14, v12  }
0x255: {  	vm3 =	veq.f32 v17, v9;
	vm4 =	vlt.s32 v10, v13  }
0x256: {  	vm5 =	vlt.f32 v17, v9;
	vm3 =	vmand vm3, vm4  }
0x257: {  	v19 =	vld [tilespmem:$0x10650];
	vm3 =	vmor vm5, vm3  }
0x258: {  	v12 =	vld [tilespmem:$0x126D0];
	v9 =	vsel vm3, v17, v9;
	v21 =	vsel vm3, v10, v13  }
0x259: {  	vm3 =	veq.f32 v18, v9;
	vm4 =	vlt.s32 v11, v21  }
0x25a: {  	vm5 =	vlt.f32 v18, v9;
	vm3 =	vmand vm3, vm4  }
0x25b: {  	v20 =	vld [tilespmem:$0x10660];
	vm3 =	vmor vm5, vm3  }
0x25c: {  	v13 =	vld [tilespmem:$0x126E0];
	v23 =	vsel vm3, v18, v9;
	v25 =	vsel vm3, v11, v21  }
0x25d: {  	vm3 =	veq.f32 v19, v23;
	vm4 =	vlt.s32 v12, v25  }
0x25e: {  	vm5 =	vlt.f32 v19, v23;
	vm3 =	vmand vm3, vm4  }
0x25f: {  	v21 =	vld [tilespmem:$0x10670];
	vm3 =	vmor vm5, vm3  }
0x260: {  	v9 =	vld [tilespmem:$0x126F0];
	v23 =	vsel vm3, v19, v23;
	v25 =	vsel vm3, v12, v25  }
0x261: {  	vm3 =	veq.f32 v20, v23;
	vm4 =	vlt.s32 v13, v25  }
0x262: {  	vm5 =	vlt.f32 v20, v23;
	vm3 =	vmand vm3, vm4  }
0x263: {  	vm3 =	vmor vm5, vm3  }
0x264: {  	v23 =	vsel vm3, v20, v23;
	v25 =	vsel vm3, v13, v25  }
0x265: {  	vm3 =	veq.f32 v21, v23;
	vm4 =	vlt.s32 v9, v25  }
0x266: {  	vm5 =	vlt.f32 v21, v23;
	vm3 =	vmand vm3, vm4  }
0x267: {  	vm3 =	vmor vm5, vm3  }
0x268: {  	v23 =	vsel vm3, v21, v23  }
0x269: {  	(xrf0) =	vmin.scan.msk.f32 $0xffff, v23;
	_ =	sdelay $0x5  }
0x26a: {  	v27, _, _ =	vpop (xrf0)  }
0x26b: {  	v27 =	vbroadcast v27, $0xF  }
0x26c: {  	v25 =	vsel vm3, v9, v25  }
0x26d: {  	vm3 =	veq.f32 v23, v27;
	v23 =	vxor.u32 $0x80000000, v25  }
0x26e: {  	v23 =	vnsel vm3, $0xFFFFFFFF, v23  }
0x26f: {  	(xrf0) =	vmin.scan.msk.u32 $0xffff, v23;
	_ =	sdelay $0x5  }
0x270: {  	v23, _, _ =	vpop (xrf0)  }
0x271: {  	(v2sf) =	vpush v23, $0xF;
	_ =	sdelay $0xe  }
0x272: {  	s0 =	simm.s32 $0x0;
	s1 =	spop (v2sf)  }
0x273: {  	v25 =	vmov s0;
	s28 =	sxor.u32 $0x80000000, s1  }
0x274: {  	vm3 =	veq.s32 v15, s28;
	vm4 =	veq.s32 v16, s28;
	vm5 =	veq.s32 v14, s28  }
0x275: {  	v23 =	vsel vm3, $0x7F800000, v22;
	v24 =	vsel vm4, $0x7F800000, v24;
	v22 =	vsel vm5, $0x7F800000, v26  }
0x276: {  	s25 =	simm.s32 $0x1;
	s26 =	simm.s32 $0x2;
	vm4 =	veq.s32 v10, s28;
	vm3 =	vlt.f32 v24, v23;
	vm5 =	veq.f32 v24, v23  }
.LBB2_28:
0x277: {  	p1 =	seq.s32 s26, $0x1F;
	vm5 =	vmand vm2, vm5;
	v17 =	vsel vm4, $0x7F800000, v17;
	vm4 =	veq.s32 v11, s28  }
0x278: {  	vm3 =	vmor vm3, vm5;
	v18 =	vsel vm4, $0x7F800000, v18;
	vm4 =	veq.s32 v12, s28  }
0x279: {  	v26 =	vsel vm3, v24, v23;
	v27 =	vsel vm3, v16, v15;
	v19 =	vsel vm4, $0x7F800000, v19  }
0x27a: {  	v28 =	vmov s28;
	vm3 =	veq.f32 v22, v26;
	vm4 =	vlt.s32 v14, v27  }
0x27b: {  	vm5 =	vlt.f32 v22, v26;
	vm3 =	vmand vm3, vm4;
	[tilespmem:v25+s20+$0x0] =	vst.idx.msk $0x1, v28;
	vm4 =	veq.s32 v13, s28  }
0x27c: {  	vm3 =	vmor vm5, vm3;
	v20 =	vsel vm4, $0x7F800000, v20;
	vm4 =	veq.s32 v9, s28  }
0x27d: {  	v25 =	vsel vm3, v22, v26;
	v26 =	vsel vm3, v14, v27;
	v21 =	vsel vm4, $0x7F800000, v21  }
0x27e: {  	vm3 =	veq.f32 v17, v25;
	vm4 =	vlt.s32 v10, v26  }
0x27f: {  	vm5 =	vlt.f32 v17, v25;
	vm3 =	vmand vm3, vm4  }
0x280: {  	vm3 =	vmor vm5, vm3  }
0x281: {  	v25 =	vsel vm3, v17, v25;
	v26 =	vsel vm3, v10, v26  }
0x282: {  	vm3 =	veq.f32 v18, v25;
	vm4 =	vlt.s32 v11, v26  }
0x283: {  	vm5 =	vlt.f32 v18, v25;
	vm3 =	vmand vm3, vm4  }
0x284: {  	vm3 =	vmor vm5, vm3  }
0x285: {  	v25 =	vsel vm3, v18, v25;
	v26 =	vsel vm3, v11, v26  }
0x286: {  	vm3 =	veq.f32 v19, v25;
	vm4 =	vlt.s32 v12, v26  }
0x287: {  	vm5 =	vlt.f32 v19, v25;
	vm3 =	vmand vm3, vm4  }
0x288: {  	vm3 =	vmor vm5, vm3  }
0x289: {  	v25 =	vsel vm3, v19, v25;
	v26 =	vsel vm3, v12, v26  }
0x28a: {  	vm3 =	vlt.f32 v20, v25;
	vm4 =	veq.f32 v20, v25;
	vm5 =	vlt.s32 v13, v26  }
0x28b: {  	vm4 =	vmand vm4, vm5  }
0x28c: {  	vm3 =	vmor vm3, vm4  }
0x28d: {  	v25 =	vsel vm3, v20, v25;
	v26 =	vsel vm3, v13, v26  }
0x28e: {  	vm3 =	vlt.f32 v21, v25;
	vm4 =	veq.f32 v21, v25;
	vm5 =	vlt.s32 v9, v26  }
0x28f: {  	vm4 =	vmand vm4, vm5  }
0x290: {  	vm3 =	vmor vm3, vm4  }
0x291: {  	v25 =	vsel vm3, v21, v25;
	v26 =	vsel vm3, v9, v26  }
0x292: {  	(xrf0) =	vmin.scan.msk.f32 $0xffff, v25;
	_ =	sdelay $0x5  }
0x293: {  	v27, _, _ =	vpop (xrf0)  }
0x294: {  	v27 =	vbroadcast v27, $0xF;
	_ =	sdelay $0x1  }
0x295: {  	vm3 =	veq.f32 v25, v27;
	v25 =	vxor.u32 $0x80000000, v26  }
0x296: {  	v25 =	vnsel vm3, $0xFFFFFFFF, v25  }
0x297: {  	(xrf0) =	vmin.scan.msk.u32 $0xffff, v25;
	_ =	sdelay $0x5  }
0x298: {  	v25, _, _ =	vpop (xrf0)  }
0x299: {  	(v2sf) =	vpush v25, $0xF;
	_ =	sdelay $0xe  }
.Ltmp16:
0x29a: {  	s0 =	spop (v2sf);
	(pc) =	sbr.rel @!p1 .LBB2_28-.Ltmp16, $4  }
0x29b: {  	v25 =	vmov s25;
	s25 =	smov.u32 s26;
	s28 =	sxor.u32 $0x80000000, s0  }
0x29c: {  	vm3 =	veq.s32 v15, s28;
	vm4 =	veq.s32 v16, s28;
	vm5 =	veq.s32 v14, s28  }
0x29d: {  	v23 =	vsel vm3, $0x7F800000, v23;
	v24 =	vsel vm4, $0x7F800000, v24;
	v22 =	vsel vm5, $0x7F800000, v22  }
0x29e: {  	s26 =	sadd.s32 $0x1, s26;
	vm4 =	veq.s32 v10, s28;
	vm3 =	vlt.f32 v24, v23;
	vm5 =	veq.f32 v24, v23  }
0x29f: {  	vm2 =	vmand vm2, vm5  }
0x2a0: {  	vm2 =	vmor vm3, vm2  }
0x2a1: {  	v23 =	vsel vm2, v24, v23;
	v15 =	vsel vm2, v16, v15  }
0x2a2: {  	vm2 =	veq.f32 v22, v23;
	vm3 =	vlt.s32 v14, v15  }
0x2a3: {  	vm11 =	vlt.f32 v22, v23;
	vm2 =	vmand vm2, vm3  }
0x2a4: {  	vm2 =	vmor vm11, vm2  }
0x2a5: {  	v57 =	vsel vm4, $0x7F800000, v17;
	v58 =	vsel vm2, v22, v23;
	v59 =	vsel vm2, v14, v15  }
0x2a6: {  	vm2 =	veq.f32 v57, v58;
	vm3 =	vlt.s32 v10, v59  }
0x2a7: {  	vm4 =	vlt.f32 v57, v58;
	vm2 =	vmand vm2, vm3  }
0x2a8: {  	vm3 =	veq.s32 v11, s28;
	vm2 =	vmor vm4, vm2  }
0x2a9: {  	v60 =	vsel vm3, $0x7F800000, v18;
	v16 =	vsel vm2, v57, v58;
	v10 =	vsel vm2, v10, v59  }
0x2aa: {  	vm2 =	veq.f32 v60, v16;
	vm3 =	vlt.s32 v11, v10  }
0x2ab: {  	vm12 =	vlt.f32 v60, v16;
	vm2 =	vmand vm2, vm3  }
0x2ac: {  	vm3 =	veq.s32 v12, s28;
	vm2 =	vmor vm12, vm2  }
0x2ad: {  	v61 =	vsel vm3, $0x7F800000, v19;
	v15 =	vsel vm2, v60, v16;
	v10 =	vsel vm2, v11, v10  }
0x2ae: {  	vm2 =	veq.f32 v61, v15;
	vm3 =	vlt.s32 v12, v10  }
0x2af: {  	vm13 =	vlt.f32 v61, v15;
	vm2 =	vmand vm2, vm3  }
0x2b0: {  	vm3 =	veq.s32 v13, s28;
	vm2 =	vmor vm13, vm2  }
0x2b1: {  	v11 =	vsel vm3, $0x7F800000, v20;
	v14 =	vsel vm2, v61, v15;
	v10 =	vsel vm2, v12, v10  }
0x2b2: {  	vm2 =	veq.f32 v11, v14;
	vm3 =	vlt.s32 v13, v10  }
0x2b3: {  	vm14 =	vlt.f32 v11, v14;
	vm2 =	vmand vm2, vm3  }
0x2b4: {  	vm3 =	veq.s32 v9, s28;
	vm2 =	vmor vm14, vm2  }
0x2b5: {  	v62 =	vsel vm3, $0x7F800000, v21;
	v11 =	vsel vm2, v11, v14;
	v10 =	vsel vm2, v13, v10  }
0x2b6: {  	vm2 =	veq.f32 v62, v11;
	vm3 =	vlt.s32 v9, v10  }
0x2b7: {  	vm15 =	vlt.f32 v62, v11;
	vm2 =	vmand vm2, vm3  }
0x2b8: {  	vm2 =	vmor vm15, vm2  }
0x2b9: {  	v11 =	vsel vm2, v62, v11  }
0x2ba: {  	(xrf0) =	vmin.scan.msk.f32 $0xffff, v11;
	_ =	sdelay $0x5  }
0x2bb: {  	v63, _, _ =	vpop (xrf0)  }
0x2bc: {  	v12 =	vbroadcast v63, $0xF  }
0x2bd: {  	v9 =	vsel vm2, v9, v10  }
0x2be: {  	v9 =	vxor.u32 $0x80000000, v9;
	vm2 =	veq.f32 v11, v12  }
0x2bf: {  	v9 =	vnsel vm2, $0xFFFFFFFF, v9  }
0x2c0: {  	(xrf0) =	vmin.scan.msk.u32 $0xffff, v9;
	_ =	sdelay $0x5  }
0x2c1: {  	v9, _, _ =	vpop (xrf0)  }
0x2c2: {  	(v2sf) =	vpush v9, $0xF;
	_ =	sdelay $0xc  }
0x2c3: {  	v9 =	vmov s25  }
.Ltmp17:
0x2c4: {  	_ = 	snop;
	(pc) =	sbr.rel .LBB2_30-.Ltmp17, $4  }
0x2c5: {  	s0 =	spop (v2sf)  }
0x2c6: {  	v10 =	vmov s28;
	s0 =	sxor.u32 $0x80000000, s0  }
0x2c7: {  	[tilespmem:v25+s20+$0x0] =	vst.idx.msk $0x1, v10;
	v10 =	vmov s0  }
0x2c8: {  	[tilespmem:v9+s20+$0x0] =	vst.idx.msk $0x1, v10  }
.LBB2_23:
0x2c9: {  	s0 =	simm.s32 $0x0;
	s1 =	simm.f32 $-Inf;
	s26 =	simm.s32 $0xFFFFFFFF  }
.LBB2_24:
0x2ca: {  	s10 =	simm.s32 $0x10600  }
0x2cb: {  	v14 =	vmov s1;
	s1 =	simm.s32 $0x12680;
	p1 =	sne.s32 s25, $0x1;
	v12 =	vld [tilespmem:s10+$0x0]  }
.Ltmp18:
0x2cc: {  	v11 =	vld [tilespmem:s1+$0x0];
	(pc) =	sbr.rel @!p1 .LBB2_26-.Ltmp18, $3  }
0x2cd: {  	_ =	sdelay $0x1  }
0x2ce: {  	v13 =	vmov s26;
	v10 =	vimm.f32 $+Inf  }
0x2cf: {  	v9 =	vimm.s32 $0x7FFFFFFF;
	s26 =	sadd.s32 $0xFFFFFFFF, s25;
	s28 =	simm.s32 $0x10610;
	vm2 =	vgt.f32 v12, v14;
	vm3 =	veq.f32 v12, v14  }
.LBB2_25:
0x2d0: {  	v15 =	vld [tilespmem:s28+$0x0];
	vm4 =	vgt.s32 v11, v13;
	vm5 =	veq.f32 v12, v10;
	vm6 =	vlt.s32 v11, v9;
	s1 =	sadd.s32 $0x10, s1;
	v16 =	vmovc v11;
	p1 =	sne.s32 s26, $0x1  }
.Ltmp19:
0x2d1: {  	s26 =	sadd.s32 $0xFFFFFFFF, s26;
	v11 =	vld [tilespmem:s1+$0x0];
	vm3 =	vmand vm3, vm4;
	vm4 =	vlt.f32 v12, v10;
	vm5 =	vmand vm5, vm6;
	(pc) =	sbr.rel @p1 .LBB2_25-.Ltmp19, $4  }
0x2d2: {  	vm2 =	vmor vm2, vm3;
	vm3 =	vmor vm4, vm5  }
0x2d3: {  	vm2 =	vmand vm2, vm3  }
0x2d4: {  	v10 =	vsel vm2, v12, v10;
	v9 =	vsel vm2, v16, v9  }
0x2d5: {  	s28 =	sadd.s32 $0x10, s28;
	vm2 =	vgt.f32 v15, v14;
	vm3 =	veq.f32 v15, v14;
	v12 =	vmov v15  }
.LBB2_26:
0x2d6: {  	vm4 =	vgt.s32 v11, v13;
	vm5 =	veq.f32 v12, v10;
	vm6 =	vlt.s32 v11, v9  }
0x2d7: {  	vm15 =	vlt.f32 v12, v10;
	vm3 =	vmand vm3, vm4;
	vm5 =	vmand vm5, vm6  }
0x2d8: {  	vm2 =	vmor vm2, vm3;
	vm3 =	vmor vm15, vm5  }
0x2d9: {  	vm2 =	vmand vm2, vm3  }
0x2da: {  	v10 =	vsel vm2, v12, v10  }
0x2db: {  	(xrf0) =	vmin.scan.msk.f32 $0xffff, v10;
	_ =	sdelay $0x5  }
0x2dc: {  	v62, _, _ =	vpop (xrf0)  }
0x2dd: {  	v63 =	vbroadcast v62, $0xF  }
0x2de: {  	v9 =	vsel vm2, v11, v9  }
0x2df: {  	v9 =	vxor.u32 $0x80000000, v9;
	vm2 =	veq.f32 v10, v63  }
0x2e0: {  	v9 =	vnsel vm2, $0xFFFFFFFF, v9  }
0x2e1: {  	(xrf0) =	vmin.scan.msk.u32 $0xffff, v9;
	_ =	sdelay $0x5  }
0x2e2: {  	(v2sf) =	vpush v62, $0xF;
	v9, _, _ =	vpop (xrf0)  }
0x2e3: {  	(v2sf) =	vpush v9, $0xF;
	_ =	sdelay $0xb  }
0x2e4: {  	v9 =	vmov s0;
	s0 =	sadd.s32 $0x1, s0  }
0x2e5: {  	p1 =	sne.s32 s0, $0x20  }
.Ltmp20:
0x2e6: {  	s1 =	spop (v2sf);
	(pc) =	sbr.rel @p1 .LBB2_24-.Ltmp20, $4  }
.Ltmp21:
0x2e7: {  	s10 =	spop (v2sf);
	(pc) =	sbr.rel @!p1 .LBB2_30-.Ltmp21, $4  }
0x2e8: {  	s26 =	sxor.u32 $0x80000000, s10  }
0x2e9: {  	v10 =	vmov s26  }
0x2ea: {  	[tilespmem:v9+s20+$0x0] =	vst.idx.msk $0x1, v10  }
0x2eb: {  	_ = 	snop  }
.LBB2_16:
.Ltmp22:
0x2ec: {  	(pc) =	sbr.rel .LBB2_21-.Ltmp22, $2  }
0x2ed: {  	_ =	sdelay $0x2  }
0x2ee: {  	_ = 	snop  }
.LBB2_18:
.Ltmp23:
0x2ef: {  	(pc) =	sbr.rel .LBB2_21-.Ltmp23, $2  }
0x2f0: {  	_ =	sdelay $0x2  }
0x2f1: {  	v9 =	vmov v10;
	v10 =	vmov v11;
	vm4 =	vmmov vm3  }
.LBB2_32:
0x2f2: {  	_ =	sfence.sel $0x180000  }
0x2f3: {  	[bflag:$0x0] =	sbarrier.arrive $0xFFFF  }
0x2f4: {  	_ =	strace $0x90000047  }
0x2f5: {  	s0 =	stileid.u32;
	[bflag:$0x2] =	sbarrier.arrive $0xFFFF  }
0x2f6: {  	p0 =	sne.s32 s0, $0x0;
	s0 =	rddreg [dreg:$0x4]  }
0x2f7: {  	s0 =	sadd.s32 @!p0 $0x100000, s0  }
0x2f8: {  	[sflag:s0] =	ssyncadd.tile.s32 @!p0 $0x1;
	_ =	shalt  }
.Lfunc_end2:
_tile_overlayer_lowered:
.L_overlay_start_2:
0x2f9: {  	(tag) =	ssettag $0x2  }
0x2fa: {  	s0 =	rddreg [dreg:$0x0];
	s2 =	stileid.u32  }
0x2fb: {  	s1 =	rddreg [dreg:$0x1];
	p0 =	sne.s32 s2, $0x0  }
0x2fc: {  	s3 =	rddreg [dreg:$0x2];
	[bflag:$0x3] =	sbarrier.arrive $0xFFFF;
	s2 =	simm.s32 @!p0 $0x1C01  }
0x2fd: {  	[timem:s3], [sflag:s2] =	dma.local @!p0 [hbm:s0], s1  }
0x2fe: {  	s0 =	simm.s32 @!p0 $0x1  }
0x2ff: {  	_ =	swait.ge @!p0 [sflag:s0], s1  }
0x300: {  	s1 =	ssub.s32 @!p0 $0x0, s1;
	[sflag:s0] =	ssyncset.done @!p0 $0x0  }
0x301: {  	[sflag:s0] =	ssyncadd.s32 @!p0 s1  }
0x302: {  	[bflag:$0x3] =	sbarrier.arrive $0xFFFF  }
0x303: {  	_ =	shalt  }

</sc_bundles>
